<compile_context>
chip_gen: v7x
topology: tpu7x:2x2x1
jax: 0.10.2.dev20260603
libtpu: 0.0.44.dev20260713+nightly
codegen_flags: <defaults>
</compile_context>

<pallas_src>
import functools

import jax
import jax.numpy as jnp
from jax import lax
from jax.experimental import pallas as pl
from jax.experimental.pallas import tpu as pltpu
from jax.experimental.pallas import tpu_sc as plsc

_GROUP_NUM = 1024
_K = 32

import numpy as np

_BIGF = np.float32(3.0e38)
_BIGI = np.int32(1 << 30)


def _fps_body(ns, xt_ref, sel_ref, q_ref):
    x = xt_ref[0]
    y = xt_ref[1]
    z = xt_ref[2]
    R, N = x.shape
    iota_p = lax.broadcasted_iota(jnp.int32, (R, N), 1)
    iota_s = lax.broadcasted_iota(jnp.int32, (R, ns), 1)

    d0 = (x * x + y * y) + z * z
    m0 = jnp.max(d0, axis=1, keepdims=True)
    cur0 = jnp.min(jnp.where(d0 == m0, iota_p, _BIGI), axis=1, keepdims=True)

    def body(s, state):
        sel_acc, qx, qy, qz, mind, cur = state
        sel_acc = jnp.where(iota_s == s, cur, sel_acc)
        oh = iota_p == cur
        cx = jnp.sum(jnp.where(oh, x, 0.0), axis=1, keepdims=True)
        cy = jnp.sum(jnp.where(oh, y, 0.0), axis=1, keepdims=True)
        cz = jnp.sum(jnp.where(oh, z, 0.0), axis=1, keepdims=True)
        at_s = iota_s == s
        qx = jnp.where(at_s, cx, qx)
        qy = jnp.where(at_s, cy, qy)
        qz = jnp.where(at_s, cz, qz)
        dx = x - cx
        dy = y - cy
        dz = z - cz
        sq = (dx * dx + dy * dy) + dz * dz
        mind = jnp.minimum(mind, sq)
        mmax = jnp.max(mind, axis=1, keepdims=True)
        cur = jnp.min(jnp.where(mind == mmax, iota_p, _BIGI), axis=1,
                      keepdims=True)
        return sel_acc, qx, qy, qz, mind, cur

    sel0 = jnp.zeros((R, ns), jnp.int32)
    q0 = jnp.zeros((R, ns), jnp.float32)
    mind0 = jnp.full((R, N), 1e10, jnp.float32)
    sel_acc, qx, qy, qz, _, _ = lax.fori_loop(
        0, ns, body, (sel0, q0, q0, q0, mind0, cur0))
    sel_ref[...] = sel_acc
    q_ref[0] = qx
    q_ref[1] = qy
    q_ref[2] = qz


def _run_fps(xt, ns):
    R = xt.shape[1]
    return pl.pallas_call(
        functools.partial(_fps_body, ns),
        out_shape=[
            jax.ShapeDtypeStruct((R, ns), jnp.int32),
            jax.ShapeDtypeStruct((3, R, ns), jnp.float32),
        ],
    )(xt)


def _knn_body(k, q_ref, pt_ref, nn_ref, qp_ref, ppt_ref, ds_ref):
    q3 = q_ref[0, 0]
    S = q3.shape[0]
    px = pt_ref[0, 0:1, :]
    py = pt_ref[0, 1:2, :]
    pz = pt_ref[0, 2:3, :]
    N = px.shape[1]
    RG = 128 if S % 128 == 0 else 8
    G = S // RG

    qp_ref[...] = jnp.zeros_like(qp_ref)
    ppt_ref[...] = jnp.zeros_like(ppt_ref)
    qp_ref[:, 0:3] = q3
    ppt_ref[0:3, :] = pt_ref[0]

    g = lax.dot_general(qp_ref[...], ppt_ref[...],
                        (((1,), (0,)), ((), ())),
                        preferred_element_type=jnp.float32)
    qs = jnp.sum(q3 * q3, axis=1, keepdims=True)
    ps = (px * px + py * py) + pz * pz
    d = jnp.maximum((qs + ps) - 2.0 * g, 0.0)
    ds_ref[...] = d.reshape(G, RG, N)

    iota_p = lax.broadcasted_iota(jnp.int32, (RG, N), 1)
    iota_k = lax.broadcasted_iota(jnp.int32, (RG, k), 1)

    def group(gi, _):
        db = ds_ref[gi]
        acc = jnp.zeros((RG, k), jnp.int32)
        for kk in range(k):
            m = jnp.min(db, axis=1, keepdims=True)
            cand = jnp.where(db == m, iota_p, _BIGI)
            idx = jnp.min(cand, axis=1, keepdims=True)
            db = jnp.where(cand == idx, _BIGF, db)
            acc = jnp.where(iota_k == kk, idx, acc)
        nn_ref[0, gi] = acc
        return 0

    lax.fori_loop(0, G, group, 0)


def _run_knn(q, pt, k):
    R, S = q.shape[0], q.shape[1]
    N = pt.shape[2]
    RG = 128 if S % 128 == 0 else 8
    G = S // RG
    out = pl.pallas_call(
        functools.partial(_knn_body, k),
        grid=(R,),
        in_specs=[
            pl.BlockSpec((1, 1, S, 3), lambda g: (g, 0, 0, 0)),
            pl.BlockSpec((1, 3, N), lambda g: (g, 0, 0)),
        ],
        out_specs=pl.BlockSpec((1, G, RG, k), lambda g: (g, 0, 0, 0)),
        out_shape=jax.ShapeDtypeStruct((R, G, RG, k), jnp.int32),
        scratch_shapes=[
            pltpu.VMEM((S, 128), jnp.float32),
            pltpu.VMEM((128, N), jnp.float32),
            pltpu.VMEM((G, RG, N), jnp.float32),
        ],
        compiler_params=pltpu.CompilerParams(
            dimension_semantics=("arbitrary",)),
    )(q.reshape(R, 1, S, 3), pt)
    return out.reshape(R, S, k)


def _sc_gather(featf, xyzflat, idx):
    info = plsc.get_sparse_core_info()
    nw = info.num_cores * info.num_subcores
    rws = idx.shape[0]
    per_w = rws // nw
    chunk = 128 if per_w >= 128 else per_w
    n_chunks = per_w // chunk
    fd = featf.shape[1]
    with_xyz = xyzflat is not None
    out_fd = fd + 3 if with_xyz else fd
    mesh = plsc.VectorSubcoreMesh(core_axis_name="c", subcore_axis_name="s")

    out_type = [jax.ShapeDtypeStruct((rws, out_fd), jnp.float32)]
    scratch = [
        pltpu.VMEM((chunk,), jnp.int32),
        pltpu.VMEM((chunk, fd), jnp.float32),
        pltpu.SemaphoreType.DMA,
    ]
    if with_xyz:
        for _ in range(3):
            out_type.append(jax.ShapeDtypeStruct((rws,), jnp.float32))
        scratch.append(pltpu.VMEM((chunk,), jnp.int32))
        scratch.append(pltpu.VMEM((chunk,), jnp.float32))

    @functools.partial(pl.kernel, mesh=mesh, out_type=out_type,
                       scratch_types=scratch)
    def gather_k(*refs):
        if with_xyz:
            (feat_hbm, xyz_hbm, idx_hbm, feat_out, xo0, xo1, xo2,
             idx_v, fbuf, sem, idxb, xbuf) = refs
            xyz_out = (xo0, xo1, xo2)
        else:
            feat_hbm, idx_hbm, feat_out, idx_v, fbuf, sem = refs
        wid = lax.axis_index("s") * info.num_cores + lax.axis_index("c")
        base = wid * per_w

        def body(i, _):
            row0 = base + i * chunk
            pltpu.sync_copy(idx_hbm.at[pl.ds(row0, chunk)], idx_v)
            pltpu.async_copy(feat_hbm.at[idx_v], fbuf, sem).wait()
            if with_xyz:
                pltpu.sync_copy(
                    fbuf, feat_out.at[pl.ds(row0, chunk), pl.ds(0, fd)])
            else:
                pltpu.sync_copy(fbuf, feat_out.at[pl.ds(row0, chunk)])
            if with_xyz:
                for c in range(3):
                    for j in range(chunk // 16):
                        sl = pl.ds(j * 16, 16)
                        idxb[sl] = idx_v[sl] * 3 + c
                    pltpu.async_copy(xyz_hbm.at[idxb], xbuf, sem).wait()
                    pltpu.sync_copy(xbuf, xyz_out[c].at[pl.ds(row0, chunk)])
            return 0

        lax.fori_loop(0, n_chunks, body, 0)

    return gather_k(*((featf, xyzflat, idx) if with_xyz else (featf, idx)))


def kernel(xyz, feat):
    B, N, _ = xyz.shape
    half = N // 2
    C = feat.shape[2]
    ns = min(_GROUP_NUM // 2, max(1, half))
    R = 2 * B

    xh = jnp.concatenate([xyz[:, :half], xyz[:, half:]], axis=0)
    xt = xh.transpose(2, 0, 1)
    sel, qxyz = _run_fps(xt, ns)

    boff = (jnp.arange(B, dtype=jnp.int32) * N)[:, None, None]
    doff = (jnp.arange(2, dtype=jnp.int32) * half)[None, :, None]
    sel_bd = sel.reshape(2, B, ns).transpose(1, 0, 2)
    lc_idx = (sel_bd + boff + doff).reshape(-1)

    featf = feat.reshape(B * N, C)
    (lc_feat_flat,) = _sc_gather(featf, None, lc_idx)

    q = qxyz.transpose(1, 2, 0)
    pt_other = jnp.concatenate([xyz[:, half:], xyz[:, :half]], axis=0) \
        .transpose(0, 2, 1)
    nn = _run_knn(q, pt_other, _K)

    nn_bd = nn.reshape(2, B, ns, _K).transpose(1, 0, 2, 3)
    other_off = (jnp.arange(2, dtype=jnp.int32)[::-1] * half)[None, :, None,
                                                              None]
    nn_idx = (nn_bd + boff[..., None] + other_off).reshape(-1)
    grp_feat_flat, gx, gy, gz = _sc_gather(featf, xyz.reshape(-1), nn_idx)

    lc_xyz = q.reshape(2, B, ns, 3).transpose(1, 0, 2, 3).reshape(B, 2 * ns, 3)
    lc_feat = lc_feat_flat.reshape(B, 2 * ns, C)
    knn_xyz = jnp.stack([gx, gy, gz], axis=-1).reshape(B, 2 * ns, _K, 3)
    knn_feat = lax.dynamic_update_slice(
        grp_feat_flat.reshape(B, 2 * ns, _K, C + 3), knn_xyz, (0, 0, 0, C))
    return (lc_xyz, lc_feat, knn_xyz, knn_feat)

# --- scband reference (transcript-rebuilt; emitter-appended) ---
"""Pipeline reference for scband-interface-group-module-43800076485390 (READ-ONLY COPY).

The authoritative reference and input builder live on the scoring server;
editing this copy changes nothing except your own understanding.
"""

import jax, jax.numpy as jnp
import numpy as np

GROUP_NUM = 1024
K = 32


def fps(xyz, n_samples):
    B, N, _ = xyz.shape
    cur0 = jnp.argmax(jnp.sum(xyz * xyz, axis=-1), axis=1).astype(jnp.int32)
    selected0 = jnp.zeros((B, n_samples), dtype=jnp.int32)
    min0 = jnp.full((B, N), 1e10, dtype=xyz.dtype)

    def body(s, state):
        selected, min_dists, cur = state
        selected = selected.at[:, s].set(cur)
        centroid = jnp.take_along_axis(xyz, cur[:, None, None], axis=1)
        sq_d = jnp.sum((xyz - centroid) ** 2, axis=-1)
        min_dists = jnp.minimum(min_dists, sq_d)
        cur = jnp.argmax(min_dists, axis=1).astype(jnp.int32)
        return (selected, min_dists, cur)

    selected, _, _ = jax.lax.fori_loop(0, n_samples, body, (selected0, min0, cur0))
    return selected


def gather_by_index(points, idx):
    B = points.shape[0]
    flat = idx.reshape(B, -1)
    g = jnp.take_along_axis(points, flat[:, :, None], axis=1)
    return g.reshape(idx.shape + (points.shape[-1],))


def pairwise_sq_dist(a, b):
    a_sq = jnp.sum(a * a, axis=-1, keepdims=True)
    b_sq = jnp.sum(b * b, axis=-1, keepdims=True)
    ab = jnp.einsum('bnc,bmc->bnm', a, b)
    return jnp.clip(a_sq + jnp.swapaxes(b_sq, 1, 2) - 2.0 * ab, 0.0, None)


def knn_query(k, ref_xyz, query_xyz):
    dists = pairwise_sq_dist(query_xyz, ref_xyz)
    _, idx = jax.lax.top_k(-dists, k)
    return idx


def setup_inputs(seed: int = 0):
    key = jax.random.key(seed)
    k1, k2 = jax.random.split(key)
    xyz = jax.random.normal(k1, (4, 8192, 3), dtype=jnp.float32)
    feat = jax.random.normal(k2, (4, 8192, 256), dtype=jnp.float32)
    return {"xyz": xyz, "feat": feat}


def reference(xyz, feat):
    B, N, _ = xyz.shape
    half = N // 2
    xyz_r, xyz_l = xyz[:, :half], xyz[:, half:]
    feat_r, feat_l = feat[:, :half], feat[:, half:]
    N_r, N_l = half, N - half
    r_num = min(GROUP_NUM // 2, max(1, N_r))
    l_num = min(GROUP_NUM // 2, max(1, N_l))
    # deterministic FPS (eval-mode behaviour: start from point farthest from origin)
    idx_r = fps(xyz_r, r_num)
    idx_l = fps(xyz_l, l_num)
    new_xyz_r = gather_by_index(xyz_r, idx_r)
    new_feat_r = gather_by_index(feat_r, idx_r)
    new_xyz_l = gather_by_index(xyz_l, idx_l)
    new_feat_l = gather_by_index(feat_l, idx_l)
    lc_xyz = jnp.concatenate([new_xyz_r, new_xyz_l], axis=1)
    lc_feat = jnp.concatenate([new_feat_r, new_feat_l], axis=1)
    nn_idx_rl = knn_query(K, xyz_l, new_xyz_r)
    grp_xyz_r = gather_by_index(xyz_l, nn_idx_rl)
    grp_feat_r = gather_by_index(feat_l, nn_idx_rl)
    nn_idx_lr = knn_query(K, xyz_r, new_xyz_l)
    grp_xyz_l = gather_by_index(xyz_r, nn_idx_lr)
    grp_feat_l = gather_by_index(feat_r, nn_idx_lr)
    grp_feat_r = jnp.concatenate([grp_feat_r, grp_xyz_r], axis=-1)
    grp_feat_l = jnp.concatenate([grp_feat_l, grp_xyz_l], axis=-1)
    knn_xyz = jnp.concatenate([grp_xyz_r, grp_xyz_l], axis=1)
    knn_feat = jnp.concatenate([grp_feat_r, grp_feat_l], axis=1)
    return (lc_xyz, lc_feat, knn_xyz, knn_feat)

if __name__ == "__main__":
    import jax
    _d = setup_inputs()
    print(jax.jit(kernel)(*tuple(_d.values())))

</pallas_src>

<mosaic_0001>
#map = affine_map<(d0, d1) -> (0, 0)>
#map1 = affine_map<(d0, d1) -> (0)>
module attributes {stable_mosaic.version = 14 : i64} {
  func.func @gather_k(%arg0: i32, %arg1: i32, %arg2: memref<32768x256xf32, #tpu.memory_space<hbm>>, %arg3: memref<4096xi32, #tpu.memory_space<hbm>>, %arg4: memref<4096x256xf32, #tpu.memory_space<hbm>>, %arg5: memref<128xi32, #tpu.memory_space<vmem>>, %arg6: memref<128x256xf32, #tpu.memory_space<vmem>>, %arg7: memref<!tpu.dma_semaphore, #tpu.memory_space<semaphore_mem>>) attributes {dimension_semantics = [#tpu.dimension_semantics<core_parallel>, #tpu.dimension_semantics<subcore_parallel>], iteration_bounds = array<i64: 2, 16>, scalar_prefetch = 0 : i64, scratch_operands = 3 : i64, tpu.core_type = #tpu.core_type<sc_vector_subcore>, window_params = [{transform_indices = #map}, {transform_indices = #map1}, {transform_indices = #map}]} {
    %mul3A = arith.constant 2 : i32
    %mul3A_0 = arith.muli %arg1, %mul3A : i32
    %add3A = arith.addi %mul3A_0, %arg0 : i32
    %mul3A_1 = arith.constant 128 : i32
    %mul3A_2 = arith.muli %add3A, %mul3A_1 : i32
    %scan3A = arith.constant 0 : i32
    %scan3A_3 = arith.constant 0 : i32
    %mul3A_4 = arith.constant 128 : i32
    %mul3A_5 = arith.muli %scan3A_3, %mul3A_4 : i32
    %add3A_6 = arith.addi %mul3A_2, %mul3A_5 : i32
    "tpu.region"() ({
      %run_scoped3A = tpu.sem_alloc : memref<!tpu.dma_semaphore, #tpu.memory_space<semaphore_mem>>
      %dma_start3A_13 = tpu.memref_slice %arg3[%add3A_6] : memref<4096xi32, #tpu.memory_space<hbm>> -> memref<128xi32, #tpu.memory_space<hbm>>
      %dma_start3A_14 = tpu.memref_slice %arg3[%add3A_6] : memref<4096xi32, #tpu.memory_space<hbm>> -> memref<128xi32, #tpu.memory_space<hbm>>
      tpu.enqueue_dma source(%dma_start3A_14 : memref<128xi32, #tpu.memory_space<hbm>>) target(%arg5 : memref<128xi32, #tpu.memory_space<vmem>>) target_semaphore(%run_scoped3A : memref<!tpu.dma_semaphore, #tpu.memory_space<semaphore_mem>>)
      %dma_wait3A_15 = tpu.memref_slice %arg3[%add3A_6] : memref<4096xi32, #tpu.memory_space<hbm>> -> memref<128xi32, #tpu.memory_space<hbm>>
      %dma_wait3A_16 = tpu.memref_slice %arg3[%add3A_6] : memref<4096xi32, #tpu.memory_space<hbm>> -> memref<128xi32, #tpu.memory_space<hbm>>
      tpu.wait_dma2 semaphore(%run_scoped3A : memref<!tpu.dma_semaphore, #tpu.memory_space<semaphore_mem>>) src(%dma_wait3A_16 : memref<128xi32, #tpu.memory_space<hbm>>) dst(%arg5 : memref<128xi32, #tpu.memory_space<vmem>>)
      tpu.yield
    }) : () -> ()
    %dma_start3A = arith.constant 0 : i32
    %dma_start3A_7 = arith.constant 0 : i32
    %dma_start3A_8 = tpu.memref_slice %arg2[%dma_start3A, %dma_start3A_7] : memref<32768x256xf32, #tpu.memory_space<hbm>> -> memref<32768x256xf32, #tpu.memory_space<hbm>>
    tpu.enqueue_indirect_dma source(%dma_start3A_8 : memref<32768x256xf32, #tpu.memory_space<hbm>>) target(%arg6 : memref<128x256xf32, #tpu.memory_space<vmem>>) offsets(%arg5 : memref<128xi32, #tpu.memory_space<vmem>>) semaphore(%arg7 : memref<!tpu.dma_semaphore, #tpu.memory_space<semaphore_mem>>)
    %dma_wait3A = arith.constant 0 : i32
    %dma_wait3A_9 = arith.constant 0 : i32
    %dma_wait3A_10 = tpu.memref_slice %arg2[%dma_wait3A, %dma_wait3A_9] : memref<32768x256xf32, #tpu.memory_space<hbm>> -> memref<32768x256xf32, #tpu.memory_space<hbm>>
    tpu.wait_indirect_dma semaphore(%arg7 : memref<!tpu.dma_semaphore, #tpu.memory_space<semaphore_mem>>) src(%dma_wait3A_10 : memref<32768x256xf32, #tpu.memory_space<hbm>>) dst(%arg6 : memref<128x256xf32, #tpu.memory_space<vmem>>)
    "tpu.region"() ({
      %run_scoped3A = tpu.sem_alloc : memref<!tpu.dma_semaphore, #tpu.memory_space<semaphore_mem>>
      %dma_start3A_13 = arith.constant 0 : i32
      %dma_start3A_14 = tpu.memref_slice %arg4[%add3A_6, %dma_start3A_13] : memref<4096x256xf32, #tpu.memory_space<hbm>> -> memref<128x256xf32, #tpu.memory_space<hbm>>
      %dma_start3A_15 = arith.constant 0 : i32
      %dma_start3A_16 = tpu.memref_slice %arg4[%add3A_6, %dma_start3A_15] : memref<4096x256xf32, #tpu.memory_space<hbm>> -> memref<128x256xf32, #tpu.memory_space<hbm>>
      tpu.enqueue_dma source(%arg6 : memref<128x256xf32, #tpu.memory_space<vmem>>) target(%dma_start3A_16 : memref<128x256xf32, #tpu.memory_space<hbm>>) target_semaphore(%run_scoped3A : memref<!tpu.dma_semaphore, #tpu.memory_space<semaphore_mem>>)
      %dma_wait3A_17 = arith.constant 0 : i32
      %dma_wait3A_18 = tpu.memref_slice %arg4[%add3A_6, %dma_wait3A_17] : memref<4096x256xf32, #tpu.memory_space<hbm>> -> memref<128x256xf32, #tpu.memory_space<hbm>>
      %dma_wait3A_19 = arith.constant 0 : i32
      %dma_wait3A_20 = tpu.memref_slice %arg4[%add3A_6, %dma_wait3A_19] : memref<4096x256xf32, #tpu.memory_space<hbm>> -> memref<128x256xf32, #tpu.memory_space<hbm>>
      tpu.wait_dma2 semaphore(%run_scoped3A : memref<!tpu.dma_semaphore, #tpu.memory_space<semaphore_mem>>) src(%arg6 : memref<128x256xf32, #tpu.memory_space<vmem>>) dst(%dma_wait3A_20 : memref<128x256xf32, #tpu.memory_space<hbm>>)
      tpu.yield
    }) : () -> ()
    %scan3A_11 = arith.constant 0 : i32
    %scan3A_12 = arith.constant 1 : i32
    return
  }
}

#map = affine_map<(d0, d1) -> (0, 0)>
#map1 = affine_map<(d0, d1) -> (0)>
module attributes {stable_mosaic.version = 14 : i64} {
  func.func @gather_k(%arg0: i32, %arg1: i32, %arg2: memref<32768x256xf32, #tpu.memory_space<hbm>>, %arg3: memref<98304xf32, #tpu.memory_space<hbm>>, %arg4: memref<131072xi32, #tpu.memory_space<hbm>>, %arg5: memref<131072x259xf32, #tpu.memory_space<hbm>>, %arg6: memref<131072xf32, #tpu.memory_space<hbm>>, %arg7: memref<131072xf32, #tpu.memory_space<hbm>>, %arg8: memref<131072xf32, #tpu.memory_space<hbm>>, %arg9: memref<128xi32, #tpu.memory_space<vmem>>, %arg10: memref<128x256xf32, #tpu.memory_space<vmem>>, %arg11: memref<!tpu.dma_semaphore, #tpu.memory_space<semaphore_mem>>, %arg12: memref<128xi32, #tpu.memory_space<vmem>>, %arg13: memref<128xf32, #tpu.memory_space<vmem>>) attributes {dimension_semantics = [#tpu.dimension_semantics<core_parallel>, #tpu.dimension_semantics<subcore_parallel>], iteration_bounds = array<i64: 2, 16>, scalar_prefetch = 0 : i64, scratch_operands = 5 : i64, tpu.core_type = #tpu.core_type<sc_vector_subcore>, window_params = [{transform_indices = #map}, {transform_indices = #map1}, {transform_indices = #map1}, {transform_indices = #map}, {transform_indices = #map1}, {transform_indices = #map1}, {transform_indices = #map1}]} {
    %mul3A = arith.constant 2 : i32
    %mul3A_0 = arith.muli %arg1, %mul3A : i32
    %add3A = arith.addi %mul3A_0, %arg0 : i32
    %mul3A_1 = arith.constant 4096 : i32
    %mul3A_2 = arith.muli %add3A, %mul3A_1 : i32
    %scan3A = arith.constant 0 : i32
    %scan3A_3 = arith.constant 0 : i32
    %scan3A_4 = arith.constant 32 : i32
    %scan3A_5 = arith.addi %scan3A_3, %scan3A_4 : i32
    %scan3A_6 = arith.constant 1 : i32
    %scan3A_7 = scf.for %scan3A_9 = %scan3A_3 to %scan3A_5 step %scan3A_6 iter_args(%scan3A_10 = %scan3A) -> (i32)  : i32 {
      %mul3A_11 = arith.constant 128 : i32
      %mul3A_12 = arith.muli %scan3A_9, %mul3A_11 : i32
      %add3A_13 = arith.addi %mul3A_2, %mul3A_12 : i32
      "tpu.region"() ({
        %run_scoped3A = tpu.sem_alloc : memref<!tpu.dma_semaphore, #tpu.memory_space<semaphore_mem>>
        %dma_start3A_341 = tpu.memref_slice %arg4[%add3A_13] : memref<131072xi32, #tpu.memory_space<hbm>> -> memref<128xi32, #tpu.memory_space<hbm>>
        %dma_start3A_342 = tpu.memref_slice %arg4[%add3A_13] : memref<131072xi32, #tpu.memory_space<hbm>> -> memref<128xi32, #tpu.memory_space<hbm>>
        tpu.enqueue_dma source(%dma_start3A_342 : memref<128xi32, #tpu.memory_space<hbm>>) target(%arg9 : memref<128xi32, #tpu.memory_space<vmem>>) target_semaphore(%run_scoped3A : memref<!tpu.dma_semaphore, #tpu.memory_space<semaphore_mem>>)
        %dma_wait3A_343 = tpu.memref_slice %arg4[%add3A_13] : memref<131072xi32, #tpu.memory_space<hbm>> -> memref<128xi32, #tpu.memory_space<hbm>>
        %dma_wait3A_344 = tpu.memref_slice %arg4[%add3A_13] : memref<131072xi32, #tpu.memory_space<hbm>> -> memref<128xi32, #tpu.memory_space<hbm>>
        tpu.wait_dma2 semaphore(%run_scoped3A : memref<!tpu.dma_semaphore, #tpu.memory_space<semaphore_mem>>) src(%dma_wait3A_344 : memref<128xi32, #tpu.memory_space<hbm>>) dst(%arg9 : memref<128xi32, #tpu.memory_space<vmem>>)
        tpu.yield
      }) : () -> ()
      %dma_start3A = arith.constant 0 : i32
      %dma_start3A_14 = arith.constant 0 : i32
      %dma_start3A_15 = tpu.memref_slice %arg2[%dma_start3A, %dma_start3A_14] : memref<32768x256xf32, #tpu.memory_space<hbm>> -> memref<32768x256xf32, #tpu.memory_space<hbm>>
      tpu.enqueue_indirect_dma source(%dma_start3A_15 : memref<32768x256xf32, #tpu.memory_space<hbm>>) target(%arg10 : memref<128x256xf32, #tpu.memory_space<vmem>>) offsets(%arg9 : memref<128xi32, #tpu.memory_space<vmem>>) semaphore(%arg11 : memref<!tpu.dma_semaphore, #tpu.memory_space<semaphore_mem>>)
      %dma_wait3A = arith.constant 0 : i32
      %dma_wait3A_16 = arith.constant 0 : i32
      %dma_wait3A_17 = tpu.memref_slice %arg2[%dma_wait3A, %dma_wait3A_16] : memref<32768x256xf32, #tpu.memory_space<hbm>> -> memref<32768x256xf32, #tpu.memory_space<hbm>>
      tpu.wait_indirect_dma semaphore(%arg11 : memref<!tpu.dma_semaphore, #tpu.memory_space<semaphore_mem>>) src(%dma_wait3A_17 : memref<32768x256xf32, #tpu.memory_space<hbm>>) dst(%arg10 : memref<128x256xf32, #tpu.memory_space<vmem>>)
      "tpu.region"() ({
        %run_scoped3A = tpu.sem_alloc : memref<!tpu.dma_semaphore, #tpu.memory_space<semaphore_mem>>
        %dma_start3A_341 = arith.constant 0 : i32
        %dma_start3A_342 = tpu.memref_slice %arg5[%add3A_13, %dma_start3A_341] : memref<131072x259xf32, #tpu.memory_space<hbm>> -> memref<128x256xf32, #tpu.memory_space<hbm>>
        %dma_start3A_343 = arith.constant 0 : i32
        %dma_start3A_344 = tpu.memref_slice %arg5[%add3A_13, %dma_start3A_343] : memref<131072x259xf32, #tpu.memory_space<hbm>> -> memref<128x256xf32, #tpu.memory_space<hbm>>
        tpu.enqueue_dma source(%arg10 : memref<128x256xf32, #tpu.memory_space<vmem>>) target(%dma_start3A_344 : memref<128x256xf32, #tpu.memory_space<hbm>>) target_semaphore(%run_scoped3A : memref<!tpu.dma_semaphore, #tpu.memory_space<semaphore_mem>>)
        %dma_wait3A_345 = arith.constant 0 : i32
        %dma_wait3A_346 = tpu.memref_slice %arg5[%add3A_13, %dma_wait3A_345] : memref<131072x259xf32, #tpu.memory_space<hbm>> -> memref<128x256xf32, #tpu.memory_space<hbm>>
        %dma_wait3A_347 = arith.constant 0 : i32
        %dma_wait3A_348 = tpu.memref_slice %arg5[%add3A_13, %dma_wait3A_347] : memref<131072x259xf32, #tpu.memory_space<hbm>> -> memref<128x256xf32, #tpu.memory_space<hbm>>
        tpu.wait_dma2 semaphore(%run_scoped3A : memref<!tpu.dma_semaphore, #tpu.memory_space<semaphore_mem>>) src(%arg10 : memref<128x256xf32, #tpu.memory_space<vmem>>) dst(%dma_wait3A_348 : memref<128x256xf32, #tpu.memory_space<hbm>>)
        tpu.yield
      }) : () -> ()
      %get3A = arith.constant 0 : index
      %get3A_18 = tpu.vector_load %arg9[%get3A] {strides = array<i32>} : memref<128xi32, #tpu.memory_space<vmem>>, vector<16xi32>,
      %get3A_19 = vector.shape_cast %get3A_18 : vector<16xi32> to vector<16xi32>
      %mul3A_20 = arith.constant 3 : i32
      %mul3A_21 = vector.broadcast %mul3A_20 : i32 to vector<16xi32>
      %mul3A_22 = arith.muli %get3A_19, %mul3A_21 : vector<16xi32>
      %add3A_23 = arith.constant 0 : i32
      %add3A_24 = vector.broadcast %add3A_23 : i32 to vector<16xi32>
      %add3A_25 = arith.addi %mul3A_22, %add3A_24 : vector<16xi32>
      %swap3A = arith.constant 0 : index
      %swap3A_26 = tpu.vector_load %arg12[%swap3A] {strides = array<i32>} : memref<128xi32, #tpu.memory_space<vmem>>, vector<16xi32>,
      %swap3A_27 = vector.shape_cast %swap3A_26 : vector<16xi32> to vector<16xi32>
      %swap3A_28 = vector.shape_cast %add3A_25 : vector<16xi32> to vector<16xi32>
      tpu.vector_store %arg12[%swap3A], %swap3A_28 {strides = array<i32>} : memref<128xi32, #tpu.memory_space<vmem>>, vector<16xi32>,
      %get3A_29 = arith.constant 16 : index
      %get3A_30 = tpu.vector_load %arg9[%get3A_29] {strides = array<i32>} : memref<128xi32, #tpu.memory_space<vmem>>, vector<16xi32>,
      %get3A_31 = vector.shape_cast %get3A_30 : vector<16xi32> to vector<16xi32>
      %mul3A_32 = arith.constant 3 : i32
      %mul3A_33 = vector.broadcast %mul3A_32 : i32 to vector<16xi32>
      %mul3A_34 = arith.muli %get3A_31, %mul3A_33 : vector<16xi32>
      %add3A_35 = arith.constant 0 : i32
      %add3A_36 = vector.broadcast %add3A_35 : i32 to vector<16xi32>
      %add3A_37 = arith.addi %mul3A_34, %add3A_36 : vector<16xi32>
      %swap3A_38 = arith.constant 16 : index
      %swap3A_39 = tpu.vector_load %arg12[%swap3A_38] {strides = array<i32>} : memref<128xi32, #tpu.memory_space<vmem>>, vector<16xi32>,
      %swap3A_40 = vector.shape_cast %swap3A_39 : vector<16xi32> to vector<16xi32>
      %swap3A_41 = vector.shape_cast %add3A_37 : vector<16xi32> to vector<16xi32>
      tpu.vector_store %arg12[%swap3A_38], %swap3A_41 {strides = array<i32>} : memref<128xi32, #tpu.memory_space<vmem>>, vector<16xi32>,
      %get3A_42 = arith.constant 32 : index
      %get3A_43 = tpu.vector_load %arg9[%get3A_42] {strides = array<i32>} : memref<128xi32, #tpu.memory_space<vmem>>, vector<16xi32>,
      %get3A_44 = vector.shape_cast %get3A_43 : vector<16xi32> to vector<16xi32>
      %mul3A_45 = arith.constant 3 : i32
      %mul3A_46 = vector.broadcast %mul3A_45 : i32 to vector<16xi32>
      %mul3A_47 = arith.muli %get3A_44, %mul3A_46 : vector<16xi32>
      %add3A_48 = arith.constant 0 : i32
      %add3A_49 = vector.broadcast %add3A_48 : i32 to vector<16xi32>
      %add3A_50 = arith.addi %mul3A_47, %add3A_49 : vector<16xi32>
      %swap3A_51 = arith.constant 32 : index
      %swap3A_52 = tpu.vector_load %arg12[%swap3A_51] {strides = array<i32>} : memref<128xi32, #tpu.memory_space<vmem>>, vector<16xi32>,
      %swap3A_53 = vector.shape_cast %swap3A_52 : vector<16xi32> to vector<16xi32>
      %swap3A_54 = vector.shape_cast %add3A_50 : vector<16xi32> to vector<16xi32>
      tpu.vector_store %arg12[%swap3A_51], %swap3A_54 {strides = array<i32>} : memref<128xi32, #tpu.memory_space<vmem>>, vector<16xi32>,
      %get3A_55 = arith.constant 48 : index
      %get3A_56 = tpu.vector_load %arg9[%get3A_55] {strides = array<i32>} : memref<128xi32, #tpu.memory_space<vmem>>, vector<16xi32>,
      %get3A_57 = vector.shape_cast %get3A_56 : vector<16xi32> to vector<16xi32>
      %mul3A_58 = arith.constant 3 : i32
      %mul3A_59 = vector.broadcast %mul3A_58 : i32 to vector<16xi32>
      %mul3A_60 = arith.muli %get3A_57, %mul3A_59 : vector<16xi32>
      %add3A_61 = arith.constant 0 : i32
      %add3A_62 = vector.broadcast %add3A_61 : i32 to vector<16xi32>
      %add3A_63 = arith.addi %mul3A_60, %add3A_62 : vector<16xi32>
      %swap3A_64 = arith.constant 48 : index
      %swap3A_65 = tpu.vector_load %arg12[%swap3A_64] {strides = array<i32>} : memref<128xi32, #tpu.memory_space<vmem>>, vector<16xi32>,
      %swap3A_66 = vector.shape_cast %swap3A_65 : vector<16xi32> to vector<16xi32>
      %swap3A_67 = vector.shape_cast %add3A_63 : vector<16xi32> to vector<16xi32>
      tpu.vector_store %arg12[%swap3A_64], %swap3A_67 {strides = array<i32>} : memref<128xi32, #tpu.memory_space<vmem>>, vector<16xi32>,
      %get3A_68 = arith.constant 64 : index
      %get3A_69 = tpu.vector_load %arg9[%get3A_68] {strides = array<i32>} : memref<128xi32, #tpu.memory_space<vmem>>, vector<16xi32>,
      %get3A_70 = vector.shape_cast %get3A_69 : vector<16xi32> to vector<16xi32>
      %mul3A_71 = arith.constant 3 : i32
      %mul3A_72 = vector.broadcast %mul3A_71 : i32 to vector<16xi32>
      %mul3A_73 = arith.muli %get3A_70, %mul3A_72 : vector<16xi32>
      %add3A_74 = arith.constant 0 : i32
      %add3A_75 = vector.broadcast %add3A_74 : i32 to vector<16xi32>
      %add3A_76 = arith.addi %mul3A_73, %add3A_75 : vector<16xi32>
      %swap3A_77 = arith.constant 64 : index
      %swap3A_78 = tpu.vector_load %arg12[%swap3A_77] {strides = array<i32>} : memref<128xi32, #tpu.memory_space<vmem>>, vector<16xi32>,
      %swap3A_79 = vector.shape_cast %swap3A_78 : vector<16xi32> to vector<16xi32>
      %swap3A_80 = vector.shape_cast %add3A_76 : vector<16xi32> to vector<16xi32>
      tpu.vector_store %arg12[%swap3A_77], %swap3A_80 {strides = array<i32>} : memref<128xi32, #tpu.memory_space<vmem>>, vector<16xi32>,
      %get3A_81 = arith.constant 80 : index
      %get3A_82 = tpu.vector_load %arg9[%get3A_81] {strides = array<i32>} : memref<128xi32, #tpu.memory_space<vmem>>, vector<16xi32>,
      %get3A_83 = vector.shape_cast %get3A_82 : vector<16xi32> to vector<16xi32>
      %mul3A_84 = arith.constant 3 : i32
      %mul3A_85 = vector.broadcast %mul3A_84 : i32 to vector<16xi32>
      %mul3A_86 = arith.muli %get3A_83, %mul3A_85 : vector<16xi32>
      %add3A_87 = arith.constant 0 : i32
      %add3A_88 = vector.broadcast %add3A_87 : i32 to vector<16xi32>
      %add3A_89 = arith.addi %mul3A_86, %add3A_88 : vector<16xi32>
      %swap3A_90 = arith.constant 80 : index
      %swap3A_91 = tpu.vector_load %arg12[%swap3A_90] {strides = array<i32>} : memref<128xi32, #tpu.memory_space<vmem>>, vector<16xi32>,
      %swap3A_92 = vector.shape_cast %swap3A_91 : vector<16xi32> to vector<16xi32>
      %swap3A_93 = vector.shape_cast %add3A_89 : vector<16xi32> to vector<16xi32>
      tpu.vector_store %arg12[%swap3A_90], %swap3A_93 {strides = array<i32>} : memref<128xi32, #tpu.memory_space<vmem>>, vector<16xi32>,
      %get3A_94 = arith.constant 96 : index
      %get3A_95 = tpu.vector_load %arg9[%get3A_94] {strides = array<i32>} : memref<128xi32, #tpu.memory_space<vmem>>, vector<16xi32>,
      %get3A_96 = vector.shape_cast %get3A_95 : vector<16xi32> to vector<16xi32>
      %mul3A_97 = arith.constant 3 : i32
      %mul3A_98 = vector.broadcast %mul3A_97 : i32 to vector<16xi32>
      %mul3A_99 = arith.muli %get3A_96, %mul3A_98 : vector<16xi32>
      %add3A_100 = arith.constant 0 : i32
      %add3A_101 = vector.broadcast %add3A_100 : i32 to vector<16xi32>
      %add3A_102 = arith.addi %mul3A_99, %add3A_101 : vector<16xi32>
      %swap3A_103 = arith.constant 96 : index
      %swap3A_104 = tpu.vector_load %arg12[%swap3A_103] {strides = array<i32>} : memref<128xi32, #tpu.memory_space<vmem>>, vector<16xi32>,
      %swap3A_105 = vector.shape_cast %swap3A_104 : vector<16xi32> to vector<16xi32>
      %swap3A_106 = vector.shape_cast %add3A_102 : vector<16xi32> to vector<16xi32>
      tpu.vector_store %arg12[%swap3A_103], %swap3A_106 {strides = array<i32>} : memref<128xi32, #tpu.memory_space<vmem>>, vector<16xi32>,
      %get3A_107 = arith.constant 112 : index
      %get3A_108 = tpu.vector_load %arg9[%get3A_107] {strides = array<i32>} : memref<128xi32, #tpu.memory_space<vmem>>, vector<16xi32>,
      %get3A_109 = vector.shape_cast %get3A_108 : vector<16xi32> to vector<16xi32>
      %mul3A_110 = arith.constant 3 : i32
      %mul3A_111 = vector.broadcast %mul3A_110 : i32 to vector<16xi32>
      %mul3A_112 = arith.muli %get3A_109, %mul3A_111 : vector<16xi32>
      %add3A_113 = arith.constant 0 : i32
      %add3A_114 = vector.broadcast %add3A_113 : i32 to vector<16xi32>
      %add3A_115 = arith.addi %mul3A_112, %add3A_114 : vector<16xi32>
      %swap3A_116 = arith.constant 112 : index
      %swap3A_117 = tpu.vector_load %arg12[%swap3A_116] {strides = array<i32>} : memref<128xi32, #tpu.memory_space<vmem>>, vector<16xi32>,
      %swap3A_118 = vector.shape_cast %swap3A_117 : vector<16xi32> to vector<16xi32>
      %swap3A_119 = vector.shape_cast %add3A_115 : vector<16xi32> to vector<16xi32>
      tpu.vector_store %arg12[%swap3A_116], %swap3A_119 {strides = array<i32>} : memref<128xi32, #tpu.memory_space<vmem>>, vector<16xi32>,
      %dma_start3A_120 = arith.constant 0 : i32
      %dma_start3A_121 = tpu.memref_slice %arg3[%dma_start3A_120] : memref<98304xf32, #tpu.memory_space<hbm>> -> memref<98304xf32, #tpu.memory_space<hbm>>
      tpu.enqueue_indirect_dma source(%dma_start3A_121 : memref<98304xf32, #tpu.memory_space<hbm>>) target(%arg13 : memref<128xf32, #tpu.memory_space<vmem>>) offsets(%arg12 : memref<128xi32, #tpu.memory_space<vmem>>) semaphore(%arg11 : memref<!tpu.dma_semaphore, #tpu.memory_space<semaphore_mem>>)
      %dma_wait3A_122 = arith.constant 0 : i32
      %dma_wait3A_123 = tpu.memref_slice %arg3[%dma_wait3A_122] : memref<98304xf32, #tpu.memory_space<hbm>> -> memref<98304xf32, #tpu.memory_space<hbm>>
      tpu.wait_indirect_dma semaphore(%arg11 : memref<!tpu.dma_semaphore, #tpu.memory_space<semaphore_mem>>) src(%dma_wait3A_123 : memref<98304xf32, #tpu.memory_space<hbm>>) dst(%arg13 : memref<128xf32, #tpu.memory_space<vmem>>)
      "tpu.region"() ({
        %run_scoped3A = tpu.sem_alloc : memref<!tpu.dma_semaphore, #tpu.memory_space<semaphore_mem>>
        %dma_start3A_341 = tpu.memref_slice %arg6[%add3A_13] : memref<131072xf32, #tpu.memory_space<hbm>> -> memref<128xf32, #tpu.memory_space<hbm>>
        %dma_start3A_342 = tpu.memref_slice %arg6[%add3A_13] : memref<131072xf32, #tpu.memory_space<hbm>> -> memref<128xf32, #tpu.memory_space<hbm>>
        tpu.enqueue_dma source(%arg13 : memref<128xf32, #tpu.memory_space<vmem>>) target(%dma_start3A_342 : memref<128xf32, #tpu.memory_space<hbm>>) target_semaphore(%run_scoped3A : memref<!tpu.dma_semaphore, #tpu.memory_space<semaphore_mem>>)
        %dma_wait3A_343 = tpu.memref_slice %arg6[%add3A_13] : memref<131072xf32, #tpu.memory_space<hbm>> -> memref<128xf32, #tpu.memory_space<hbm>>
        %dma_wait3A_344 = tpu.memref_slice %arg6[%add3A_13] : memref<131072xf32, #tpu.memory_space<hbm>> -> memref<128xf32, #tpu.memory_space<hbm>>
        tpu.wait_dma2 semaphore(%run_scoped3A : memref<!tpu.dma_semaphore, #tpu.memory_space<semaphore_mem>>) src(%arg13 : memref<128xf32, #tpu.memory_space<vmem>>) dst(%dma_wait3A_344 : memref<128xf32, #tpu.memory_space<hbm>>)
        tpu.yield
      }) : () -> ()
      %get3A_124 = arith.constant 0 : index
      %get3A_125 = tpu.vector_load %arg9[%get3A_124] {strides = array<i32>} : memref<128xi32, #tpu.memory_space<vmem>>, vector<16xi32>,
      %get3A_126 = vector.shape_cast %get3A_125 : vector<16xi32> to vector<16xi32>
      %mul3A_127 = arith.constant 3 : i32
      %mul3A_128 = vector.broadcast %mul3A_127 : i32 to vector<16xi32>
      %mul3A_129 = arith.muli %get3A_126, %mul3A_128 : vector<16xi32>
      %add3A_130 = arith.constant 1 : i32
      %add3A_131 = vector.broadcast %add3A_130 : i32 to vector<16xi32>
      %add3A_132 = arith.addi %mul3A_129, %add3A_131 : vector<16xi32>
      %swap3A_133 = arith.constant 0 : index
      %swap3A_134 = tpu.vector_load %arg12[%swap3A_133] {strides = array<i32>} : memref<128xi32, #tpu.memory_space<vmem>>, vector<16xi32>,
      %swap3A_135 = vector.shape_cast %swap3A_134 : vector<16xi32> to vector<16xi32>
      %swap3A_136 = vector.shape_cast %add3A_132 : vector<16xi32> to vector<16xi32>
      tpu.vector_store %arg12[%swap3A_133], %swap3A_136 {strides = array<i32>} : memref<128xi32, #tpu.memory_space<vmem>>, vector<16xi32>,
      %get3A_137 = arith.constant 16 : index
      %get3A_138 = tpu.vector_load %arg9[%get3A_137] {strides = array<i32>} : memref<128xi32, #tpu.memory_space<vmem>>, vector<16xi32>,
      %get3A_139 = vector.shape_cast %get3A_138 : vector<16xi32> to vector<16xi32>
      %mul3A_140 = arith.constant 3 : i32
      %mul3A_141 = vector.broadcast %mul3A_140 : i32 to vector<16xi32>
      %mul3A_142 = arith.muli %get3A_139, %mul3A_141 : vector<16xi32>
      %add3A_143 = arith.constant 1 : i32
      %add3A_144 = vector.broadcast %add3A_143 : i32 to vector<16xi32>
      %add3A_145 = arith.addi %mul3A_142, %add3A_144 : vector<16xi32>
      %swap3A_146 = arith.constant 16 : index
      %swap3A_147 = tpu.vector_load %arg12[%swap3A_146] {strides = array<i32>} : memref<128xi32, #tpu.memory_space<vmem>>, vector<16xi32>,
      %swap3A_148 = vector.shape_cast %swap3A_147 : vector<16xi32> to vector<16xi32>
      %swap3A_149 = vector.shape_cast %add3A_145 : vector<16xi32> to vector<16xi32>
      tpu.vector_store %arg12[%swap3A_146], %swap3A_149 {strides = array<i32>} : memref<128xi32, #tpu.memory_space<vmem>>, vector<16xi32>,
      %get3A_150 = arith.constant 32 : index
      %get3A_151 = tpu.vector_load %arg9[%get3A_150] {strides = array<i32>} : memref<128xi32, #tpu.memory_space<vmem>>, vector<16xi32>,
      %get3A_152 = vector.shape_cast %get3A_151 : vector<16xi32> to vector<16xi32>
      %mul3A_153 = arith.constant 3 : i32
      %mul3A_154 = vector.broadcast %mul3A_153 : i32 to vector<16xi32>
      %mul3A_155 = arith.muli %get3A_152, %mul3A_154 : vector<16xi32>
      %add3A_156 = arith.constant 1 : i32
      %add3A_157 = vector.broadcast %add3A_156 : i32 to vector<16xi32>
      %add3A_158 = arith.addi %mul3A_155, %add3A_157 : vector<16xi32>
      %swap3A_159 = arith.constant 32 : index
      %swap3A_160 = tpu.vector_load %arg12[%swap3A_159] {strides = array<i32>} : memref<128xi32, #tpu.memory_space<vmem>>, vector<16xi32>,
      %swap3A_161 = vector.shape_cast %swap3A_160 : vector<16xi32> to vector<16xi32>
      %swap3A_162 = vector.shape_cast %add3A_158 : vector<16xi32> to vector<16xi32>
      tpu.vector_store %arg12[%swap3A_159], %swap3A_162 {strides = array<i32>} : memref<128xi32, #tpu.memory_space<vmem>>, vector<16xi32>,
      %get3A_163 = arith.constant 48 : index
      %get3A_164 = tpu.vector_load %arg9[%get3A_163] {strides = array<i32>} : memref<128xi32, #tpu.memory_space<vmem>>, vector<16xi32>,
      %get3A_165 = vector.shape_cast %get3A_164 : vector<16xi32> to vector<16xi32>
      %mul3A_166 = arith.constant 3 : i32
      %mul3A_167 = vector.broadcast %mul3A_166 : i32 to vector<16xi32>
      %mul3A_168 = arith.muli %get3A_165, %mul3A_167 : vector<16xi32>
      %add3A_169 = arith.constant 1 : i32
      %add3A_170 = vector.broadcast %add3A_169 : i32 to vector<16xi32>
      %add3A_171 = arith.addi %mul3A_168, %add3A_170 : vector<16xi32>
      %swap3A_172 = arith.constant 48 : index
      %swap3A_173 = tpu.vector_load %arg12[%swap3A_172] {strides = array<i32>} : memref<128xi32, #tpu.memory_space<vmem>>, vector<16xi32>,
      %swap3A_174 = vector.shape_cast %swap3A_173 : vector<16xi32> to vector<16xi32>
      %swap3A_175 = vector.shape_cast %add3A_171 : vector<16xi32> to vector<16xi32>
      tpu.vector_store %arg12[%swap3A_172], %swap3A_175 {strides = array<i32>} : memref<128xi32, #tpu.memory_space<vmem>>, vector<16xi32>,
      %get3A_176 = arith.constant 64 : index
      %get3A_177 = tpu.vector_load %arg9[%get3A_176] {strides = array<i32>} : memref<128xi32, #tpu.memory_space<vmem>>, vector<16xi32>,
      %get3A_178 = vector.shape_cast %get3A_177 : vector<16xi32> to vector<16xi32>
      %mul3A_179 = arith.constant 3 : i32
      %mul3A_180 = vector.broadcast %mul3A_179 : i32 to vector<16xi32>
      %mul3A_181 = arith.muli %get3A_178, %mul3A_180 : vector<16xi32>
      %add3A_182 = arith.constant 1 : i32
      %add3A_183 = vector.broadcast %add3A_182 : i32 to vector<16xi32>
      %add3A_184 = arith.addi %mul3A_181, %add3A_183 : vector<16xi32>
      %swap3A_185 = arith.constant 64 : index
      %swap3A_186 = tpu.vector_load %arg12[%swap3A_185] {strides = array<i32>} : memref<128xi32, #tpu.memory_space<vmem>>, vector<16xi32>,
      %swap3A_187 = vector.shape_cast %swap3A_186 : vector<16xi32> to vector<16xi32>
      %swap3A_188 = vector.shape_cast %add3A_184 : vector<16xi32> to vector<16xi32>
      tpu.vector_store %arg12[%swap3A_185], %swap3A_188 {strides = array<i32>} : memref<128xi32, #tpu.memory_space<vmem>>, vector<16xi32>,
      %get3A_189 = arith.constant 80 : index
      %get3A_190 = tpu.vector_load %arg9[%get3A_189] {strides = array<i32>} : memref<128xi32, #tpu.memory_space<vmem>>, vector<16xi32>,
      %get3A_191 = vector.shape_cast %get3A_190 : vector<16xi32> to vector<16xi32>
      %mul3A_192 = arith.constant 3 : i32
      %mul3A_193 = vector.broadcast %mul3A_192 : i32 to vector<16xi32>
      %mul3A_194 = arith.muli %get3A_191, %mul3A_193 : vector<16xi32>
      %add3A_195 = arith.constant 1 : i32
      %add3A_196 = vector.broadcast %add3A_195 : i32 to vector<16xi32>
      %add3A_197 = arith.addi %mul3A_194, %add3A_196 : vector<16xi32>
      %swap3A_198 = arith.constant 80 : index
      %swap3A_199 = tpu.vector_load %arg12[%swap3A_198] {strides = array<i32>} : memref<128xi32, #tpu.memory_space<vmem>>, vector<16xi32>,
      %swap3A_200 = vector.shape_cast %swap3A_199 : vector<16xi32> to vector<16xi32>
      %swap3A_201 = vector.shape_cast %add3A_197 : vector<16xi32> to vector<16xi32>
      tpu.vector_store %arg12[%swap3A_198], %swap3A_201 {strides = array<i32>} : memref<128xi32, #tpu.memory_space<vmem>>, vector<16xi32>,
      %get3A_202 = arith.constant 96 : index
      %get3A_203 = tpu.vector_load %arg9[%get3A_202] {strides = array<i32>} : memref<128xi32, #tpu.memory_space<vmem>>, vector<16xi32>,
      %get3A_204 = vector.shape_cast %get3A_203 : vector<16xi32> to vector<16xi32>
      %mul3A_205 = arith.constant 3 : i32
      %mul3A_206 = vector.broadcast %mul3A_205 : i32 to vector<16xi32>
      %mul3A_207 = arith.muli %get3A_204, %mul3A_206 : vector<16xi32>
      %add3A_208 = arith.constant 1 : i32
      %add3A_209 = vector.broadcast %add3A_208 : i32 to vector<16xi32>
      %add3A_210 = arith.addi %mul3A_207, %add3A_209 : vector<16xi32>
      %swap3A_211 = arith.constant 96 : index
      %swap3A_212 = tpu.vector_load %arg12[%swap3A_211] {strides = array<i32>} : memref<128xi32, #tpu.memory_space<vmem>>, vector<16xi32>,
      %swap3A_213 = vector.shape_cast %swap3A_212 : vector<16xi32> to vector<16xi32>
      %swap3A_214 = vector.shape_cast %add3A_210 : vector<16xi32> to vector<16xi32>
      tpu.vector_store %arg12[%swap3A_211], %swap3A_214 {strides = array<i32>} : memref<128xi32, #tpu.memory_space<vmem>>, vector<16xi32>,
      %get3A_215 = arith.constant 112 : index
      %get3A_216 = tpu.vector_load %arg9[%get3A_215] {strides = array<i32>} : memref<128xi32, #tpu.memory_space<vmem>>, vector<16xi32>,
      %get3A_217 = vector.shape_cast %get3A_216 : vector<16xi32> to vector<16xi32>
      %mul3A_218 = arith.constant 3 : i32
      %mul3A_219 = vector.broadcast %mul3A_218 : i32 to vector<16xi32>
      %mul3A_220 = arith.muli %get3A_217, %mul3A_219 : vector<16xi32>
      %add3A_221 = arith.constant 1 : i32
      %add3A_222 = vector.broadcast %add3A_221 : i32 to vector<16xi32>
      %add3A_223 = arith.addi %mul3A_220, %add3A_222 : vector<16xi32>
      %swap3A_224 = arith.constant 112 : index
      %swap3A_225 = tpu.vector_load %arg12[%swap3A_224] {strides = array<i32>} : memref<128xi32, #tpu.memory_space<vmem>>, vector<16xi32>,
      %swap3A_226 = vector.shape_cast %swap3A_225 : vector<16xi32> to vector<16xi32>
      %swap3A_227 = vector.shape_cast %add3A_223 : vector<16xi32> to vector<16xi32>
      tpu.vector_store %arg12[%swap3A_224], %swap3A_227 {strides = array<i32>} : memref<128xi32, #tpu.memory_space<vmem>>, vector<16xi32>,
      %dma_start3A_228 = arith.constant 0 : i32
      %dma_start3A_229 = tpu.memref_slice %arg3[%dma_start3A_228] : memref<98304xf32, #tpu.memory_space<hbm>> -> memref<98304xf32, #tpu.memory_space<hbm>>
      tpu.enqueue_indirect_dma source(%dma_start3A_229 : memref<98304xf32, #tpu.memory_space<hbm>>) target(%arg13 : memref<128xf32, #tpu.memory_space<vmem>>) offsets(%arg12 : memref<128xi32, #tpu.memory_space<vmem>>) semaphore(%arg11 : memref<!tpu.dma_semaphore, #tpu.memory_space<semaphore_mem>>)
      %dma_wait3A_230 = arith.constant 0 : i32
      %dma_wait3A_231 = tpu.memref_slice %arg3[%dma_wait3A_230] : memref<98304xf32, #tpu.memory_space<hbm>> -> memref<98304xf32, #tpu.memory_space<hbm>>
      tpu.wait_indirect_dma semaphore(%arg11 : memref<!tpu.dma_semaphore, #tpu.memory_space<semaphore_mem>>) src(%dma_wait3A_231 : memref<98304xf32, #tpu.memory_space<hbm>>) dst(%arg13 : memref<128xf32, #tpu.memory_space<vmem>>)
      "tpu.region"() ({
        %run_scoped3A = tpu.sem_alloc : memref<!tpu.dma_semaphore, #tpu.memory_space<semaphore_mem>>
        %dma_start3A_341 = tpu.memref_slice %arg7[%add3A_13] : memref<131072xf32, #tpu.memory_space<hbm>> -> memref<128xf32, #tpu.memory_space<hbm>>
        %dma_start3A_342 = tpu.memref_slice %arg7[%add3A_13] : memref<131072xf32, #tpu.memory_space<hbm>> -> memref<128xf32, #tpu.memory_space<hbm>>
        tpu.enqueue_dma source(%arg13 : memref<128xf32, #tpu.memory_space<vmem>>) target(%dma_start3A_342 : memref<128xf32, #tpu.memory_space<hbm>>) target_semaphore(%run_scoped3A : memref<!tpu.dma_semaphore, #tpu.memory_space<semaphore_mem>>)
        %dma_wait3A_343 = tpu.memref_slice %arg7[%add3A_13] : memref<131072xf32, #tpu.memory_space<hbm>> -> memref<128xf32, #tpu.memory_space<hbm>>
        %dma_wait3A_344 = tpu.memref_slice %arg7[%add3A_13] : memref<131072xf32, #tpu.memory_space<hbm>> -> memref<128xf32, #tpu.memory_space<hbm>>
        tpu.wait_dma2 semaphore(%run_scoped3A : memref<!tpu.dma_semaphore, #tpu.memory_space<semaphore_mem>>) src(%arg13 : memref<128xf32, #tpu.memory_space<vmem>>) dst(%dma_wait3A_344 : memref<128xf32, #tpu.memory_space<hbm>>)
        tpu.yield
      }) : () -> ()
      %get3A_232 = arith.constant 0 : index
      %get3A_233 = tpu.vector_load %arg9[%get3A_232] {strides = array<i32>} : memref<128xi32, #tpu.memory_space<vmem>>, vector<16xi32>,
      %get3A_234 = vector.shape_cast %get3A_233 : vector<16xi32> to vector<16xi32>
      %mul3A_235 = arith.constant 3 : i32
      %mul3A_236 = vector.broadcast %mul3A_235 : i32 to vector<16xi32>
      %mul3A_237 = arith.muli %get3A_234, %mul3A_236 : vector<16xi32>
      %add3A_238 = arith.constant 2 : i32
      %add3A_239 = vector.broadcast %add3A_238 : i32 to vector<16xi32>
      %add3A_240 = arith.addi %mul3A_237, %add3A_239 : vector<16xi32>
      %swap3A_241 = arith.constant 0 : index
      %swap3A_242 = tpu.vector_load %arg12[%swap3A_241] {strides = array<i32>} : memref<128xi32, #tpu.memory_space<vmem>>, vector<16xi32>,
      %swap3A_243 = vector.shape_cast %swap3A_242 : vector<16xi32> to vector<16xi32>
      %swap3A_244 = vector.shape_cast %add3A_240 : vector<16xi32> to vector<16xi32>
      tpu.vector_store %arg12[%swap3A_241], %swap3A_244 {strides = array<i32>} : memref<128xi32, #tpu.memory_space<vmem>>, vector<16xi32>,
      %get3A_245 = arith.constant 16 : index
      %get3A_246 = tpu.vector_load %arg9[%get3A_245] {strides = array<i32>} : memref<128xi32, #tpu.memory_space<vmem>>, vector<16xi32>,
      %get3A_247 = vector.shape_cast %get3A_246 : vector<16xi32> to vector<16xi32>
      %mul3A_248 = arith.constant 3 : i32
      %mul3A_249 = vector.broadcast %mul3A_248 : i32 to vector<16xi32>
      %mul3A_250 = arith.muli %get3A_247, %mul3A_249 : vector<16xi32>
      %add3A_251 = arith.constant 2 : i32
      %add3A_252 = vector.broadcast %add3A_251 : i32 to vector<16xi32>
      %add3A_253 = arith.addi %mul3A_250, %add3A_252 : vector<16xi32>
      %swap3A_254 = arith.constant 16 : index
      %swap3A_255 = tpu.vector_load %arg12[%swap3A_254] {strides = array<i32>} : memref<128xi32, #tpu.memory_space<vmem>>, vector<16xi32>,
      %swap3A_256 = vector.shape_cast %swap3A_255 : vector<16xi32> to vector<16xi32>
      %swap3A_257 = vector.shape_cast %add3A_253 : vector<16xi32> to vector<16xi32>
      tpu.vector_store %arg12[%swap3A_254], %swap3A_257 {strides = array<i32>} : memref<128xi32, #tpu.memory_space<vmem>>, vector<16xi32>,
      %get3A_258 = arith.constant 32 : index
      %get3A_259 = tpu.vector_load %arg9[%get3A_258] {strides = array<i32>} : memref<128xi32, #tpu.memory_space<vmem>>, vector<16xi32>,
      %get3A_260 = vector.shape_cast %get3A_259 : vector<16xi32> to vector<16xi32>
      %mul3A_261 = arith.constant 3 : i32
      %mul3A_262 = vector.broadcast %mul3A_261 : i32 to vector<16xi32>
      %mul3A_263 = arith.muli %get3A_260, %mul3A_262 : vector<16xi32>
      %add3A_264 = arith.constant 2 : i32
      %add3A_265 = vector.broadcast %add3A_264 : i32 to vector<16xi32>
      %add3A_266 = arith.addi %mul3A_263, %add3A_265 : vector<16xi32>
      %swap3A_267 = arith.constant 32 : index
      %swap3A_268 = tpu.vector_load %arg12[%swap3A_267] {strides = array<i32>} : memref<128xi32, #tpu.memory_space<vmem>>, vector<16xi32>,
      %swap3A_269 = vector.shape_cast %swap3A_268 : vector<16xi32> to vector<16xi32>
      %swap3A_270 = vector.shape_cast %add3A_266 : vector<16xi32> to vector<16xi32>
      tpu.vector_store %arg12[%swap3A_267], %swap3A_270 {strides = array<i32>} : memref<128xi32, #tpu.memory_space<vmem>>, vector<16xi32>,
      %get3A_271 = arith.constant 48 : index
      %get3A_272 = tpu.vector_load %arg9[%get3A_271] {strides = array<i32>} : memref<128xi32, #tpu.memory_space<vmem>>, vector<16xi32>,
      %get3A_273 = vector.shape_cast %get3A_272 : vector<16xi32> to vector<16xi32>
      %mul3A_274 = arith.constant 3 : i32
      %mul3A_275 = vector.broadcast %mul3A_274 : i32 to vector<16xi32>
      %mul3A_276 = arith.muli %get3A_273, %mul3A_275 : vector<16xi32>
      %add3A_277 = arith.constant 2 : i32
      %add3A_278 = vector.broadcast %add3A_277 : i32 to vector<16xi32>
      %add3A_279 = arith.addi %mul3A_276, %add3A_278 : vector<16xi32>
      %swap3A_280 = arith.constant 48 : index
      %swap3A_281 = tpu.vector_load %arg12[%swap3A_280] {strides = array<i32>} : memref<128xi32, #tpu.memory_space<vmem>>, vector<16xi32>,
      %swap3A_282 = vector.shape_cast %swap3A_281 : vector<16xi32> to vector<16xi32>
      %swap3A_283 = vector.shape_cast %add3A_279 : vector<16xi32> to vector<16xi32>
      tpu.vector_store %arg12[%swap3A_280], %swap3A_283 {strides = array<i32>} : memref<128xi32, #tpu.memory_space<vmem>>, vector<16xi32>,
      %get3A_284 = arith.constant 64 : index
      %get3A_285 = tpu.vector_load %arg9[%get3A_284] {strides = array<i32>} : memref<128xi32, #tpu.memory_space<vmem>>, vector<16xi32>,
      %get3A_286 = vector.shape_cast %get3A_285 : vector<16xi32> to vector<16xi32>
      %mul3A_287 = arith.constant 3 : i32
      %mul3A_288 = vector.broadcast %mul3A_287 : i32 to vector<16xi32>
      %mul3A_289 = arith.muli %get3A_286, %mul3A_288 : vector<16xi32>
      %add3A_290 = arith.constant 2 : i32
      %add3A_291 = vector.broadcast %add3A_290 : i32 to vector<16xi32>
      %add3A_292 = arith.addi %mul3A_289, %add3A_291 : vector<16xi32>
      %swap3A_293 = arith.constant 64 : index
      %swap3A_294 = tpu.vector_load %arg12[%swap3A_293] {strides = array<i32>} : memref<128xi32, #tpu.memory_space<vmem>>, vector<16xi32>,
      %swap3A_295 = vector.shape_cast %swap3A_294 : vector<16xi32> to vector<16xi32>
      %swap3A_296 = vector.shape_cast %add3A_292 : vector<16xi32> to vector<16xi32>
      tpu.vector_store %arg12[%swap3A_293], %swap3A_296 {strides = array<i32>} : memref<128xi32, #tpu.memory_space<vmem>>, vector<16xi32>,
      %get3A_297 = arith.constant 80 : index
      %get3A_298 = tpu.vector_load %arg9[%get3A_297] {strides = array<i32>} : memref<128xi32, #tpu.memory_space<vmem>>, vector<16xi32>,
      %get3A_299 = vector.shape_cast %get3A_298 : vector<16xi32> to vector<16xi32>
      %mul3A_300 = arith.constant 3 : i32
      %mul3A_301 = vector.broadcast %mul3A_300 : i32 to vector<16xi32>
      %mul3A_302 = arith.muli %get3A_299, %mul3A_301 : vector<16xi32>
      %add3A_303 = arith.constant 2 : i32
      %add3A_304 = vector.broadcast %add3A_303 : i32 to vector<16xi32>
      %add3A_305 = arith.addi %mul3A_302, %add3A_304 : vector<16xi32>
      %swap3A_306 = arith.constant 80 : index
      %swap3A_307 = tpu.vector_load %arg12[%swap3A_306] {strides = array<i32>} : memref<128xi32, #tpu.memory_space<vmem>>, vector<16xi32>,
      %swap3A_308 = vector.shape_cast %swap3A_307 : vector<16xi32> to vector<16xi32>
      %swap3A_309 = vector.shape_cast %add3A_305 : vector<16xi32> to vector<16xi32>
      tpu.vector_store %arg12[%swap3A_306], %swap3A_309 {strides = array<i32>} : memref<128xi32, #tpu.memory_space<vmem>>, vector<16xi32>,
      %get3A_310 = arith.constant 96 : index
      %get3A_311 = tpu.vector_load %arg9[%get3A_310] {strides = array<i32>} : memref<128xi32, #tpu.memory_space<vmem>>, vector<16xi32>,
      %get3A_312 = vector.shape_cast %get3A_311 : vector<16xi32> to vector<16xi32>
      %mul3A_313 = arith.constant 3 : i32
      %mul3A_314 = vector.broadcast %mul3A_313 : i32 to vector<16xi32>
      %mul3A_315 = arith.muli %get3A_312, %mul3A_314 : vector<16xi32>
      %add3A_316 = arith.constant 2 : i32
      %add3A_317 = vector.broadcast %add3A_316 : i32 to vector<16xi32>
      %add3A_318 = arith.addi %mul3A_315, %add3A_317 : vector<16xi32>
      %swap3A_319 = arith.constant 96 : index
      %swap3A_320 = tpu.vector_load %arg12[%swap3A_319] {strides = array<i32>} : memref<128xi32, #tpu.memory_space<vmem>>, vector<16xi32>,
      %swap3A_321 = vector.shape_cast %swap3A_320 : vector<16xi32> to vector<16xi32>
      %swap3A_322 = vector.shape_cast %add3A_318 : vector<16xi32> to vector<16xi32>
      tpu.vector_store %arg12[%swap3A_319], %swap3A_322 {strides = array<i32>} : memref<128xi32, #tpu.memory_space<vmem>>, vector<16xi32>,
      %get3A_323 = arith.constant 112 : index
      %get3A_324 = tpu.vector_load %arg9[%get3A_323] {strides = array<i32>} : memref<128xi32, #tpu.memory_space<vmem>>, vector<16xi32>,
      %get3A_325 = vector.shape_cast %get3A_324 : vector<16xi32> to vector<16xi32>
      %mul3A_326 = arith.constant 3 : i32
      %mul3A_327 = vector.broadcast %mul3A_326 : i32 to vector<16xi32>
      %mul3A_328 = arith.muli %get3A_325, %mul3A_327 : vector<16xi32>
      %add3A_329 = arith.constant 2 : i32
      %add3A_330 = vector.broadcast %add3A_329 : i32 to vector<16xi32>
      %add3A_331 = arith.addi %mul3A_328, %add3A_330 : vector<16xi32>
      %swap3A_332 = arith.constant 112 : index
      %swap3A_333 = tpu.vector_load %arg12[%swap3A_332] {strides = array<i32>} : memref<128xi32, #tpu.memory_space<vmem>>, vector<16xi32>,
      %swap3A_334 = vector.shape_cast %swap3A_333 : vector<16xi32> to vector<16xi32>
      %swap3A_335 = vector.shape_cast %add3A_331 : vector<16xi32> to vector<16xi32>
      tpu.vector_store %arg12[%swap3A_332], %swap3A_335 {strides = array<i32>} : memref<128xi32, #tpu.memory_space<vmem>>, vector<16xi32>,
      %dma_start3A_336 = arith.constant 0 : i32
      %dma_start3A_337 = tpu.memref_slice %arg3[%dma_start3A_336] : memref<98304xf32, #tpu.memory_space<hbm>> -> memref<98304xf32, #tpu.memory_space<hbm>>
      tpu.enqueue_indirect_dma source(%dma_start3A_337 : memref<98304xf32, #tpu.memory_space<hbm>>) target(%arg13 : memref<128xf32, #tpu.memory_space<vmem>>) offsets(%arg12 : memref<128xi32, #tpu.memory_space<vmem>>) semaphore(%arg11 : memref<!tpu.dma_semaphore, #tpu.memory_space<semaphore_mem>>)
      %dma_wait3A_338 = arith.constant 0 : i32
      %dma_wait3A_339 = tpu.memref_slice %arg3[%dma_wait3A_338] : memref<98304xf32, #tpu.memory_space<hbm>> -> memref<98304xf32, #tpu.memory_space<hbm>>
      tpu.wait_indirect_dma semaphore(%arg11 : memref<!tpu.dma_semaphore, #tpu.memory_space<semaphore_mem>>) src(%dma_wait3A_339 : memref<98304xf32, #tpu.memory_space<hbm>>) dst(%arg13 : memref<128xf32, #tpu.memory_space<vmem>>)
      "tpu.region"() ({
        %run_scoped3A = tpu.sem_alloc : memref<!tpu.dma_semaphore, #tpu.memory_space<semaphore_mem>>
        %dma_start3A_341 = tpu.memref_slice %arg8[%add3A_13] : memref<131072xf32, #tpu.memory_space<hbm>> -> memref<128xf32, #tpu.memory_space<hbm>>
        %dma_start3A_342 = tpu.memref_slice %arg8[%add3A_13] : memref<131072xf32, #tpu.memory_space<hbm>> -> memref<128xf32, #tpu.memory_space<hbm>>
        tpu.enqueue_dma source(%arg13 : memref<128xf32, #tpu.memory_space<vmem>>) target(%dma_start3A_342 : memref<128xf32, #tpu.memory_space<hbm>>) target_semaphore(%run_scoped3A : memref<!tpu.dma_semaphore, #tpu.memory_space<semaphore_mem>>)
        %dma_wait3A_343 = tpu.memref_slice %arg8[%add3A_13] : memref<131072xf32, #tpu.memory_space<hbm>> -> memref<128xf32, #tpu.memory_space<hbm>>
        %dma_wait3A_344 = tpu.memref_slice %arg8[%add3A_13] : memref<131072xf32, #tpu.memory_space<hbm>> -> memref<128xf32, #tpu.memory_space<hbm>>
        tpu.wait_dma2 semaphore(%run_scoped3A : memref<!tpu.dma_semaphore, #tpu.memory_space<semaphore_mem>>) src(%arg13 : memref<128xf32, #tpu.memory_space<vmem>>) dst(%dma_wait3A_344 : memref<128xf32, #tpu.memory_space<hbm>>)
        tpu.yield
      }) : () -> ()
      %scan3A_340 = arith.constant 0 : i32
      scf.yield %scan3A_340 : i32
    }
    %scan3A_8 = arith.constant 32 : i32
    return
  }
}

module attributes {stable_mosaic.version = 14 : i64} {
  func.func @_fps_body(%arg0: memref<3x8x4096xf32, #tpu.memory_space<vmem>>, %arg1: memref<8x512xi32, #tpu.memory_space<vmem>>, %arg2: memref<3x8x512xf32, #tpu.memory_space<vmem>>) attributes {dimension_semantics = [], scalar_prefetch = 0 : i64, scratch_operands = 0 : i64, tpu.core_type = #tpu.core_type<tc>} {
    %get3A = arith.constant 0 : index
    %get3A_0 = arith.constant 0 : index
    %get3A_1 = arith.constant 0 : index
    %get3A_2 = vector.load %arg0[%get3A, %get3A_0, %get3A_1] : memref<3x8x4096xf32, #tpu.memory_space<vmem>>, vector<1x8x4096xf32>
    %get3A_3 = vector.shape_cast %get3A_2 : vector<1x8x4096xf32> to vector<8x4096xf32>
    %get3A_4 = arith.constant 1 : index
    %get3A_5 = arith.constant 0 : index
    %get3A_6 = arith.constant 0 : index
    %get3A_7 = vector.load %arg0[%get3A_4, %get3A_5, %get3A_6] : memref<3x8x4096xf32, #tpu.memory_space<vmem>>, vector<1x8x4096xf32>
    %get3A_8 = vector.shape_cast %get3A_7 : vector<1x8x4096xf32> to vector<8x4096xf32>
    %get3A_9 = arith.constant 2 : index
    %get3A_10 = arith.constant 0 : index
    %get3A_11 = arith.constant 0 : index
    %get3A_12 = vector.load %arg0[%get3A_9, %get3A_10, %get3A_11] : memref<3x8x4096xf32, #tpu.memory_space<vmem>>, vector<1x8x4096xf32>
    %get3A_13 = vector.shape_cast %get3A_12 : vector<1x8x4096xf32> to vector<8x4096xf32>
    %iota3A = tpu.iota {dimensions = array<i32: 1>} : vector<8x4096xi32>
    %iota3A_14 = tpu.iota {dimensions = array<i32: 1>} : vector<8x512xi32>
    %mul3A = arith.mulf %get3A_3, %get3A_3 : vector<8x4096xf32>
    %mul3A_15 = arith.mulf %get3A_8, %get3A_8 : vector<8x4096xf32>
    %add3A = arith.addf %mul3A, %mul3A_15 : vector<8x4096xf32>
    %mul3A_16 = arith.mulf %get3A_13, %get3A_13 : vector<8x4096xf32>
    %add3A_17 = arith.addf %add3A, %mul3A_16 : vector<8x4096xf32>
    %reduce_max3A = arith.constant dense<0xFF800000> : vector<8xf32>
    %reduce_max3A_18 = vector.multi_reduction <maximumf>, %add3A_17, %reduce_max3A [1] : vector<8x4096xf32> to vector<8xf32>
    %broadcast_in_dim3A = vector.shape_cast %reduce_max3A_18 : vector<8xf32> to vector<8x1xf32>
    %eq3A = vector.broadcast %broadcast_in_dim3A : vector<8x1xf32> to vector<8x4096xf32>
    %eq3A_19 = arith.cmpf oeq, %add3A_17, %eq3A : vector<8x4096xf32>
    %jit3A = arith.constant 1073741824 : i32
    %broadcast_in_dim3A_20 = vector.broadcast %jit3A : i32 to vector<8x4096xi32>
    %select_n3A = arith.select %eq3A_19, %iota3A, %broadcast_in_dim3A_20 : vector<8x4096xi1>, vector<8x4096xi32>
    %reduce_min3A = arith.constant dense<2147483647> : vector<8xi32>
    %reduce_min3A_21 = vector.multi_reduction <minsi>, %select_n3A, %reduce_min3A [1] : vector<8x4096xi32> to vector<8xi32>
    %broadcast_in_dim3A_22 = vector.shape_cast %reduce_min3A_21 : vector<8xi32> to vector<8x1xi32>
    %broadcast_in_dim3A_23 = arith.constant 0 : i32
    %broadcast_in_dim3A_24 = vector.broadcast %broadcast_in_dim3A_23 : i32 to vector<8x512xi32>
    %broadcast_in_dim3A_25 = arith.constant 0.000000e+00 : f32
    %broadcast_in_dim3A_26 = vector.broadcast %broadcast_in_dim3A_25 : f32 to vector<8x512xf32>
    %broadcast_in_dim3A_27 = arith.constant 1.000000e+10 : f32
    %broadcast_in_dim3A_28 = vector.broadcast %broadcast_in_dim3A_27 : f32 to vector<8x4096xf32>
    %scan3A = arith.constant 0 : i32
    %scan3A_29 = arith.constant 512 : i32
    %scan3A_30 = arith.addi %scan3A, %scan3A_29 : i32
    %scan3A_31 = arith.constant 1 : i32
    %scan3A_32:6 = scf.for %scan3A_54 = %scan3A to %scan3A_30 step %scan3A_31 iter_args(%scan3A_55 = %broadcast_in_dim3A_24, %scan3A_56 = %broadcast_in_dim3A_26, %scan3A_57 = %broadcast_in_dim3A_26, %scan3A_58 = %broadcast_in_dim3A_26, %scan3A_59 = %broadcast_in_dim3A_28, %scan3A_60 = %broadcast_in_dim3A_22) -> (vector<8x512xi32>, vector<8x512xf32>, vector<8x512xf32>, vector<8x512xf32>, vector<8x4096xf32>, vector<8x1xi32>)  : i32 {
      %eq3A_61 = vector.broadcast %scan3A_54 : i32 to vector<8x512xi32>
      %eq3A_62 = arith.cmpi eq, %iota3A_14, %eq3A_61 : vector<8x512xi32>
      %broadcast_in_dim3A_63 = vector.shape_cast %scan3A_60 : vector<8x1xi32> to vector<8x1xi32>
      %broadcast_in_dim3A_64 = vector.broadcast %broadcast_in_dim3A_63 : vector<8x1xi32> to vector<8x512xi32>
      %select_n3A_65 = arith.select %eq3A_62, %broadcast_in_dim3A_64, %scan3A_55 : vector<8x512xi1>, vector<8x512xi32>
      %eq3A_66 = vector.broadcast %scan3A_60 : vector<8x1xi32> to vector<8x4096xi32>
      %eq3A_67 = arith.cmpi eq, %iota3A, %eq3A_66 : vector<8x4096xi32>
      %jit3A_68 = arith.constant 0.000000e+00 : f32
      %broadcast_in_dim3A_69 = vector.broadcast %jit3A_68 : f32 to vector<8x4096xf32>
      %select_n3A_70 = arith.select %eq3A_67, %get3A_3, %broadcast_in_dim3A_69 : vector<8x4096xi1>, vector<8x4096xf32>
      %reduce_sum3A = arith.constant dense<0.000000e+00> : vector<8xf32>
      %reduce_sum3A_71 = vector.multi_reduction <add>, %select_n3A_70, %reduce_sum3A [1] : vector<8x4096xf32> to vector<8xf32>
      %broadcast_in_dim3A_72 = vector.shape_cast %reduce_sum3A_71 : vector<8xf32> to vector<8x1xf32>
      %jit3A_73 = arith.constant 0.000000e+00 : f32
      %broadcast_in_dim3A_74 = vector.broadcast %jit3A_73 : f32 to vector<8x4096xf32>
      %select_n3A_75 = arith.select %eq3A_67, %get3A_8, %broadcast_in_dim3A_74 : vector<8x4096xi1>, vector<8x4096xf32>
      %reduce_sum3A_76 = arith.constant dense<0.000000e+00> : vector<8xf32>
      %reduce_sum3A_77 = vector.multi_reduction <add>, %select_n3A_75, %reduce_sum3A_76 [1] : vector<8x4096xf32> to vector<8xf32>
      %broadcast_in_dim3A_78 = vector.shape_cast %reduce_sum3A_77 : vector<8xf32> to vector<8x1xf32>
      %jit3A_79 = arith.constant 0.000000e+00 : f32
      %broadcast_in_dim3A_80 = vector.broadcast %jit3A_79 : f32 to vector<8x4096xf32>
      %select_n3A_81 = arith.select %eq3A_67, %get3A_13, %broadcast_in_dim3A_80 : vector<8x4096xi1>, vector<8x4096xf32>
      %reduce_sum3A_82 = arith.constant dense<0.000000e+00> : vector<8xf32>
      %reduce_sum3A_83 = vector.multi_reduction <add>, %select_n3A_81, %reduce_sum3A_82 [1] : vector<8x4096xf32> to vector<8xf32>
      %broadcast_in_dim3A_84 = vector.shape_cast %reduce_sum3A_83 : vector<8xf32> to vector<8x1xf32>
      %eq3A_85 = vector.broadcast %scan3A_54 : i32 to vector<8x512xi32>
      %eq3A_86 = arith.cmpi eq, %iota3A_14, %eq3A_85 : vector<8x512xi32>
      %broadcast_in_dim3A_87 = vector.shape_cast %broadcast_in_dim3A_72 : vector<8x1xf32> to vector<8x1xf32>
      %broadcast_in_dim3A_88 = vector.broadcast %broadcast_in_dim3A_87 : vector<8x1xf32> to vector<8x512xf32>
      %select_n3A_89 = arith.select %eq3A_86, %broadcast_in_dim3A_88, %scan3A_56 : vector<8x512xi1>, vector<8x512xf32>
      %broadcast_in_dim3A_90 = vector.shape_cast %broadcast_in_dim3A_78 : vector<8x1xf32> to vector<8x1xf32>
      %broadcast_in_dim3A_91 = vector.broadcast %broadcast_in_dim3A_90 : vector<8x1xf32> to vector<8x512xf32>
      %select_n3A_92 = arith.select %eq3A_86, %broadcast_in_dim3A_91, %scan3A_57 : vector<8x512xi1>, vector<8x512xf32>
      %broadcast_in_dim3A_93 = vector.shape_cast %broadcast_in_dim3A_84 : vector<8x1xf32> to vector<8x1xf32>
      %broadcast_in_dim3A_94 = vector.broadcast %broadcast_in_dim3A_93 : vector<8x1xf32> to vector<8x512xf32>
      %select_n3A_95 = arith.select %eq3A_86, %broadcast_in_dim3A_94, %scan3A_58 : vector<8x512xi1>, vector<8x512xf32>
      %sub3A = vector.broadcast %broadcast_in_dim3A_72 : vector<8x1xf32> to vector<8x4096xf32>
      %sub3A_96 = arith.subf %get3A_3, %sub3A : vector<8x4096xf32>
      %sub3A_97 = vector.broadcast %broadcast_in_dim3A_78 : vector<8x1xf32> to vector<8x4096xf32>
      %sub3A_98 = arith.subf %get3A_8, %sub3A_97 : vector<8x4096xf32>
      %sub3A_99 = vector.broadcast %broadcast_in_dim3A_84 : vector<8x1xf32> to vector<8x4096xf32>
      %sub3A_100 = arith.subf %get3A_13, %sub3A_99 : vector<8x4096xf32>
      %mul3A_101 = arith.mulf %sub3A_96, %sub3A_96 : vector<8x4096xf32>
      %mul3A_102 = arith.mulf %sub3A_98, %sub3A_98 : vector<8x4096xf32>
      %add3A_103 = arith.addf %mul3A_101, %mul3A_102 : vector<8x4096xf32>
      %mul3A_104 = arith.mulf %sub3A_100, %sub3A_100 : vector<8x4096xf32>
      %add3A_105 = arith.addf %add3A_103, %mul3A_104 : vector<8x4096xf32>
      %min3A = arith.minimumf %scan3A_59, %add3A_105 : vector<8x4096xf32>
      %reduce_max3A_106 = arith.constant dense<0xFF800000> : vector<8xf32>
      %reduce_max3A_107 = vector.multi_reduction <maximumf>, %min3A, %reduce_max3A_106 [1] : vector<8x4096xf32> to vector<8xf32>
      %broadcast_in_dim3A_108 = vector.shape_cast %reduce_max3A_107 : vector<8xf32> to vector<8x1xf32>
      %eq3A_109 = vector.broadcast %broadcast_in_dim3A_108 : vector<8x1xf32> to vector<8x4096xf32>
      %eq3A_110 = arith.cmpf oeq, %min3A, %eq3A_109 : vector<8x4096xf32>
      %jit3A_111 = arith.constant 1073741824 : i32
      %broadcast_in_dim3A_112 = vector.broadcast %jit3A_111 : i32 to vector<8x4096xi32>
      %select_n3A_113 = arith.select %eq3A_110, %iota3A, %broadcast_in_dim3A_112 : vector<8x4096xi1>, vector<8x4096xi32>
      %reduce_min3A_114 = arith.constant dense<2147483647> : vector<8xi32>
      %reduce_min3A_115 = vector.multi_reduction <minsi>, %select_n3A_113, %reduce_min3A_114 [1] : vector<8x4096xi32> to vector<8xi32>
      %broadcast_in_dim3A_116 = vector.shape_cast %reduce_min3A_115 : vector<8xi32> to vector<8x1xi32>
      scf.yield %select_n3A_65, %select_n3A_89, %select_n3A_92, %select_n3A_95, %min3A, %broadcast_in_dim3A_116 : vector<8x512xi32>, vector<8x512xf32>, vector<8x512xf32>, vector<8x512xf32>, vector<8x4096xf32>, vector<8x1xi32>
    }
    %scan3A_33 = arith.constant 512 : i32
    %swap3A = arith.constant 0 : index
    %swap3A_34 = arith.constant 0 : index
    %swap3A_35 = vector.load %arg1[%swap3A, %swap3A_34] : memref<8x512xi32, #tpu.memory_space<vmem>>, vector<8x512xi32>
    tpu.vector_store %arg1[%swap3A, %swap3A_34], %scan3A_32#0 {strides = array<i32>} : memref<8x512xi32, #tpu.memory_space<vmem>>, vector<8x512xi32>,
    %swap3A_36 = arith.constant 0 : index
    %swap3A_37 = arith.constant 0 : index
    %swap3A_38 = arith.constant 0 : index
    %swap3A_39 = vector.load %arg2[%swap3A_36, %swap3A_37, %swap3A_38] : memref<3x8x512xf32, #tpu.memory_space<vmem>>, vector<1x8x512xf32>
    %swap3A_40 = vector.shape_cast %swap3A_39 : vector<1x8x512xf32> to vector<8x512xf32>
    %swap3A_41 = vector.shape_cast %scan3A_32#1 : vector<8x512xf32> to vector<1x8x512xf32>
    tpu.vector_store %arg2[%swap3A_36, %swap3A_37, %swap3A_38], %swap3A_41 {strides = array<i32>} : memref<3x8x512xf32, #tpu.memory_space<vmem>>, vector<1x8x512xf32>,
    %swap3A_42 = arith.constant 1 : index
    %swap3A_43 = arith.constant 0 : index
    %swap3A_44 = arith.constant 0 : index
    %swap3A_45 = vector.load %arg2[%swap3A_42, %swap3A_43, %swap3A_44] : memref<3x8x512xf32, #tpu.memory_space<vmem>>, vector<1x8x512xf32>
    %swap3A_46 = vector.shape_cast %swap3A_45 : vector<1x8x512xf32> to vector<8x512xf32>
    %swap3A_47 = vector.shape_cast %scan3A_32#2 : vector<8x512xf32> to vector<1x8x512xf32>
    tpu.vector_store %arg2[%swap3A_42, %swap3A_43, %swap3A_44], %swap3A_47 {strides = array<i32>} : memref<3x8x512xf32, #tpu.memory_space<vmem>>, vector<1x8x512xf32>,
    %swap3A_48 = arith.constant 2 : index
    %swap3A_49 = arith.constant 0 : index
    %swap3A_50 = arith.constant 0 : index
    %swap3A_51 = vector.load %arg2[%swap3A_48, %swap3A_49, %swap3A_50] : memref<3x8x512xf32, #tpu.memory_space<vmem>>, vector<1x8x512xf32>
    %swap3A_52 = vector.shape_cast %swap3A_51 : vector<1x8x512xf32> to vector<8x512xf32>
    %swap3A_53 = vector.shape_cast %scan3A_32#3 : vector<8x512xf32> to vector<1x8x512xf32>
    tpu.vector_store %arg2[%swap3A_48, %swap3A_49, %swap3A_50], %swap3A_53 {strides = array<i32>} : memref<3x8x512xf32, #tpu.memory_space<vmem>>, vector<1x8x512xf32>,
    return
  }
}

module attributes {stable_mosaic.version = 14 : i64} {
  func.func @_knn_body(%arg0: i32, %arg1: memref<1x1x512x3xf32, #tpu.memory_space<vmem>>, %arg2: memref<1x3x4096xf32, #tpu.memory_space<vmem>>, %arg3: memref<1x4x128x32xi32, #tpu.memory_space<vmem>>, %arg4: memref<512x128xf32, #tpu.memory_space<vmem>>, %arg5: memref<128x4096xf32, #tpu.memory_space<vmem>>, %arg6: memref<4x128x4096xf32, #tpu.memory_space<vmem>>) attributes {dimension_semantics = [#tpu.dimension_semantics<arbitrary>], iteration_bounds = array<i64: 8>, scalar_prefetch = 0 : i64, scratch_operands = 3 : i64, tpu.core_type = #tpu.core_type<tc>, window_params = [{transform_indices = @transform_0, window_bounds = array<i64: 1, 1, 512, 3>}, {transform_indices = @transform_1, window_bounds = array<i64: 1, 3, 4096>}, {transform_indices = @transform_2, window_bounds = array<i64: 1, 4, 128, 32>}]} {
    %get3A = arith.constant 0 : index
    %get3A_0 = arith.constant 0 : index
    %get3A_1 = arith.constant 0 : index
    %get3A_2 = arith.constant 0 : index
    %get3A_3 = vector.load %arg1[%get3A, %get3A_0, %get3A_1, %get3A_2] : memref<1x1x512x3xf32, #tpu.memory_space<vmem>>, vector<1x1x512x3xf32>
    %get3A_4 = vector.shape_cast %get3A_3 : vector<1x1x512x3xf32> to vector<512x3xf32>
    %get3A_5 = arith.constant 0 : index
    %get3A_6 = arith.constant 0 : index
    %get3A_7 = arith.constant 0 : index
    %get3A_8 = vector.load %arg2[%get3A_5, %get3A_6, %get3A_7] : memref<1x3x4096xf32, #tpu.memory_space<vmem>>, vector<1x1x4096xf32>
    %get3A_9 = vector.shape_cast %get3A_8 : vector<1x1x4096xf32> to vector<1x4096xf32>
    %get3A_10 = arith.constant 0 : index
    %get3A_11 = arith.constant 1 : index
    %get3A_12 = arith.constant 0 : index
    %get3A_13 = vector.load %arg2[%get3A_10, %get3A_11, %get3A_12] : memref<1x3x4096xf32, #tpu.memory_space<vmem>>, vector<1x1x4096xf32>
    %get3A_14 = vector.shape_cast %get3A_13 : vector<1x1x4096xf32> to vector<1x4096xf32>
    %get3A_15 = arith.constant 0 : index
    %get3A_16 = arith.constant 2 : index
    %get3A_17 = arith.constant 0 : index
    %get3A_18 = vector.load %arg2[%get3A_15, %get3A_16, %get3A_17] : memref<1x3x4096xf32, #tpu.memory_space<vmem>>, vector<1x1x4096xf32>
    %get3A_19 = vector.shape_cast %get3A_18 : vector<1x1x4096xf32> to vector<1x4096xf32>
    %broadcast_in_dim3A = arith.constant 0.000000e+00 : f32
    %broadcast_in_dim3A_20 = vector.broadcast %broadcast_in_dim3A : f32 to vector<512x128xf32>
    %swap3A = arith.constant 0 : index
    %swap3A_21 = arith.constant 0 : index
    %swap3A_22 = vector.load %arg4[%swap3A, %swap3A_21] : memref<512x128xf32, #tpu.memory_space<vmem>>, vector<512x128xf32>
    tpu.vector_store %arg4[%swap3A, %swap3A_21], %broadcast_in_dim3A_20 {strides = array<i32>} : memref<512x128xf32, #tpu.memory_space<vmem>>, vector<512x128xf32>,
    %broadcast_in_dim3A_23 = arith.constant 0.000000e+00 : f32
    %broadcast_in_dim3A_24 = vector.broadcast %broadcast_in_dim3A_23 : f32 to vector<128x4096xf32>
    %swap3A_25 = arith.constant 0 : index
    %swap3A_26 = arith.constant 0 : index
    %swap3A_27 = vector.load %arg5[%swap3A_25, %swap3A_26] : memref<128x4096xf32, #tpu.memory_space<vmem>>, vector<128x4096xf32>
    tpu.vector_store %arg5[%swap3A_25, %swap3A_26], %broadcast_in_dim3A_24 {strides = array<i32>} : memref<128x4096xf32, #tpu.memory_space<vmem>>, vector<128x4096xf32>,
    %swap3A_28 = arith.constant 0 : index
    %swap3A_29 = arith.constant 0 : index
    %swap3A_30 = vector.load %arg4[%swap3A_28, %swap3A_29] : memref<512x128xf32, #tpu.memory_space<vmem>>, vector<512x3xf32>
    tpu.vector_store %arg4[%swap3A_28, %swap3A_29], %get3A_4 {strides = array<i32>} : memref<512x128xf32, #tpu.memory_space<vmem>>, vector<512x3xf32>,
    %get3A_31 = arith.constant 0 : index
    %get3A_32 = arith.constant 0 : index
    %get3A_33 = arith.constant 0 : index
    %get3A_34 = vector.load %arg2[%get3A_31, %get3A_32, %get3A_33] : memref<1x3x4096xf32, #tpu.memory_space<vmem>>, vector<1x3x4096xf32>
    %get3A_35 = vector.shape_cast %get3A_34 : vector<1x3x4096xf32> to vector<3x4096xf32>
    %swap3A_36 = arith.constant 0 : index
    %swap3A_37 = arith.constant 0 : index
    %swap3A_38 = vector.load %arg5[%swap3A_36, %swap3A_37] : memref<128x4096xf32, #tpu.memory_space<vmem>>, vector<3x4096xf32>
    tpu.vector_store %arg5[%swap3A_36, %swap3A_37], %get3A_35 {strides = array<i32>} : memref<128x4096xf32, #tpu.memory_space<vmem>>, vector<3x4096xf32>,
    %get3A_39 = arith.constant 0 : index
    %get3A_40 = arith.constant 0 : index
    %get3A_41 = vector.load %arg4[%get3A_39, %get3A_40] : memref<512x128xf32, #tpu.memory_space<vmem>>, vector<512x128xf32>
    %get3A_42 = arith.constant 0 : index
    %get3A_43 = arith.constant 0 : index
    %get3A_44 = vector.load %arg5[%get3A_42, %get3A_43] : memref<128x4096xf32, #tpu.memory_space<vmem>>, vector<128x4096xf32>
    %dot_general3A = arith.constant dense<0.000000e+00> : vector<512x4096xf32>
    %dot_general3A_45 = tpu.matmul %get3A_41, %get3A_44, %dot_general3A {dimension_numbers = #tpu.dot_dimension_numbers<[1], [0], [0], [1], [0, 0, 1, 1], [], []>, transpose_lhs_hint = false} : vector<512x128xf32>, vector<128x4096xf32>, vector<512x4096xf32> -> vector<512x4096xf32>
    %mul3A = arith.mulf %get3A_4, %get3A_4 : vector<512x3xf32>
    %reduce_sum3A = arith.constant dense<0.000000e+00> : vector<512xf32>
    %reduce_sum3A_46 = vector.multi_reduction <add>, %mul3A, %reduce_sum3A [1] : vector<512x3xf32> to vector<512xf32>
    %broadcast_in_dim3A_47 = vector.shape_cast %reduce_sum3A_46 : vector<512xf32> to vector<512x1xf32>
    %mul3A_48 = arith.mulf %get3A_9, %get3A_9 : vector<1x4096xf32>
    %mul3A_49 = arith.mulf %get3A_14, %get3A_14 : vector<1x4096xf32>
    %add3A = arith.addf %mul3A_48, %mul3A_49 : vector<1x4096xf32>
    %mul3A_50 = arith.mulf %get3A_19, %get3A_19 : vector<1x4096xf32>
    %add3A_51 = arith.addf %add3A, %mul3A_50 : vector<1x4096xf32>
    %add3A_52 = vector.broadcast %broadcast_in_dim3A_47 : vector<512x1xf32> to vector<512x4096xf32>
    %add3A_53 = vector.broadcast %add3A_51 : vector<1x4096xf32> to vector<512x4096xf32>
    %add3A_54 = arith.addf %add3A_52, %add3A_53 : vector<512x4096xf32>
    %mul3A_55 = arith.constant 2.000000e+00 : f32
    %mul3A_56 = vector.broadcast %mul3A_55 : f32 to vector<512x4096xf32>
    %mul3A_57 = arith.mulf %mul3A_56, %dot_general3A_45 : vector<512x4096xf32>
    %sub3A = arith.subf %add3A_54, %mul3A_57 : vector<512x4096xf32>
    %max3A = arith.constant 0.000000e+00 : f32
    %max3A_58 = vector.broadcast %max3A : f32 to vector<512x4096xf32>
    %max3A_59 = arith.maximumf %sub3A, %max3A_58 : vector<512x4096xf32>
    %reshape3A = vector.shape_cast %max3A_59 : vector<512x4096xf32> to vector<4x128x4096xf32>
    %swap3A_60 = arith.constant 0 : index
    %swap3A_61 = arith.constant 0 : index
    %swap3A_62 = arith.constant 0 : index
    %swap3A_63 = vector.load %arg6[%swap3A_60, %swap3A_61, %swap3A_62] : memref<4x128x4096xf32, #tpu.memory_space<vmem>>, vector<4x128x4096xf32>
    tpu.vector_store %arg6[%swap3A_60, %swap3A_61, %swap3A_62], %reshape3A {strides = array<i32>} : memref<4x128x4096xf32, #tpu.memory_space<vmem>>, vector<4x128x4096xf32>,
    %iota3A = tpu.iota {dimensions = array<i32: 1>} : vector<128x4096xi32>
    %iota3A_64 = tpu.iota {dimensions = array<i32: 1>} : vector<128x32xi32>
    %scan3A = arith.constant 0 : i32
    %scan3A_65 = arith.constant 4 : i32
    %scan3A_66 = arith.addi %scan3A, %scan3A_65 : i32
    %scan3A_67 = arith.constant 1 : i32
    scf.for %scan3A_69 = %scan3A to %scan3A_66 step %scan3A_67  : i32 {
      %get3A_70 = arith.index_cast %scan3A_69 : i32 to index
      %get3A_71 = arith.constant 0 : index
      %get3A_72 = arith.constant 0 : index
      %get3A_73 = vector.load %arg6[%get3A_70, %get3A_71, %get3A_72] : memref<4x128x4096xf32, #tpu.memory_space<vmem>>, vector<1x128x4096xf32>
      %get3A_74 = vector.shape_cast %get3A_73 : vector<1x128x4096xf32> to vector<128x4096xf32>
      %broadcast_in_dim3A_75 = arith.constant 0 : i32
      %broadcast_in_dim3A_76 = vector.broadcast %broadcast_in_dim3A_75 : i32 to vector<128x32xi32>
      %reduce_min3A = arith.constant dense<0x7F800000> : vector<128xf32>
      %reduce_min3A_77 = vector.multi_reduction <minimumf>, %get3A_74, %reduce_min3A [1] : vector<128x4096xf32> to vector<128xf32>
      %broadcast_in_dim3A_78 = vector.shape_cast %reduce_min3A_77 : vector<128xf32> to vector<128x1xf32>
      %eq3A = vector.broadcast %broadcast_in_dim3A_78 : vector<128x1xf32> to vector<128x4096xf32>
      %eq3A_79 = arith.cmpf oeq, %get3A_74, %eq3A : vector<128x4096xf32>
      %jit3A = arith.constant 1073741824 : i32
      %broadcast_in_dim3A_80 = vector.broadcast %jit3A : i32 to vector<128x4096xi32>
      %select_n3A = arith.select %eq3A_79, %iota3A, %broadcast_in_dim3A_80 : vector<128x4096xi1>, vector<128x4096xi32>
      %reduce_min3A_81 = arith.constant dense<2147483647> : vector<128xi32>
      %reduce_min3A_82 = vector.multi_reduction <minsi>, %select_n3A, %reduce_min3A_81 [1] : vector<128x4096xi32> to vector<128xi32>
      %broadcast_in_dim3A_83 = vector.shape_cast %reduce_min3A_82 : vector<128xi32> to vector<128x1xi32>
      %eq3A_84 = vector.broadcast %broadcast_in_dim3A_83 : vector<128x1xi32> to vector<128x4096xi32>
      %eq3A_85 = arith.cmpi eq, %select_n3A, %eq3A_84 : vector<128x4096xi32>
      %jit3A_86 = arith.constant 3.000000e+38 : f32
      %broadcast_in_dim3A_87 = vector.broadcast %jit3A_86 : f32 to vector<128x4096xf32>
      %select_n3A_88 = arith.select %eq3A_85, %broadcast_in_dim3A_87, %get3A_74 : vector<128x4096xi1>, vector<128x4096xf32>
      %eq3A_89 = arith.constant 0 : i32
      %eq3A_90 = vector.broadcast %eq3A_89 : i32 to vector<128x32xi32>
      %eq3A_91 = arith.cmpi eq, %iota3A_64, %eq3A_90 : vector<128x32xi32>
      %broadcast_in_dim3A_92 = vector.shape_cast %broadcast_in_dim3A_83 : vector<128x1xi32> to vector<128x1xi32>
      %broadcast_in_dim3A_93 = vector.broadcast %broadcast_in_dim3A_92 : vector<128x1xi32> to vector<128x32xi32>
      %select_n3A_94 = arith.select %eq3A_91, %broadcast_in_dim3A_93, %broadcast_in_dim3A_76 : vector<128x32xi1>, vector<128x32xi32>
      %reduce_min3A_95 = arith.constant dense<0x7F800000> : vector<128xf32>
      %reduce_min3A_96 = vector.multi_reduction <minimumf>, %select_n3A_88, %reduce_min3A_95 [1] : vector<128x4096xf32> to vector<128xf32>
      %broadcast_in_dim3A_97 = vector.shape_cast %reduce_min3A_96 : vector<128xf32> to vector<128x1xf32>
      %eq3A_98 = vector.broadcast %broadcast_in_dim3A_97 : vector<128x1xf32> to vector<128x4096xf32>
      %eq3A_99 = arith.cmpf oeq, %select_n3A_88, %eq3A_98 : vector<128x4096xf32>
      %jit3A_100 = arith.constant 1073741824 : i32
      %broadcast_in_dim3A_101 = vector.broadcast %jit3A_100 : i32 to vector<128x4096xi32>
      %select_n3A_102 = arith.select %eq3A_99, %iota3A, %broadcast_in_dim3A_101 : vector<128x4096xi1>, vector<128x4096xi32>
      %reduce_min3A_103 = arith.constant dense<2147483647> : vector<128xi32>
      %reduce_min3A_104 = vector.multi_reduction <minsi>, %select_n3A_102, %reduce_min3A_103 [1] : vector<128x4096xi32> to vector<128xi32>
      %broadcast_in_dim3A_105 = vector.shape_cast %reduce_min3A_104 : vector<128xi32> to vector<128x1xi32>
      %eq3A_106 = vector.broadcast %broadcast_in_dim3A_105 : vector<128x1xi32> to vector<128x4096xi32>
      %eq3A_107 = arith.cmpi eq, %select_n3A_102, %eq3A_106 : vector<128x4096xi32>
      %jit3A_108 = arith.constant 3.000000e+38 : f32
      %broadcast_in_dim3A_109 = vector.broadcast %jit3A_108 : f32 to vector<128x4096xf32>
      %select_n3A_110 = arith.select %eq3A_107, %broadcast_in_dim3A_109, %select_n3A_88 : vector<128x4096xi1>, vector<128x4096xf32>
      %eq3A_111 = arith.constant 1 : i32
      %eq3A_112 = vector.broadcast %eq3A_111 : i32 to vector<128x32xi32>
      %eq3A_113 = arith.cmpi eq, %iota3A_64, %eq3A_112 : vector<128x32xi32>
      %broadcast_in_dim3A_114 = vector.shape_cast %broadcast_in_dim3A_105 : vector<128x1xi32> to vector<128x1xi32>
      %broadcast_in_dim3A_115 = vector.broadcast %broadcast_in_dim3A_114 : vector<128x1xi32> to vector<128x32xi32>
      %select_n3A_116 = arith.select %eq3A_113, %broadcast_in_dim3A_115, %select_n3A_94 : vector<128x32xi1>, vector<128x32xi32>
      %reduce_min3A_117 = arith.constant dense<0x7F800000> : vector<128xf32>
      %reduce_min3A_118 = vector.multi_reduction <minimumf>, %select_n3A_110, %reduce_min3A_117 [1] : vector<128x4096xf32> to vector<128xf32>
      %broadcast_in_dim3A_119 = vector.shape_cast %reduce_min3A_118 : vector<128xf32> to vector<128x1xf32>
      %eq3A_120 = vector.broadcast %broadcast_in_dim3A_119 : vector<128x1xf32> to vector<128x4096xf32>
      %eq3A_121 = arith.cmpf oeq, %select_n3A_110, %eq3A_120 : vector<128x4096xf32>
      %jit3A_122 = arith.constant 1073741824 : i32
      %broadcast_in_dim3A_123 = vector.broadcast %jit3A_122 : i32 to vector<128x4096xi32>
      %select_n3A_124 = arith.select %eq3A_121, %iota3A, %broadcast_in_dim3A_123 : vector<128x4096xi1>, vector<128x4096xi32>
      %reduce_min3A_125 = arith.constant dense<2147483647> : vector<128xi32>
      %reduce_min3A_126 = vector.multi_reduction <minsi>, %select_n3A_124, %reduce_min3A_125 [1] : vector<128x4096xi32> to vector<128xi32>
      %broadcast_in_dim3A_127 = vector.shape_cast %reduce_min3A_126 : vector<128xi32> to vector<128x1xi32>
      %eq3A_128 = vector.broadcast %broadcast_in_dim3A_127 : vector<128x1xi32> to vector<128x4096xi32>
      %eq3A_129 = arith.cmpi eq, %select_n3A_124, %eq3A_128 : vector<128x4096xi32>
      %jit3A_130 = arith.constant 3.000000e+38 : f32
      %broadcast_in_dim3A_131 = vector.broadcast %jit3A_130 : f32 to vector<128x4096xf32>
      %select_n3A_132 = arith.select %eq3A_129, %broadcast_in_dim3A_131, %select_n3A_110 : vector<128x4096xi1>, vector<128x4096xf32>
      %eq3A_133 = arith.constant 2 : i32
      %eq3A_134 = vector.broadcast %eq3A_133 : i32 to vector<128x32xi32>
      %eq3A_135 = arith.cmpi eq, %iota3A_64, %eq3A_134 : vector<128x32xi32>
      %broadcast_in_dim3A_136 = vector.shape_cast %broadcast_in_dim3A_127 : vector<128x1xi32> to vector<128x1xi32>
      %broadcast_in_dim3A_137 = vector.broadcast %broadcast_in_dim3A_136 : vector<128x1xi32> to vector<128x32xi32>
      %select_n3A_138 = arith.select %eq3A_135, %broadcast_in_dim3A_137, %select_n3A_116 : vector<128x32xi1>, vector<128x32xi32>
      %reduce_min3A_139 = arith.constant dense<0x7F800000> : vector<128xf32>
      %reduce_min3A_140 = vector.multi_reduction <minimumf>, %select_n3A_132, %reduce_min3A_139 [1] : vector<128x4096xf32> to vector<128xf32>
      %broadcast_in_dim3A_141 = vector.shape_cast %reduce_min3A_140 : vector<128xf32> to vector<128x1xf32>
      %eq3A_142 = vector.broadcast %broadcast_in_dim3A_141 : vector<128x1xf32> to vector<128x4096xf32>
      %eq3A_143 = arith.cmpf oeq, %select_n3A_132, %eq3A_142 : vector<128x4096xf32>
      %jit3A_144 = arith.constant 1073741824 : i32
      %broadcast_in_dim3A_145 = vector.broadcast %jit3A_144 : i32 to vector<128x4096xi32>
      %select_n3A_146 = arith.select %eq3A_143, %iota3A, %broadcast_in_dim3A_145 : vector<128x4096xi1>, vector<128x4096xi32>
      %reduce_min3A_147 = arith.constant dense<2147483647> : vector<128xi32>
      %reduce_min3A_148 = vector.multi_reduction <minsi>, %select_n3A_146, %reduce_min3A_147 [1] : vector<128x4096xi32> to vector<128xi32>
      %broadcast_in_dim3A_149 = vector.shape_cast %reduce_min3A_148 : vector<128xi32> to vector<128x1xi32>
      %eq3A_150 = vector.broadcast %broadcast_in_dim3A_149 : vector<128x1xi32> to vector<128x4096xi32>
      %eq3A_151 = arith.cmpi eq, %select_n3A_146, %eq3A_150 : vector<128x4096xi32>
      %jit3A_152 = arith.constant 3.000000e+38 : f32
      %broadcast_in_dim3A_153 = vector.broadcast %jit3A_152 : f32 to vector<128x4096xf32>
      %select_n3A_154 = arith.select %eq3A_151, %broadcast_in_dim3A_153, %select_n3A_132 : vector<128x4096xi1>, vector<128x4096xf32>
      %eq3A_155 = arith.constant 3 : i32
      %eq3A_156 = vector.broadcast %eq3A_155 : i32 to vector<128x32xi32>
      %eq3A_157 = arith.cmpi eq, %iota3A_64, %eq3A_156 : vector<128x32xi32>
      %broadcast_in_dim3A_158 = vector.shape_cast %broadcast_in_dim3A_149 : vector<128x1xi32> to vector<128x1xi32>
      %broadcast_in_dim3A_159 = vector.broadcast %broadcast_in_dim3A_158 : vector<128x1xi32> to vector<128x32xi32>
      %select_n3A_160 = arith.select %eq3A_157, %broadcast_in_dim3A_159, %select_n3A_138 : vector<128x32xi1>, vector<128x32xi32>
      %reduce_min3A_161 = arith.constant dense<0x7F800000> : vector<128xf32>
      %reduce_min3A_162 = vector.multi_reduction <minimumf>, %select_n3A_154, %reduce_min3A_161 [1] : vector<128x4096xf32> to vector<128xf32>
      %broadcast_in_dim3A_163 = vector.shape_cast %reduce_min3A_162 : vector<128xf32> to vector<128x1xf32>
      %eq3A_164 = vector.broadcast %broadcast_in_dim3A_163 : vector<128x1xf32> to vector<128x4096xf32>
      %eq3A_165 = arith.cmpf oeq, %select_n3A_154, %eq3A_164 : vector<128x4096xf32>
      %jit3A_166 = arith.constant 1073741824 : i32
      %broadcast_in_dim3A_167 = vector.broadcast %jit3A_166 : i32 to vector<128x4096xi32>
      %select_n3A_168 = arith.select %eq3A_165, %iota3A, %broadcast_in_dim3A_167 : vector<128x4096xi1>, vector<128x4096xi32>
      %reduce_min3A_169 = arith.constant dense<2147483647> : vector<128xi32>
      %reduce_min3A_170 = vector.multi_reduction <minsi>, %select_n3A_168, %reduce_min3A_169 [1] : vector<128x4096xi32> to vector<128xi32>
      %broadcast_in_dim3A_171 = vector.shape_cast %reduce_min3A_170 : vector<128xi32> to vector<128x1xi32>
      %eq3A_172 = vector.broadcast %broadcast_in_dim3A_171 : vector<128x1xi32> to vector<128x4096xi32>
      %eq3A_173 = arith.cmpi eq, %select_n3A_168, %eq3A_172 : vector<128x4096xi32>
      %jit3A_174 = arith.constant 3.000000e+38 : f32
      %broadcast_in_dim3A_175 = vector.broadcast %jit3A_174 : f32 to vector<128x4096xf32>
      %select_n3A_176 = arith.select %eq3A_173, %broadcast_in_dim3A_175, %select_n3A_154 : vector<128x4096xi1>, vector<128x4096xf32>
      %eq3A_177 = arith.constant 4 : i32
      %eq3A_178 = vector.broadcast %eq3A_177 : i32 to vector<128x32xi32>
      %eq3A_179 = arith.cmpi eq, %iota3A_64, %eq3A_178 : vector<128x32xi32>
      %broadcast_in_dim3A_180 = vector.shape_cast %broadcast_in_dim3A_171 : vector<128x1xi32> to vector<128x1xi32>
      %broadcast_in_dim3A_181 = vector.broadcast %broadcast_in_dim3A_180 : vector<128x1xi32> to vector<128x32xi32>
      %select_n3A_182 = arith.select %eq3A_179, %broadcast_in_dim3A_181, %select_n3A_160 : vector<128x32xi1>, vector<128x32xi32>
      %reduce_min3A_183 = arith.constant dense<0x7F800000> : vector<128xf32>
      %reduce_min3A_184 = vector.multi_reduction <minimumf>, %select_n3A_176, %reduce_min3A_183 [1] : vector<128x4096xf32> to vector<128xf32>
      %broadcast_in_dim3A_185 = vector.shape_cast %reduce_min3A_184 : vector<128xf32> to vector<128x1xf32>
      %eq3A_186 = vector.broadcast %broadcast_in_dim3A_185 : vector<128x1xf32> to vector<128x4096xf32>
      %eq3A_187 = arith.cmpf oeq, %select_n3A_176, %eq3A_186 : vector<128x4096xf32>
      %jit3A_188 = arith.constant 1073741824 : i32
      %broadcast_in_dim3A_189 = vector.broadcast %jit3A_188 : i32 to vector<128x4096xi32>
      %select_n3A_190 = arith.select %eq3A_187, %iota3A, %broadcast_in_dim3A_189 : vector<128x4096xi1>, vector<128x4096xi32>
      %reduce_min3A_191 = arith.constant dense<2147483647> : vector<128xi32>
      %reduce_min3A_192 = vector.multi_reduction <minsi>, %select_n3A_190, %reduce_min3A_191 [1] : vector<128x4096xi32> to vector<128xi32>
      %broadcast_in_dim3A_193 = vector.shape_cast %reduce_min3A_192 : vector<128xi32> to vector<128x1xi32>
      %eq3A_194 = vector.broadcast %broadcast_in_dim3A_193 : vector<128x1xi32> to vector<128x4096xi32>
      %eq3A_195 = arith.cmpi eq, %select_n3A_190, %eq3A_194 : vector<128x4096xi32>
      %jit3A_196 = arith.constant 3.000000e+38 : f32
      %broadcast_in_dim3A_197 = vector.broadcast %jit3A_196 : f32 to vector<128x4096xf32>
      %select_n3A_198 = arith.select %eq3A_195, %broadcast_in_dim3A_197, %select_n3A_176 : vector<128x4096xi1>, vector<128x4096xf32>
      %eq3A_199 = arith.constant 5 : i32
      %eq3A_200 = vector.broadcast %eq3A_199 : i32 to vector<128x32xi32>
      %eq3A_201 = arith.cmpi eq, %iota3A_64, %eq3A_200 : vector<128x32xi32>
      %broadcast_in_dim3A_202 = vector.shape_cast %broadcast_in_dim3A_193 : vector<128x1xi32> to vector<128x1xi32>
      %broadcast_in_dim3A_203 = vector.broadcast %broadcast_in_dim3A_202 : vector<128x1xi32> to vector<128x32xi32>
      %select_n3A_204 = arith.select %eq3A_201, %broadcast_in_dim3A_203, %select_n3A_182 : vector<128x32xi1>, vector<128x32xi32>
      %reduce_min3A_205 = arith.constant dense<0x7F800000> : vector<128xf32>
      %reduce_min3A_206 = vector.multi_reduction <minimumf>, %select_n3A_198, %reduce_min3A_205 [1] : vector<128x4096xf32> to vector<128xf32>
      %broadcast_in_dim3A_207 = vector.shape_cast %reduce_min3A_206 : vector<128xf32> to vector<128x1xf32>
      %eq3A_208 = vector.broadcast %broadcast_in_dim3A_207 : vector<128x1xf32> to vector<128x4096xf32>
      %eq3A_209 = arith.cmpf oeq, %select_n3A_198, %eq3A_208 : vector<128x4096xf32>
      %jit3A_210 = arith.constant 1073741824 : i32
      %broadcast_in_dim3A_211 = vector.broadcast %jit3A_210 : i32 to vector<128x4096xi32>
      %select_n3A_212 = arith.select %eq3A_209, %iota3A, %broadcast_in_dim3A_211 : vector<128x4096xi1>, vector<128x4096xi32>
      %reduce_min3A_213 = arith.constant dense<2147483647> : vector<128xi32>
      %reduce_min3A_214 = vector.multi_reduction <minsi>, %select_n3A_212, %reduce_min3A_213 [1] : vector<128x4096xi32> to vector<128xi32>
      %broadcast_in_dim3A_215 = vector.shape_cast %reduce_min3A_214 : vector<128xi32> to vector<128x1xi32>
      %eq3A_216 = vector.broadcast %broadcast_in_dim3A_215 : vector<128x1xi32> to vector<128x4096xi32>
      %eq3A_217 = arith.cmpi eq, %select_n3A_212, %eq3A_216 : vector<128x4096xi32>
      %jit3A_218 = arith.constant 3.000000e+38 : f32
      %broadcast_in_dim3A_219 = vector.broadcast %jit3A_218 : f32 to vector<128x4096xf32>
      %select_n3A_220 = arith.select %eq3A_217, %broadcast_in_dim3A_219, %select_n3A_198 : vector<128x4096xi1>, vector<128x4096xf32>
      %eq3A_221 = arith.constant 6 : i32
      %eq3A_222 = vector.broadcast %eq3A_221 : i32 to vector<128x32xi32>
      %eq3A_223 = arith.cmpi eq, %iota3A_64, %eq3A_222 : vector<128x32xi32>
      %broadcast_in_dim3A_224 = vector.shape_cast %broadcast_in_dim3A_215 : vector<128x1xi32> to vector<128x1xi32>
      %broadcast_in_dim3A_225 = vector.broadcast %broadcast_in_dim3A_224 : vector<128x1xi32> to vector<128x32xi32>
      %select_n3A_226 = arith.select %eq3A_223, %broadcast_in_dim3A_225, %select_n3A_204 : vector<128x32xi1>, vector<128x32xi32>
      %reduce_min3A_227 = arith.constant dense<0x7F800000> : vector<128xf32>
      %reduce_min3A_228 = vector.multi_reduction <minimumf>, %select_n3A_220, %reduce_min3A_227 [1] : vector<128x4096xf32> to vector<128xf32>
      %broadcast_in_dim3A_229 = vector.shape_cast %reduce_min3A_228 : vector<128xf32> to vector<128x1xf32>
      %eq3A_230 = vector.broadcast %broadcast_in_dim3A_229 : vector<128x1xf32> to vector<128x4096xf32>
      %eq3A_231 = arith.cmpf oeq, %select_n3A_220, %eq3A_230 : vector<128x4096xf32>
      %jit3A_232 = arith.constant 1073741824 : i32
      %broadcast_in_dim3A_233 = vector.broadcast %jit3A_232 : i32 to vector<128x4096xi32>
      %select_n3A_234 = arith.select %eq3A_231, %iota3A, %broadcast_in_dim3A_233 : vector<128x4096xi1>, vector<128x4096xi32>
      %reduce_min3A_235 = arith.constant dense<2147483647> : vector<128xi32>
      %reduce_min3A_236 = vector.multi_reduction <minsi>, %select_n3A_234, %reduce_min3A_235 [1] : vector<128x4096xi32> to vector<128xi32>
      %broadcast_in_dim3A_237 = vector.shape_cast %reduce_min3A_236 : vector<128xi32> to vector<128x1xi32>
      %eq3A_238 = vector.broadcast %broadcast_in_dim3A_237 : vector<128x1xi32> to vector<128x4096xi32>
      %eq3A_239 = arith.cmpi eq, %select_n3A_234, %eq3A_238 : vector<128x4096xi32>
      %jit3A_240 = arith.constant 3.000000e+38 : f32
      %broadcast_in_dim3A_241 = vector.broadcast %jit3A_240 : f32 to vector<128x4096xf32>
      %select_n3A_242 = arith.select %eq3A_239, %broadcast_in_dim3A_241, %select_n3A_220 : vector<128x4096xi1>, vector<128x4096xf32>
      %eq3A_243 = arith.constant 7 : i32
      %eq3A_244 = vector.broadcast %eq3A_243 : i32 to vector<128x32xi32>
      %eq3A_245 = arith.cmpi eq, %iota3A_64, %eq3A_244 : vector<128x32xi32>
      %broadcast_in_dim3A_246 = vector.shape_cast %broadcast_in_dim3A_237 : vector<128x1xi32> to vector<128x1xi32>
      %broadcast_in_dim3A_247 = vector.broadcast %broadcast_in_dim3A_246 : vector<128x1xi32> to vector<128x32xi32>
      %select_n3A_248 = arith.select %eq3A_245, %broadcast_in_dim3A_247, %select_n3A_226 : vector<128x32xi1>, vector<128x32xi32>
      %reduce_min3A_249 = arith.constant dense<0x7F800000> : vector<128xf32>
      %reduce_min3A_250 = vector.multi_reduction <minimumf>, %select_n3A_242, %reduce_min3A_249 [1] : vector<128x4096xf32> to vector<128xf32>
      %broadcast_in_dim3A_251 = vector.shape_cast %reduce_min3A_250 : vector<128xf32> to vector<128x1xf32>
      %eq3A_252 = vector.broadcast %broadcast_in_dim3A_251 : vector<128x1xf32> to vector<128x4096xf32>
      %eq3A_253 = arith.cmpf oeq, %select_n3A_242, %eq3A_252 : vector<128x4096xf32>
      %jit3A_254 = arith.constant 1073741824 : i32
      %broadcast_in_dim3A_255 = vector.broadcast %jit3A_254 : i32 to vector<128x4096xi32>
      %select_n3A_256 = arith.select %eq3A_253, %iota3A, %broadcast_in_dim3A_255 : vector<128x4096xi1>, vector<128x4096xi32>
      %reduce_min3A_257 = arith.constant dense<2147483647> : vector<128xi32>
      %reduce_min3A_258 = vector.multi_reduction <minsi>, %select_n3A_256, %reduce_min3A_257 [1] : vector<128x4096xi32> to vector<128xi32>
      %broadcast_in_dim3A_259 = vector.shape_cast %reduce_min3A_258 : vector<128xi32> to vector<128x1xi32>
      %eq3A_260 = vector.broadcast %broadcast_in_dim3A_259 : vector<128x1xi32> to vector<128x4096xi32>
      %eq3A_261 = arith.cmpi eq, %select_n3A_256, %eq3A_260 : vector<128x4096xi32>
      %jit3A_262 = arith.constant 3.000000e+38 : f32
      %broadcast_in_dim3A_263 = vector.broadcast %jit3A_262 : f32 to vector<128x4096xf32>
      %select_n3A_264 = arith.select %eq3A_261, %broadcast_in_dim3A_263, %select_n3A_242 : vector<128x4096xi1>, vector<128x4096xf32>
      %eq3A_265 = arith.constant 8 : i32
      %eq3A_266 = vector.broadcast %eq3A_265 : i32 to vector<128x32xi32>
      %eq3A_267 = arith.cmpi eq, %iota3A_64, %eq3A_266 : vector<128x32xi32>
      %broadcast_in_dim3A_268 = vector.shape_cast %broadcast_in_dim3A_259 : vector<128x1xi32> to vector<128x1xi32>
      %broadcast_in_dim3A_269 = vector.broadcast %broadcast_in_dim3A_268 : vector<128x1xi32> to vector<128x32xi32>
      %select_n3A_270 = arith.select %eq3A_267, %broadcast_in_dim3A_269, %select_n3A_248 : vector<128x32xi1>, vector<128x32xi32>
      %reduce_min3A_271 = arith.constant dense<0x7F800000> : vector<128xf32>
      %reduce_min3A_272 = vector.multi_reduction <minimumf>, %select_n3A_264, %reduce_min3A_271 [1] : vector<128x4096xf32> to vector<128xf32>
      %broadcast_in_dim3A_273 = vector.shape_cast %reduce_min3A_272 : vector<128xf32> to vector<128x1xf32>
      %eq3A_274 = vector.broadcast %broadcast_in_dim3A_273 : vector<128x1xf32> to vector<128x4096xf32>
      %eq3A_275 = arith.cmpf oeq, %select_n3A_264, %eq3A_274 : vector<128x4096xf32>
      %jit3A_276 = arith.constant 1073741824 : i32
      %broadcast_in_dim3A_277 = vector.broadcast %jit3A_276 : i32 to vector<128x4096xi32>
      %select_n3A_278 = arith.select %eq3A_275, %iota3A, %broadcast_in_dim3A_277 : vector<128x4096xi1>, vector<128x4096xi32>
      %reduce_min3A_279 = arith.constant dense<2147483647> : vector<128xi32>
      %reduce_min3A_280 = vector.multi_reduction <minsi>, %select_n3A_278, %reduce_min3A_279 [1] : vector<128x4096xi32> to vector<128xi32>
      %broadcast_in_dim3A_281 = vector.shape_cast %reduce_min3A_280 : vector<128xi32> to vector<128x1xi32>
      %eq3A_282 = vector.broadcast %broadcast_in_dim3A_281 : vector<128x1xi32> to vector<128x4096xi32>
      %eq3A_283 = arith.cmpi eq, %select_n3A_278, %eq3A_282 : vector<128x4096xi32>
      %jit3A_284 = arith.constant 3.000000e+38 : f32
      %broadcast_in_dim3A_285 = vector.broadcast %jit3A_284 : f32 to vector<128x4096xf32>
      %select_n3A_286 = arith.select %eq3A_283, %broadcast_in_dim3A_285, %select_n3A_264 : vector<128x4096xi1>, vector<128x4096xf32>
      %eq3A_287 = arith.constant 9 : i32
      %eq3A_288 = vector.broadcast %eq3A_287 : i32 to vector<128x32xi32>
      %eq3A_289 = arith.cmpi eq, %iota3A_64, %eq3A_288 : vector<128x32xi32>
      %broadcast_in_dim3A_290 = vector.shape_cast %broadcast_in_dim3A_281 : vector<128x1xi32> to vector<128x1xi32>
      %broadcast_in_dim3A_291 = vector.broadcast %broadcast_in_dim3A_290 : vector<128x1xi32> to vector<128x32xi32>
      %select_n3A_292 = arith.select %eq3A_289, %broadcast_in_dim3A_291, %select_n3A_270 : vector<128x32xi1>, vector<128x32xi32>
      %reduce_min3A_293 = arith.constant dense<0x7F800000> : vector<128xf32>
      %reduce_min3A_294 = vector.multi_reduction <minimumf>, %select_n3A_286, %reduce_min3A_293 [1] : vector<128x4096xf32> to vector<128xf32>
      %broadcast_in_dim3A_295 = vector.shape_cast %reduce_min3A_294 : vector<128xf32> to vector<128x1xf32>
      %eq3A_296 = vector.broadcast %broadcast_in_dim3A_295 : vector<128x1xf32> to vector<128x4096xf32>
      %eq3A_297 = arith.cmpf oeq, %select_n3A_286, %eq3A_296 : vector<128x4096xf32>
      %jit3A_298 = arith.constant 1073741824 : i32
      %broadcast_in_dim3A_299 = vector.broadcast %jit3A_298 : i32 to vector<128x4096xi32>
      %select_n3A_300 = arith.select %eq3A_297, %iota3A, %broadcast_in_dim3A_299 : vector<128x4096xi1>, vector<128x4096xi32>
      %reduce_min3A_301 = arith.constant dense<2147483647> : vector<128xi32>
      %reduce_min3A_302 = vector.multi_reduction <minsi>, %select_n3A_300, %reduce_min3A_301 [1] : vector<128x4096xi32> to vector<128xi32>
      %broadcast_in_dim3A_303 = vector.shape_cast %reduce_min3A_302 : vector<128xi32> to vector<128x1xi32>
      %eq3A_304 = vector.broadcast %broadcast_in_dim3A_303 : vector<128x1xi32> to vector<128x4096xi32>
      %eq3A_305 = arith.cmpi eq, %select_n3A_300, %eq3A_304 : vector<128x4096xi32>
      %jit3A_306 = arith.constant 3.000000e+38 : f32
      %broadcast_in_dim3A_307 = vector.broadcast %jit3A_306 : f32 to vector<128x4096xf32>
      %select_n3A_308 = arith.select %eq3A_305, %broadcast_in_dim3A_307, %select_n3A_286 : vector<128x4096xi1>, vector<128x4096xf32>
      %eq3A_309 = arith.constant 10 : i32
      %eq3A_310 = vector.broadcast %eq3A_309 : i32 to vector<128x32xi32>
      %eq3A_311 = arith.cmpi eq, %iota3A_64, %eq3A_310 : vector<128x32xi32>
      %broadcast_in_dim3A_312 = vector.shape_cast %broadcast_in_dim3A_303 : vector<128x1xi32> to vector<128x1xi32>
      %broadcast_in_dim3A_313 = vector.broadcast %broadcast_in_dim3A_312 : vector<128x1xi32> to vector<128x32xi32>
      %select_n3A_314 = arith.select %eq3A_311, %broadcast_in_dim3A_313, %select_n3A_292 : vector<128x32xi1>, vector<128x32xi32>
      %reduce_min3A_315 = arith.constant dense<0x7F800000> : vector<128xf32>
      %reduce_min3A_316 = vector.multi_reduction <minimumf>, %select_n3A_308, %reduce_min3A_315 [1] : vector<128x4096xf32> to vector<128xf32>
      %broadcast_in_dim3A_317 = vector.shape_cast %reduce_min3A_316 : vector<128xf32> to vector<128x1xf32>
      %eq3A_318 = vector.broadcast %broadcast_in_dim3A_317 : vector<128x1xf32> to vector<128x4096xf32>
      %eq3A_319 = arith.cmpf oeq, %select_n3A_308, %eq3A_318 : vector<128x4096xf32>
      %jit3A_320 = arith.constant 1073741824 : i32
      %broadcast_in_dim3A_321 = vector.broadcast %jit3A_320 : i32 to vector<128x4096xi32>
      %select_n3A_322 = arith.select %eq3A_319, %iota3A, %broadcast_in_dim3A_321 : vector<128x4096xi1>, vector<128x4096xi32>
      %reduce_min3A_323 = arith.constant dense<2147483647> : vector<128xi32>
      %reduce_min3A_324 = vector.multi_reduction <minsi>, %select_n3A_322, %reduce_min3A_323 [1] : vector<128x4096xi32> to vector<128xi32>
      %broadcast_in_dim3A_325 = vector.shape_cast %reduce_min3A_324 : vector<128xi32> to vector<128x1xi32>
      %eq3A_326 = vector.broadcast %broadcast_in_dim3A_325 : vector<128x1xi32> to vector<128x4096xi32>
      %eq3A_327 = arith.cmpi eq, %select_n3A_322, %eq3A_326 : vector<128x4096xi32>
      %jit3A_328 = arith.constant 3.000000e+38 : f32
      %broadcast_in_dim3A_329 = vector.broadcast %jit3A_328 : f32 to vector<128x4096xf32>
      %select_n3A_330 = arith.select %eq3A_327, %broadcast_in_dim3A_329, %select_n3A_308 : vector<128x4096xi1>, vector<128x4096xf32>
      %eq3A_331 = arith.constant 11 : i32
      %eq3A_332 = vector.broadcast %eq3A_331 : i32 to vector<128x32xi32>
      %eq3A_333 = arith.cmpi eq, %iota3A_64, %eq3A_332 : vector<128x32xi32>
      %broadcast_in_dim3A_334 = vector.shape_cast %broadcast_in_dim3A_325 : vector<128x1xi32> to vector<128x1xi32>
      %broadcast_in_dim3A_335 = vector.broadcast %broadcast_in_dim3A_334 : vector<128x1xi32> to vector<128x32xi32>
      %select_n3A_336 = arith.select %eq3A_333, %broadcast_in_dim3A_335, %select_n3A_314 : vector<128x32xi1>, vector<128x32xi32>
      %reduce_min3A_337 = arith.constant dense<0x7F800000> : vector<128xf32>
      %reduce_min3A_338 = vector.multi_reduction <minimumf>, %select_n3A_330, %reduce_min3A_337 [1] : vector<128x4096xf32> to vector<128xf32>
      %broadcast_in_dim3A_339 = vector.shape_cast %reduce_min3A_338 : vector<128xf32> to vector<128x1xf32>
      %eq3A_340 = vector.broadcast %broadcast_in_dim3A_339 : vector<128x1xf32> to vector<128x4096xf32>
      %eq3A_341 = arith.cmpf oeq, %select_n3A_330, %eq3A_340 : vector<128x4096xf32>
      %jit3A_342 = arith.constant 1073741824 : i32
      %broadcast_in_dim3A_343 = vector.broadcast %jit3A_342 : i32 to vector<128x4096xi32>
      %select_n3A_344 = arith.select %eq3A_341, %iota3A, %broadcast_in_dim3A_343 : vector<128x4096xi1>, vector<128x4096xi32>
      %reduce_min3A_345 = arith.constant dense<2147483647> : vector<128xi32>
      %reduce_min3A_346 = vector.multi_reduction <minsi>, %select_n3A_344, %reduce_min3A_345 [1] : vector<128x4096xi32> to vector<128xi32>
      %broadcast_in_dim3A_347 = vector.shape_cast %reduce_min3A_346 : vector<128xi32> to vector<128x1xi32>
      %eq3A_348 = vector.broadcast %broadcast_in_dim3A_347 : vector<128x1xi32> to vector<128x4096xi32>
      %eq3A_349 = arith.cmpi eq, %select_n3A_344, %eq3A_348 : vector<128x4096xi32>
      %jit3A_350 = arith.constant 3.000000e+38 : f32
      %broadcast_in_dim3A_351 = vector.broadcast %jit3A_350 : f32 to vector<128x4096xf32>
      %select_n3A_352 = arith.select %eq3A_349, %broadcast_in_dim3A_351, %select_n3A_330 : vector<128x4096xi1>, vector<128x4096xf32>
      %eq3A_353 = arith.constant 12 : i32
      %eq3A_354 = vector.broadcast %eq3A_353 : i32 to vector<128x32xi32>
      %eq3A_355 = arith.cmpi eq, %iota3A_64, %eq3A_354 : vector<128x32xi32>
      %broadcast_in_dim3A_356 = vector.shape_cast %broadcast_in_dim3A_347 : vector<128x1xi32> to vector<128x1xi32>
      %broadcast_in_dim3A_357 = vector.broadcast %broadcast_in_dim3A_356 : vector<128x1xi32> to vector<128x32xi32>
      %select_n3A_358 = arith.select %eq3A_355, %broadcast_in_dim3A_357, %select_n3A_336 : vector<128x32xi1>, vector<128x32xi32>
      %reduce_min3A_359 = arith.constant dense<0x7F800000> : vector<128xf32>
      %reduce_min3A_360 = vector.multi_reduction <minimumf>, %select_n3A_352, %reduce_min3A_359 [1] : vector<128x4096xf32> to vector<128xf32>
      %broadcast_in_dim3A_361 = vector.shape_cast %reduce_min3A_360 : vector<128xf32> to vector<128x1xf32>
      %eq3A_362 = vector.broadcast %broadcast_in_dim3A_361 : vector<128x1xf32> to vector<128x4096xf32>
      %eq3A_363 = arith.cmpf oeq, %select_n3A_352, %eq3A_362 : vector<128x4096xf32>
      %jit3A_364 = arith.constant 1073741824 : i32
      %broadcast_in_dim3A_365 = vector.broadcast %jit3A_364 : i32 to vector<128x4096xi32>
      %select_n3A_366 = arith.select %eq3A_363, %iota3A, %broadcast_in_dim3A_365 : vector<128x4096xi1>, vector<128x4096xi32>
      %reduce_min3A_367 = arith.constant dense<2147483647> : vector<128xi32>
      %reduce_min3A_368 = vector.multi_reduction <minsi>, %select_n3A_366, %reduce_min3A_367 [1] : vector<128x4096xi32> to vector<128xi32>
      %broadcast_in_dim3A_369 = vector.shape_cast %reduce_min3A_368 : vector<128xi32> to vector<128x1xi32>
      %eq3A_370 = vector.broadcast %broadcast_in_dim3A_369 : vector<128x1xi32> to vector<128x4096xi32>
      %eq3A_371 = arith.cmpi eq, %select_n3A_366, %eq3A_370 : vector<128x4096xi32>
      %jit3A_372 = arith.constant 3.000000e+38 : f32
      %broadcast_in_dim3A_373 = vector.broadcast %jit3A_372 : f32 to vector<128x4096xf32>
      %select_n3A_374 = arith.select %eq3A_371, %broadcast_in_dim3A_373, %select_n3A_352 : vector<128x4096xi1>, vector<128x4096xf32>
      %eq3A_375 = arith.constant 13 : i32
      %eq3A_376 = vector.broadcast %eq3A_375 : i32 to vector<128x32xi32>
      %eq3A_377 = arith.cmpi eq, %iota3A_64, %eq3A_376 : vector<128x32xi32>
      %broadcast_in_dim3A_378 = vector.shape_cast %broadcast_in_dim3A_369 : vector<128x1xi32> to vector<128x1xi32>
      %broadcast_in_dim3A_379 = vector.broadcast %broadcast_in_dim3A_378 : vector<128x1xi32> to vector<128x32xi32>
      %select_n3A_380 = arith.select %eq3A_377, %broadcast_in_dim3A_379, %select_n3A_358 : vector<128x32xi1>, vector<128x32xi32>
      %reduce_min3A_381 = arith.constant dense<0x7F800000> : vector<128xf32>
      %reduce_min3A_382 = vector.multi_reduction <minimumf>, %select_n3A_374, %reduce_min3A_381 [1] : vector<128x4096xf32> to vector<128xf32>
      %broadcast_in_dim3A_383 = vector.shape_cast %reduce_min3A_382 : vector<128xf32> to vector<128x1xf32>
      %eq3A_384 = vector.broadcast %broadcast_in_dim3A_383 : vector<128x1xf32> to vector<128x4096xf32>
      %eq3A_385 = arith.cmpf oeq, %select_n3A_374, %eq3A_384 : vector<128x4096xf32>
      %jit3A_386 = arith.constant 1073741824 : i32
      %broadcast_in_dim3A_387 = vector.broadcast %jit3A_386 : i32 to vector<128x4096xi32>
      %select_n3A_388 = arith.select %eq3A_385, %iota3A, %broadcast_in_dim3A_387 : vector<128x4096xi1>, vector<128x4096xi32>
      %reduce_min3A_389 = arith.constant dense<2147483647> : vector<128xi32>
      %reduce_min3A_390 = vector.multi_reduction <minsi>, %select_n3A_388, %reduce_min3A_389 [1] : vector<128x4096xi32> to vector<128xi32>
      %broadcast_in_dim3A_391 = vector.shape_cast %reduce_min3A_390 : vector<128xi32> to vector<128x1xi32>
      %eq3A_392 = vector.broadcast %broadcast_in_dim3A_391 : vector<128x1xi32> to vector<128x4096xi32>
      %eq3A_393 = arith.cmpi eq, %select_n3A_388, %eq3A_392 : vector<128x4096xi32>
      %jit3A_394 = arith.constant 3.000000e+38 : f32
      %broadcast_in_dim3A_395 = vector.broadcast %jit3A_394 : f32 to vector<128x4096xf32>
      %select_n3A_396 = arith.select %eq3A_393, %broadcast_in_dim3A_395, %select_n3A_374 : vector<128x4096xi1>, vector<128x4096xf32>
      %eq3A_397 = arith.constant 14 : i32
      %eq3A_398 = vector.broadcast %eq3A_397 : i32 to vector<128x32xi32>
      %eq3A_399 = arith.cmpi eq, %iota3A_64, %eq3A_398 : vector<128x32xi32>
      %broadcast_in_dim3A_400 = vector.shape_cast %broadcast_in_dim3A_391 : vector<128x1xi32> to vector<128x1xi32>
      %broadcast_in_dim3A_401 = vector.broadcast %broadcast_in_dim3A_400 : vector<128x1xi32> to vector<128x32xi32>
      %select_n3A_402 = arith.select %eq3A_399, %broadcast_in_dim3A_401, %select_n3A_380 : vector<128x32xi1>, vector<128x32xi32>
      %reduce_min3A_403 = arith.constant dense<0x7F800000> : vector<128xf32>
      %reduce_min3A_404 = vector.multi_reduction <minimumf>, %select_n3A_396, %reduce_min3A_403 [1] : vector<128x4096xf32> to vector<128xf32>
      %broadcast_in_dim3A_405 = vector.shape_cast %reduce_min3A_404 : vector<128xf32> to vector<128x1xf32>
      %eq3A_406 = vector.broadcast %broadcast_in_dim3A_405 : vector<128x1xf32> to vector<128x4096xf32>
      %eq3A_407 = arith.cmpf oeq, %select_n3A_396, %eq3A_406 : vector<128x4096xf32>
      %jit3A_408 = arith.constant 1073741824 : i32
      %broadcast_in_dim3A_409 = vector.broadcast %jit3A_408 : i32 to vector<128x4096xi32>
      %select_n3A_410 = arith.select %eq3A_407, %iota3A, %broadcast_in_dim3A_409 : vector<128x4096xi1>, vector<128x4096xi32>
      %reduce_min3A_411 = arith.constant dense<2147483647> : vector<128xi32>
      %reduce_min3A_412 = vector.multi_reduction <minsi>, %select_n3A_410, %reduce_min3A_411 [1] : vector<128x4096xi32> to vector<128xi32>
      %broadcast_in_dim3A_413 = vector.shape_cast %reduce_min3A_412 : vector<128xi32> to vector<128x1xi32>
      %eq3A_414 = vector.broadcast %broadcast_in_dim3A_413 : vector<128x1xi32> to vector<128x4096xi32>
      %eq3A_415 = arith.cmpi eq, %select_n3A_410, %eq3A_414 : vector<128x4096xi32>
      %jit3A_416 = arith.constant 3.000000e+38 : f32
      %broadcast_in_dim3A_417 = vector.broadcast %jit3A_416 : f32 to vector<128x4096xf32>
      %select_n3A_418 = arith.select %eq3A_415, %broadcast_in_dim3A_417, %select_n3A_396 : vector<128x4096xi1>, vector<128x4096xf32>
      %eq3A_419 = arith.constant 15 : i32
      %eq3A_420 = vector.broadcast %eq3A_419 : i32 to vector<128x32xi32>
      %eq3A_421 = arith.cmpi eq, %iota3A_64, %eq3A_420 : vector<128x32xi32>
      %broadcast_in_dim3A_422 = vector.shape_cast %broadcast_in_dim3A_413 : vector<128x1xi32> to vector<128x1xi32>
      %broadcast_in_dim3A_423 = vector.broadcast %broadcast_in_dim3A_422 : vector<128x1xi32> to vector<128x32xi32>
      %select_n3A_424 = arith.select %eq3A_421, %broadcast_in_dim3A_423, %select_n3A_402 : vector<128x32xi1>, vector<128x32xi32>
      %reduce_min3A_425 = arith.constant dense<0x7F800000> : vector<128xf32>
      %reduce_min3A_426 = vector.multi_reduction <minimumf>, %select_n3A_418, %reduce_min3A_425 [1] : vector<128x4096xf32> to vector<128xf32>
      %broadcast_in_dim3A_427 = vector.shape_cast %reduce_min3A_426 : vector<128xf32> to vector<128x1xf32>
      %eq3A_428 = vector.broadcast %broadcast_in_dim3A_427 : vector<128x1xf32> to vector<128x4096xf32>
      %eq3A_429 = arith.cmpf oeq, %select_n3A_418, %eq3A_428 : vector<128x4096xf32>
      %jit3A_430 = arith.constant 1073741824 : i32
      %broadcast_in_dim3A_431 = vector.broadcast %jit3A_430 : i32 to vector<128x4096xi32>
      %select_n3A_432 = arith.select %eq3A_429, %iota3A, %broadcast_in_dim3A_431 : vector<128x4096xi1>, vector<128x4096xi32>
      %reduce_min3A_433 = arith.constant dense<2147483647> : vector<128xi32>
      %reduce_min3A_434 = vector.multi_reduction <minsi>, %select_n3A_432, %reduce_min3A_433 [1] : vector<128x4096xi32> to vector<128xi32>
      %broadcast_in_dim3A_435 = vector.shape_cast %reduce_min3A_434 : vector<128xi32> to vector<128x1xi32>
      %eq3A_436 = vector.broadcast %broadcast_in_dim3A_435 : vector<128x1xi32> to vector<128x4096xi32>
      %eq3A_437 = arith.cmpi eq, %select_n3A_432, %eq3A_436 : vector<128x4096xi32>
      %jit3A_438 = arith.constant 3.000000e+38 : f32
      %broadcast_in_dim3A_439 = vector.broadcast %jit3A_438 : f32 to vector<128x4096xf32>
      %select_n3A_440 = arith.select %eq3A_437, %broadcast_in_dim3A_439, %select_n3A_418 : vector<128x4096xi1>, vector<128x4096xf32>
      %eq3A_441 = arith.constant 16 : i32
      %eq3A_442 = vector.broadcast %eq3A_441 : i32 to vector<128x32xi32>
      %eq3A_443 = arith.cmpi eq, %iota3A_64, %eq3A_442 : vector<128x32xi32>
      %broadcast_in_dim3A_444 = vector.shape_cast %broadcast_in_dim3A_435 : vector<128x1xi32> to vector<128x1xi32>
      %broadcast_in_dim3A_445 = vector.broadcast %broadcast_in_dim3A_444 : vector<128x1xi32> to vector<128x32xi32>
      %select_n3A_446 = arith.select %eq3A_443, %broadcast_in_dim3A_445, %select_n3A_424 : vector<128x32xi1>, vector<128x32xi32>
      %reduce_min3A_447 = arith.constant dense<0x7F800000> : vector<128xf32>
      %reduce_min3A_448 = vector.multi_reduction <minimumf>, %select_n3A_440, %reduce_min3A_447 [1] : vector<128x4096xf32> to vector<128xf32>
      %broadcast_in_dim3A_449 = vector.shape_cast %reduce_min3A_448 : vector<128xf32> to vector<128x1xf32>
      %eq3A_450 = vector.broadcast %broadcast_in_dim3A_449 : vector<128x1xf32> to vector<128x4096xf32>
      %eq3A_451 = arith.cmpf oeq, %select_n3A_440, %eq3A_450 : vector<128x4096xf32>
      %jit3A_452 = arith.constant 1073741824 : i32
      %broadcast_in_dim3A_453 = vector.broadcast %jit3A_452 : i32 to vector<128x4096xi32>
      %select_n3A_454 = arith.select %eq3A_451, %iota3A, %broadcast_in_dim3A_453 : vector<128x4096xi1>, vector<128x4096xi32>
      %reduce_min3A_455 = arith.constant dense<2147483647> : vector<128xi32>
      %reduce_min3A_456 = vector.multi_reduction <minsi>, %select_n3A_454, %reduce_min3A_455 [1] : vector<128x4096xi32> to vector<128xi32>
      %broadcast_in_dim3A_457 = vector.shape_cast %reduce_min3A_456 : vector<128xi32> to vector<128x1xi32>
      %eq3A_458 = vector.broadcast %broadcast_in_dim3A_457 : vector<128x1xi32> to vector<128x4096xi32>
      %eq3A_459 = arith.cmpi eq, %select_n3A_454, %eq3A_458 : vector<128x4096xi32>
      %jit3A_460 = arith.constant 3.000000e+38 : f32
      %broadcast_in_dim3A_461 = vector.broadcast %jit3A_460 : f32 to vector<128x4096xf32>
      %select_n3A_462 = arith.select %eq3A_459, %broadcast_in_dim3A_461, %select_n3A_440 : vector<128x4096xi1>, vector<128x4096xf32>
      %eq3A_463 = arith.constant 17 : i32
      %eq3A_464 = vector.broadcast %eq3A_463 : i32 to vector<128x32xi32>
      %eq3A_465 = arith.cmpi eq, %iota3A_64, %eq3A_464 : vector<128x32xi32>
      %broadcast_in_dim3A_466 = vector.shape_cast %broadcast_in_dim3A_457 : vector<128x1xi32> to vector<128x1xi32>
      %broadcast_in_dim3A_467 = vector.broadcast %broadcast_in_dim3A_466 : vector<128x1xi32> to vector<128x32xi32>
      %select_n3A_468 = arith.select %eq3A_465, %broadcast_in_dim3A_467, %select_n3A_446 : vector<128x32xi1>, vector<128x32xi32>
      %reduce_min3A_469 = arith.constant dense<0x7F800000> : vector<128xf32>
      %reduce_min3A_470 = vector.multi_reduction <minimumf>, %select_n3A_462, %reduce_min3A_469 [1] : vector<128x4096xf32> to vector<128xf32>
      %broadcast_in_dim3A_471 = vector.shape_cast %reduce_min3A_470 : vector<128xf32> to vector<128x1xf32>
      %eq3A_472 = vector.broadcast %broadcast_in_dim3A_471 : vector<128x1xf32> to vector<128x4096xf32>
      %eq3A_473 = arith.cmpf oeq, %select_n3A_462, %eq3A_472 : vector<128x4096xf32>
      %jit3A_474 = arith.constant 1073741824 : i32
      %broadcast_in_dim3A_475 = vector.broadcast %jit3A_474 : i32 to vector<128x4096xi32>
      %select_n3A_476 = arith.select %eq3A_473, %iota3A, %broadcast_in_dim3A_475 : vector<128x4096xi1>, vector<128x4096xi32>
      %reduce_min3A_477 = arith.constant dense<2147483647> : vector<128xi32>
      %reduce_min3A_478 = vector.multi_reduction <minsi>, %select_n3A_476, %reduce_min3A_477 [1] : vector<128x4096xi32> to vector<128xi32>
      %broadcast_in_dim3A_479 = vector.shape_cast %reduce_min3A_478 : vector<128xi32> to vector<128x1xi32>
      %eq3A_480 = vector.broadcast %broadcast_in_dim3A_479 : vector<128x1xi32> to vector<128x4096xi32>
      %eq3A_481 = arith.cmpi eq, %select_n3A_476, %eq3A_480 : vector<128x4096xi32>
      %jit3A_482 = arith.constant 3.000000e+38 : f32
      %broadcast_in_dim3A_483 = vector.broadcast %jit3A_482 : f32 to vector<128x4096xf32>
      %select_n3A_484 = arith.select %eq3A_481, %broadcast_in_dim3A_483, %select_n3A_462 : vector<128x4096xi1>, vector<128x4096xf32>
      %eq3A_485 = arith.constant 18 : i32
      %eq3A_486 = vector.broadcast %eq3A_485 : i32 to vector<128x32xi32>
      %eq3A_487 = arith.cmpi eq, %iota3A_64, %eq3A_486 : vector<128x32xi32>
      %broadcast_in_dim3A_488 = vector.shape_cast %broadcast_in_dim3A_479 : vector<128x1xi32> to vector<128x1xi32>
      %broadcast_in_dim3A_489 = vector.broadcast %broadcast_in_dim3A_488 : vector<128x1xi32> to vector<128x32xi32>
      %select_n3A_490 = arith.select %eq3A_487, %broadcast_in_dim3A_489, %select_n3A_468 : vector<128x32xi1>, vector<128x32xi32>
      %reduce_min3A_491 = arith.constant dense<0x7F800000> : vector<128xf32>
      %reduce_min3A_492 = vector.multi_reduction <minimumf>, %select_n3A_484, %reduce_min3A_491 [1] : vector<128x4096xf32> to vector<128xf32>
      %broadcast_in_dim3A_493 = vector.shape_cast %reduce_min3A_492 : vector<128xf32> to vector<128x1xf32>
      %eq3A_494 = vector.broadcast %broadcast_in_dim3A_493 : vector<128x1xf32> to vector<128x4096xf32>
      %eq3A_495 = arith.cmpf oeq, %select_n3A_484, %eq3A_494 : vector<128x4096xf32>
      %jit3A_496 = arith.constant 1073741824 : i32
      %broadcast_in_dim3A_497 = vector.broadcast %jit3A_496 : i32 to vector<128x4096xi32>
      %select_n3A_498 = arith.select %eq3A_495, %iota3A, %broadcast_in_dim3A_497 : vector<128x4096xi1>, vector<128x4096xi32>
      %reduce_min3A_499 = arith.constant dense<2147483647> : vector<128xi32>
      %reduce_min3A_500 = vector.multi_reduction <minsi>, %select_n3A_498, %reduce_min3A_499 [1] : vector<128x4096xi32> to vector<128xi32>
      %broadcast_in_dim3A_501 = vector.shape_cast %reduce_min3A_500 : vector<128xi32> to vector<128x1xi32>
      %eq3A_502 = vector.broadcast %broadcast_in_dim3A_501 : vector<128x1xi32> to vector<128x4096xi32>
      %eq3A_503 = arith.cmpi eq, %select_n3A_498, %eq3A_502 : vector<128x4096xi32>
      %jit3A_504 = arith.constant 3.000000e+38 : f32
      %broadcast_in_dim3A_505 = vector.broadcast %jit3A_504 : f32 to vector<128x4096xf32>
      %select_n3A_506 = arith.select %eq3A_503, %broadcast_in_dim3A_505, %select_n3A_484 : vector<128x4096xi1>, vector<128x4096xf32>
      %eq3A_507 = arith.constant 19 : i32
      %eq3A_508 = vector.broadcast %eq3A_507 : i32 to vector<128x32xi32>
      %eq3A_509 = arith.cmpi eq, %iota3A_64, %eq3A_508 : vector<128x32xi32>
      %broadcast_in_dim3A_510 = vector.shape_cast %broadcast_in_dim3A_501 : vector<128x1xi32> to vector<128x1xi32>
      %broadcast_in_dim3A_511 = vector.broadcast %broadcast_in_dim3A_510 : vector<128x1xi32> to vector<128x32xi32>
      %select_n3A_512 = arith.select %eq3A_509, %broadcast_in_dim3A_511, %select_n3A_490 : vector<128x32xi1>, vector<128x32xi32>
      %reduce_min3A_513 = arith.constant dense<0x7F800000> : vector<128xf32>
      %reduce_min3A_514 = vector.multi_reduction <minimumf>, %select_n3A_506, %reduce_min3A_513 [1] : vector<128x4096xf32> to vector<128xf32>
      %broadcast_in_dim3A_515 = vector.shape_cast %reduce_min3A_514 : vector<128xf32> to vector<128x1xf32>
      %eq3A_516 = vector.broadcast %broadcast_in_dim3A_515 : vector<128x1xf32> to vector<128x4096xf32>
      %eq3A_517 = arith.cmpf oeq, %select_n3A_506, %eq3A_516 : vector<128x4096xf32>
      %jit3A_518 = arith.constant 1073741824 : i32
      %broadcast_in_dim3A_519 = vector.broadcast %jit3A_518 : i32 to vector<128x4096xi32>
      %select_n3A_520 = arith.select %eq3A_517, %iota3A, %broadcast_in_dim3A_519 : vector<128x4096xi1>, vector<128x4096xi32>
      %reduce_min3A_521 = arith.constant dense<2147483647> : vector<128xi32>
      %reduce_min3A_522 = vector.multi_reduction <minsi>, %select_n3A_520, %reduce_min3A_521 [1] : vector<128x4096xi32> to vector<128xi32>
      %broadcast_in_dim3A_523 = vector.shape_cast %reduce_min3A_522 : vector<128xi32> to vector<128x1xi32>
      %eq3A_524 = vector.broadcast %broadcast_in_dim3A_523 : vector<128x1xi32> to vector<128x4096xi32>
      %eq3A_525 = arith.cmpi eq, %select_n3A_520, %eq3A_524 : vector<128x4096xi32>
      %jit3A_526 = arith.constant 3.000000e+38 : f32
      %broadcast_in_dim3A_527 = vector.broadcast %jit3A_526 : f32 to vector<128x4096xf32>
      %select_n3A_528 = arith.select %eq3A_525, %broadcast_in_dim3A_527, %select_n3A_506 : vector<128x4096xi1>, vector<128x4096xf32>
      %eq3A_529 = arith.constant 20 : i32
      %eq3A_530 = vector.broadcast %eq3A_529 : i32 to vector<128x32xi32>
      %eq3A_531 = arith.cmpi eq, %iota3A_64, %eq3A_530 : vector<128x32xi32>
      %broadcast_in_dim3A_532 = vector.shape_cast %broadcast_in_dim3A_523 : vector<128x1xi32> to vector<128x1xi32>
      %broadcast_in_dim3A_533 = vector.broadcast %broadcast_in_dim3A_532 : vector<128x1xi32> to vector<128x32xi32>
      %select_n3A_534 = arith.select %eq3A_531, %broadcast_in_dim3A_533, %select_n3A_512 : vector<128x32xi1>, vector<128x32xi32>
      %reduce_min3A_535 = arith.constant dense<0x7F800000> : vector<128xf32>
      %reduce_min3A_536 = vector.multi_reduction <minimumf>, %select_n3A_528, %reduce_min3A_535 [1] : vector<128x4096xf32> to vector<128xf32>
      %broadcast_in_dim3A_537 = vector.shape_cast %reduce_min3A_536 : vector<128xf32> to vector<128x1xf32>
      %eq3A_538 = vector.broadcast %broadcast_in_dim3A_537 : vector<128x1xf32> to vector<128x4096xf32>
      %eq3A_539 = arith.cmpf oeq, %select_n3A_528, %eq3A_538 : vector<128x4096xf32>
      %jit3A_540 = arith.constant 1073741824 : i32
      %broadcast_in_dim3A_541 = vector.broadcast %jit3A_540 : i32 to vector<128x4096xi32>
      %select_n3A_542 = arith.select %eq3A_539, %iota3A, %broadcast_in_dim3A_541 : vector<128x4096xi1>, vector<128x4096xi32>
      %reduce_min3A_543 = arith.constant dense<2147483647> : vector<128xi32>
      %reduce_min3A_544 = vector.multi_reduction <minsi>, %select_n3A_542, %reduce_min3A_543 [1] : vector<128x4096xi32> to vector<128xi32>
      %broadcast_in_dim3A_545 = vector.shape_cast %reduce_min3A_544 : vector<128xi32> to vector<128x1xi32>
      %eq3A_546 = vector.broadcast %broadcast_in_dim3A_545 : vector<128x1xi32> to vector<128x4096xi32>
      %eq3A_547 = arith.cmpi eq, %select_n3A_542, %eq3A_546 : vector<128x4096xi32>
      %jit3A_548 = arith.constant 3.000000e+38 : f32
      %broadcast_in_dim3A_549 = vector.broadcast %jit3A_548 : f32 to vector<128x4096xf32>
      %select_n3A_550 = arith.select %eq3A_547, %broadcast_in_dim3A_549, %select_n3A_528 : vector<128x4096xi1>, vector<128x4096xf32>
      %eq3A_551 = arith.constant 21 : i32
      %eq3A_552 = vector.broadcast %eq3A_551 : i32 to vector<128x32xi32>
      %eq3A_553 = arith.cmpi eq, %iota3A_64, %eq3A_552 : vector<128x32xi32>
      %broadcast_in_dim3A_554 = vector.shape_cast %broadcast_in_dim3A_545 : vector<128x1xi32> to vector<128x1xi32>
      %broadcast_in_dim3A_555 = vector.broadcast %broadcast_in_dim3A_554 : vector<128x1xi32> to vector<128x32xi32>
      %select_n3A_556 = arith.select %eq3A_553, %broadcast_in_dim3A_555, %select_n3A_534 : vector<128x32xi1>, vector<128x32xi32>
      %reduce_min3A_557 = arith.constant dense<0x7F800000> : vector<128xf32>
      %reduce_min3A_558 = vector.multi_reduction <minimumf>, %select_n3A_550, %reduce_min3A_557 [1] : vector<128x4096xf32> to vector<128xf32>
      %broadcast_in_dim3A_559 = vector.shape_cast %reduce_min3A_558 : vector<128xf32> to vector<128x1xf32>
      %eq3A_560 = vector.broadcast %broadcast_in_dim3A_559 : vector<128x1xf32> to vector<128x4096xf32>
      %eq3A_561 = arith.cmpf oeq, %select_n3A_550, %eq3A_560 : vector<128x4096xf32>
      %jit3A_562 = arith.constant 1073741824 : i32
      %broadcast_in_dim3A_563 = vector.broadcast %jit3A_562 : i32 to vector<128x4096xi32>
      %select_n3A_564 = arith.select %eq3A_561, %iota3A, %broadcast_in_dim3A_563 : vector<128x4096xi1>, vector<128x4096xi32>
      %reduce_min3A_565 = arith.constant dense<2147483647> : vector<128xi32>
      %reduce_min3A_566 = vector.multi_reduction <minsi>, %select_n3A_564, %reduce_min3A_565 [1] : vector<128x4096xi32> to vector<128xi32>
      %broadcast_in_dim3A_567 = vector.shape_cast %reduce_min3A_566 : vector<128xi32> to vector<128x1xi32>
      %eq3A_568 = vector.broadcast %broadcast_in_dim3A_567 : vector<128x1xi32> to vector<128x4096xi32>
      %eq3A_569 = arith.cmpi eq, %select_n3A_564, %eq3A_568 : vector<128x4096xi32>
      %jit3A_570 = arith.constant 3.000000e+38 : f32
      %broadcast_in_dim3A_571 = vector.broadcast %jit3A_570 : f32 to vector<128x4096xf32>
      %select_n3A_572 = arith.select %eq3A_569, %broadcast_in_dim3A_571, %select_n3A_550 : vector<128x4096xi1>, vector<128x4096xf32>
      %eq3A_573 = arith.constant 22 : i32
      %eq3A_574 = vector.broadcast %eq3A_573 : i32 to vector<128x32xi32>
      %eq3A_575 = arith.cmpi eq, %iota3A_64, %eq3A_574 : vector<128x32xi32>
      %broadcast_in_dim3A_576 = vector.shape_cast %broadcast_in_dim3A_567 : vector<128x1xi32> to vector<128x1xi32>
      %broadcast_in_dim3A_577 = vector.broadcast %broadcast_in_dim3A_576 : vector<128x1xi32> to vector<128x32xi32>
      %select_n3A_578 = arith.select %eq3A_575, %broadcast_in_dim3A_577, %select_n3A_556 : vector<128x32xi1>, vector<128x32xi32>
      %reduce_min3A_579 = arith.constant dense<0x7F800000> : vector<128xf32>
      %reduce_min3A_580 = vector.multi_reduction <minimumf>, %select_n3A_572, %reduce_min3A_579 [1] : vector<128x4096xf32> to vector<128xf32>
      %broadcast_in_dim3A_581 = vector.shape_cast %reduce_min3A_580 : vector<128xf32> to vector<128x1xf32>
      %eq3A_582 = vector.broadcast %broadcast_in_dim3A_581 : vector<128x1xf32> to vector<128x4096xf32>
      %eq3A_583 = arith.cmpf oeq, %select_n3A_572, %eq3A_582 : vector<128x4096xf32>
      %jit3A_584 = arith.constant 1073741824 : i32
      %broadcast_in_dim3A_585 = vector.broadcast %jit3A_584 : i32 to vector<128x4096xi32>
      %select_n3A_586 = arith.select %eq3A_583, %iota3A, %broadcast_in_dim3A_585 : vector<128x4096xi1>, vector<128x4096xi32>
      %reduce_min3A_587 = arith.constant dense<2147483647> : vector<128xi32>
      %reduce_min3A_588 = vector.multi_reduction <minsi>, %select_n3A_586, %reduce_min3A_587 [1] : vector<128x4096xi32> to vector<128xi32>
      %broadcast_in_dim3A_589 = vector.shape_cast %reduce_min3A_588 : vector<128xi32> to vector<128x1xi32>
      %eq3A_590 = vector.broadcast %broadcast_in_dim3A_589 : vector<128x1xi32> to vector<128x4096xi32>
      %eq3A_591 = arith.cmpi eq, %select_n3A_586, %eq3A_590 : vector<128x4096xi32>
      %jit3A_592 = arith.constant 3.000000e+38 : f32
      %broadcast_in_dim3A_593 = vector.broadcast %jit3A_592 : f32 to vector<128x4096xf32>
      %select_n3A_594 = arith.select %eq3A_591, %broadcast_in_dim3A_593, %select_n3A_572 : vector<128x4096xi1>, vector<128x4096xf32>
      %eq3A_595 = arith.constant 23 : i32
      %eq3A_596 = vector.broadcast %eq3A_595 : i32 to vector<128x32xi32>
      %eq3A_597 = arith.cmpi eq, %iota3A_64, %eq3A_596 : vector<128x32xi32>
      %broadcast_in_dim3A_598 = vector.shape_cast %broadcast_in_dim3A_589 : vector<128x1xi32> to vector<128x1xi32>
      %broadcast_in_dim3A_599 = vector.broadcast %broadcast_in_dim3A_598 : vector<128x1xi32> to vector<128x32xi32>
      %select_n3A_600 = arith.select %eq3A_597, %broadcast_in_dim3A_599, %select_n3A_578 : vector<128x32xi1>, vector<128x32xi32>
      %reduce_min3A_601 = arith.constant dense<0x7F800000> : vector<128xf32>
      %reduce_min3A_602 = vector.multi_reduction <minimumf>, %select_n3A_594, %reduce_min3A_601 [1] : vector<128x4096xf32> to vector<128xf32>
      %broadcast_in_dim3A_603 = vector.shape_cast %reduce_min3A_602 : vector<128xf32> to vector<128x1xf32>
      %eq3A_604 = vector.broadcast %broadcast_in_dim3A_603 : vector<128x1xf32> to vector<128x4096xf32>
      %eq3A_605 = arith.cmpf oeq, %select_n3A_594, %eq3A_604 : vector<128x4096xf32>
      %jit3A_606 = arith.constant 1073741824 : i32
      %broadcast_in_dim3A_607 = vector.broadcast %jit3A_606 : i32 to vector<128x4096xi32>
      %select_n3A_608 = arith.select %eq3A_605, %iota3A, %broadcast_in_dim3A_607 : vector<128x4096xi1>, vector<128x4096xi32>
      %reduce_min3A_609 = arith.constant dense<2147483647> : vector<128xi32>
      %reduce_min3A_610 = vector.multi_reduction <minsi>, %select_n3A_608, %reduce_min3A_609 [1] : vector<128x4096xi32> to vector<128xi32>
      %broadcast_in_dim3A_611 = vector.shape_cast %reduce_min3A_610 : vector<128xi32> to vector<128x1xi32>
      %eq3A_612 = vector.broadcast %broadcast_in_dim3A_611 : vector<128x1xi32> to vector<128x4096xi32>
      %eq3A_613 = arith.cmpi eq, %select_n3A_608, %eq3A_612 : vector<128x4096xi32>
      %jit3A_614 = arith.constant 3.000000e+38 : f32
      %broadcast_in_dim3A_615 = vector.broadcast %jit3A_614 : f32 to vector<128x4096xf32>
      %select_n3A_616 = arith.select %eq3A_613, %broadcast_in_dim3A_615, %select_n3A_594 : vector<128x4096xi1>, vector<128x4096xf32>
      %eq3A_617 = arith.constant 24 : i32
      %eq3A_618 = vector.broadcast %eq3A_617 : i32 to vector<128x32xi32>
      %eq3A_619 = arith.cmpi eq, %iota3A_64, %eq3A_618 : vector<128x32xi32>
      %broadcast_in_dim3A_620 = vector.shape_cast %broadcast_in_dim3A_611 : vector<128x1xi32> to vector<128x1xi32>
      %broadcast_in_dim3A_621 = vector.broadcast %broadcast_in_dim3A_620 : vector<128x1xi32> to vector<128x32xi32>
      %select_n3A_622 = arith.select %eq3A_619, %broadcast_in_dim3A_621, %select_n3A_600 : vector<128x32xi1>, vector<128x32xi32>
      %reduce_min3A_623 = arith.constant dense<0x7F800000> : vector<128xf32>
      %reduce_min3A_624 = vector.multi_reduction <minimumf>, %select_n3A_616, %reduce_min3A_623 [1] : vector<128x4096xf32> to vector<128xf32>
      %broadcast_in_dim3A_625 = vector.shape_cast %reduce_min3A_624 : vector<128xf32> to vector<128x1xf32>
      %eq3A_626 = vector.broadcast %broadcast_in_dim3A_625 : vector<128x1xf32> to vector<128x4096xf32>
      %eq3A_627 = arith.cmpf oeq, %select_n3A_616, %eq3A_626 : vector<128x4096xf32>
      %jit3A_628 = arith.constant 1073741824 : i32
      %broadcast_in_dim3A_629 = vector.broadcast %jit3A_628 : i32 to vector<128x4096xi32>
      %select_n3A_630 = arith.select %eq3A_627, %iota3A, %broadcast_in_dim3A_629 : vector<128x4096xi1>, vector<128x4096xi32>
      %reduce_min3A_631 = arith.constant dense<2147483647> : vector<128xi32>
      %reduce_min3A_632 = vector.multi_reduction <minsi>, %select_n3A_630, %reduce_min3A_631 [1] : vector<128x4096xi32> to vector<128xi32>
      %broadcast_in_dim3A_633 = vector.shape_cast %reduce_min3A_632 : vector<128xi32> to vector<128x1xi32>
      %eq3A_634 = vector.broadcast %broadcast_in_dim3A_633 : vector<128x1xi32> to vector<128x4096xi32>
      %eq3A_635 = arith.cmpi eq, %select_n3A_630, %eq3A_634 : vector<128x4096xi32>
      %jit3A_636 = arith.constant 3.000000e+38 : f32
      %broadcast_in_dim3A_637 = vector.broadcast %jit3A_636 : f32 to vector<128x4096xf32>
      %select_n3A_638 = arith.select %eq3A_635, %broadcast_in_dim3A_637, %select_n3A_616 : vector<128x4096xi1>, vector<128x4096xf32>
      %eq3A_639 = arith.constant 25 : i32
      %eq3A_640 = vector.broadcast %eq3A_639 : i32 to vector<128x32xi32>
      %eq3A_641 = arith.cmpi eq, %iota3A_64, %eq3A_640 : vector<128x32xi32>
      %broadcast_in_dim3A_642 = vector.shape_cast %broadcast_in_dim3A_633 : vector<128x1xi32> to vector<128x1xi32>
      %broadcast_in_dim3A_643 = vector.broadcast %broadcast_in_dim3A_642 : vector<128x1xi32> to vector<128x32xi32>
      %select_n3A_644 = arith.select %eq3A_641, %broadcast_in_dim3A_643, %select_n3A_622 : vector<128x32xi1>, vector<128x32xi32>
      %reduce_min3A_645 = arith.constant dense<0x7F800000> : vector<128xf32>
      %reduce_min3A_646 = vector.multi_reduction <minimumf>, %select_n3A_638, %reduce_min3A_645 [1] : vector<128x4096xf32> to vector<128xf32>
      %broadcast_in_dim3A_647 = vector.shape_cast %reduce_min3A_646 : vector<128xf32> to vector<128x1xf32>
      %eq3A_648 = vector.broadcast %broadcast_in_dim3A_647 : vector<128x1xf32> to vector<128x4096xf32>
      %eq3A_649 = arith.cmpf oeq, %select_n3A_638, %eq3A_648 : vector<128x4096xf32>
      %jit3A_650 = arith.constant 1073741824 : i32
      %broadcast_in_dim3A_651 = vector.broadcast %jit3A_650 : i32 to vector<128x4096xi32>
      %select_n3A_652 = arith.select %eq3A_649, %iota3A, %broadcast_in_dim3A_651 : vector<128x4096xi1>, vector<128x4096xi32>
      %reduce_min3A_653 = arith.constant dense<2147483647> : vector<128xi32>
      %reduce_min3A_654 = vector.multi_reduction <minsi>, %select_n3A_652, %reduce_min3A_653 [1] : vector<128x4096xi32> to vector<128xi32>
      %broadcast_in_dim3A_655 = vector.shape_cast %reduce_min3A_654 : vector<128xi32> to vector<128x1xi32>
      %eq3A_656 = vector.broadcast %broadcast_in_dim3A_655 : vector<128x1xi32> to vector<128x4096xi32>
      %eq3A_657 = arith.cmpi eq, %select_n3A_652, %eq3A_656 : vector<128x4096xi32>
      %jit3A_658 = arith.constant 3.000000e+38 : f32
      %broadcast_in_dim3A_659 = vector.broadcast %jit3A_658 : f32 to vector<128x4096xf32>
      %select_n3A_660 = arith.select %eq3A_657, %broadcast_in_dim3A_659, %select_n3A_638 : vector<128x4096xi1>, vector<128x4096xf32>
      %eq3A_661 = arith.constant 26 : i32
      %eq3A_662 = vector.broadcast %eq3A_661 : i32 to vector<128x32xi32>
      %eq3A_663 = arith.cmpi eq, %iota3A_64, %eq3A_662 : vector<128x32xi32>
      %broadcast_in_dim3A_664 = vector.shape_cast %broadcast_in_dim3A_655 : vector<128x1xi32> to vector<128x1xi32>
      %broadcast_in_dim3A_665 = vector.broadcast %broadcast_in_dim3A_664 : vector<128x1xi32> to vector<128x32xi32>
      %select_n3A_666 = arith.select %eq3A_663, %broadcast_in_dim3A_665, %select_n3A_644 : vector<128x32xi1>, vector<128x32xi32>
      %reduce_min3A_667 = arith.constant dense<0x7F800000> : vector<128xf32>
      %reduce_min3A_668 = vector.multi_reduction <minimumf>, %select_n3A_660, %reduce_min3A_667 [1] : vector<128x4096xf32> to vector<128xf32>
      %broadcast_in_dim3A_669 = vector.shape_cast %reduce_min3A_668 : vector<128xf32> to vector<128x1xf32>
      %eq3A_670 = vector.broadcast %broadcast_in_dim3A_669 : vector<128x1xf32> to vector<128x4096xf32>
      %eq3A_671 = arith.cmpf oeq, %select_n3A_660, %eq3A_670 : vector<128x4096xf32>
      %jit3A_672 = arith.constant 1073741824 : i32
      %broadcast_in_dim3A_673 = vector.broadcast %jit3A_672 : i32 to vector<128x4096xi32>
      %select_n3A_674 = arith.select %eq3A_671, %iota3A, %broadcast_in_dim3A_673 : vector<128x4096xi1>, vector<128x4096xi32>
      %reduce_min3A_675 = arith.constant dense<2147483647> : vector<128xi32>
      %reduce_min3A_676 = vector.multi_reduction <minsi>, %select_n3A_674, %reduce_min3A_675 [1] : vector<128x4096xi32> to vector<128xi32>
      %broadcast_in_dim3A_677 = vector.shape_cast %reduce_min3A_676 : vector<128xi32> to vector<128x1xi32>
      %eq3A_678 = vector.broadcast %broadcast_in_dim3A_677 : vector<128x1xi32> to vector<128x4096xi32>
      %eq3A_679 = arith.cmpi eq, %select_n3A_674, %eq3A_678 : vector<128x4096xi32>
      %jit3A_680 = arith.constant 3.000000e+38 : f32
      %broadcast_in_dim3A_681 = vector.broadcast %jit3A_680 : f32 to vector<128x4096xf32>
      %select_n3A_682 = arith.select %eq3A_679, %broadcast_in_dim3A_681, %select_n3A_660 : vector<128x4096xi1>, vector<128x4096xf32>
      %eq3A_683 = arith.constant 27 : i32
      %eq3A_684 = vector.broadcast %eq3A_683 : i32 to vector<128x32xi32>
      %eq3A_685 = arith.cmpi eq, %iota3A_64, %eq3A_684 : vector<128x32xi32>
      %broadcast_in_dim3A_686 = vector.shape_cast %broadcast_in_dim3A_677 : vector<128x1xi32> to vector<128x1xi32>
      %broadcast_in_dim3A_687 = vector.broadcast %broadcast_in_dim3A_686 : vector<128x1xi32> to vector<128x32xi32>
      %select_n3A_688 = arith.select %eq3A_685, %broadcast_in_dim3A_687, %select_n3A_666 : vector<128x32xi1>, vector<128x32xi32>
      %reduce_min3A_689 = arith.constant dense<0x7F800000> : vector<128xf32>
      %reduce_min3A_690 = vector.multi_reduction <minimumf>, %select_n3A_682, %reduce_min3A_689 [1] : vector<128x4096xf32> to vector<128xf32>
      %broadcast_in_dim3A_691 = vector.shape_cast %reduce_min3A_690 : vector<128xf32> to vector<128x1xf32>
      %eq3A_692 = vector.broadcast %broadcast_in_dim3A_691 : vector<128x1xf32> to vector<128x4096xf32>
      %eq3A_693 = arith.cmpf oeq, %select_n3A_682, %eq3A_692 : vector<128x4096xf32>
      %jit3A_694 = arith.constant 1073741824 : i32
      %broadcast_in_dim3A_695 = vector.broadcast %jit3A_694 : i32 to vector<128x4096xi32>
      %select_n3A_696 = arith.select %eq3A_693, %iota3A, %broadcast_in_dim3A_695 : vector<128x4096xi1>, vector<128x4096xi32>
      %reduce_min3A_697 = arith.constant dense<2147483647> : vector<128xi32>
      %reduce_min3A_698 = vector.multi_reduction <minsi>, %select_n3A_696, %reduce_min3A_697 [1] : vector<128x4096xi32> to vector<128xi32>
      %broadcast_in_dim3A_699 = vector.shape_cast %reduce_min3A_698 : vector<128xi32> to vector<128x1xi32>
      %eq3A_700 = vector.broadcast %broadcast_in_dim3A_699 : vector<128x1xi32> to vector<128x4096xi32>
      %eq3A_701 = arith.cmpi eq, %select_n3A_696, %eq3A_700 : vector<128x4096xi32>
      %jit3A_702 = arith.constant 3.000000e+38 : f32
      %broadcast_in_dim3A_703 = vector.broadcast %jit3A_702 : f32 to vector<128x4096xf32>
      %select_n3A_704 = arith.select %eq3A_701, %broadcast_in_dim3A_703, %select_n3A_682 : vector<128x4096xi1>, vector<128x4096xf32>
      %eq3A_705 = arith.constant 28 : i32
      %eq3A_706 = vector.broadcast %eq3A_705 : i32 to vector<128x32xi32>
      %eq3A_707 = arith.cmpi eq, %iota3A_64, %eq3A_706 : vector<128x32xi32>
      %broadcast_in_dim3A_708 = vector.shape_cast %broadcast_in_dim3A_699 : vector<128x1xi32> to vector<128x1xi32>
      %broadcast_in_dim3A_709 = vector.broadcast %broadcast_in_dim3A_708 : vector<128x1xi32> to vector<128x32xi32>
      %select_n3A_710 = arith.select %eq3A_707, %broadcast_in_dim3A_709, %select_n3A_688 : vector<128x32xi1>, vector<128x32xi32>
      %reduce_min3A_711 = arith.constant dense<0x7F800000> : vector<128xf32>
      %reduce_min3A_712 = vector.multi_reduction <minimumf>, %select_n3A_704, %reduce_min3A_711 [1] : vector<128x4096xf32> to vector<128xf32>
      %broadcast_in_dim3A_713 = vector.shape_cast %reduce_min3A_712 : vector<128xf32> to vector<128x1xf32>
      %eq3A_714 = vector.broadcast %broadcast_in_dim3A_713 : vector<128x1xf32> to vector<128x4096xf32>
      %eq3A_715 = arith.cmpf oeq, %select_n3A_704, %eq3A_714 : vector<128x4096xf32>
      %jit3A_716 = arith.constant 1073741824 : i32
      %broadcast_in_dim3A_717 = vector.broadcast %jit3A_716 : i32 to vector<128x4096xi32>
      %select_n3A_718 = arith.select %eq3A_715, %iota3A, %broadcast_in_dim3A_717 : vector<128x4096xi1>, vector<128x4096xi32>
      %reduce_min3A_719 = arith.constant dense<2147483647> : vector<128xi32>
      %reduce_min3A_720 = vector.multi_reduction <minsi>, %select_n3A_718, %reduce_min3A_719 [1] : vector<128x4096xi32> to vector<128xi32>
      %broadcast_in_dim3A_721 = vector.shape_cast %reduce_min3A_720 : vector<128xi32> to vector<128x1xi32>
      %eq3A_722 = vector.broadcast %broadcast_in_dim3A_721 : vector<128x1xi32> to vector<128x4096xi32>
      %eq3A_723 = arith.cmpi eq, %select_n3A_718, %eq3A_722 : vector<128x4096xi32>
      %jit3A_724 = arith.constant 3.000000e+38 : f32
      %broadcast_in_dim3A_725 = vector.broadcast %jit3A_724 : f32 to vector<128x4096xf32>
      %select_n3A_726 = arith.select %eq3A_723, %broadcast_in_dim3A_725, %select_n3A_704 : vector<128x4096xi1>, vector<128x4096xf32>
      %eq3A_727 = arith.constant 29 : i32
      %eq3A_728 = vector.broadcast %eq3A_727 : i32 to vector<128x32xi32>
      %eq3A_729 = arith.cmpi eq, %iota3A_64, %eq3A_728 : vector<128x32xi32>
      %broadcast_in_dim3A_730 = vector.shape_cast %broadcast_in_dim3A_721 : vector<128x1xi32> to vector<128x1xi32>
      %broadcast_in_dim3A_731 = vector.broadcast %broadcast_in_dim3A_730 : vector<128x1xi32> to vector<128x32xi32>
      %select_n3A_732 = arith.select %eq3A_729, %broadcast_in_dim3A_731, %select_n3A_710 : vector<128x32xi1>, vector<128x32xi32>
      %reduce_min3A_733 = arith.constant dense<0x7F800000> : vector<128xf32>
      %reduce_min3A_734 = vector.multi_reduction <minimumf>, %select_n3A_726, %reduce_min3A_733 [1] : vector<128x4096xf32> to vector<128xf32>
      %broadcast_in_dim3A_735 = vector.shape_cast %reduce_min3A_734 : vector<128xf32> to vector<128x1xf32>
      %eq3A_736 = vector.broadcast %broadcast_in_dim3A_735 : vector<128x1xf32> to vector<128x4096xf32>
      %eq3A_737 = arith.cmpf oeq, %select_n3A_726, %eq3A_736 : vector<128x4096xf32>
      %jit3A_738 = arith.constant 1073741824 : i32
      %broadcast_in_dim3A_739 = vector.broadcast %jit3A_738 : i32 to vector<128x4096xi32>
      %select_n3A_740 = arith.select %eq3A_737, %iota3A, %broadcast_in_dim3A_739 : vector<128x4096xi1>, vector<128x4096xi32>
      %reduce_min3A_741 = arith.constant dense<2147483647> : vector<128xi32>
      %reduce_min3A_742 = vector.multi_reduction <minsi>, %select_n3A_740, %reduce_min3A_741 [1] : vector<128x4096xi32> to vector<128xi32>
      %broadcast_in_dim3A_743 = vector.shape_cast %reduce_min3A_742 : vector<128xi32> to vector<128x1xi32>
      %eq3A_744 = vector.broadcast %broadcast_in_dim3A_743 : vector<128x1xi32> to vector<128x4096xi32>
      %eq3A_745 = arith.cmpi eq, %select_n3A_740, %eq3A_744 : vector<128x4096xi32>
      %jit3A_746 = arith.constant 3.000000e+38 : f32
      %broadcast_in_dim3A_747 = vector.broadcast %jit3A_746 : f32 to vector<128x4096xf32>
      %select_n3A_748 = arith.select %eq3A_745, %broadcast_in_dim3A_747, %select_n3A_726 : vector<128x4096xi1>, vector<128x4096xf32>
      %eq3A_749 = arith.constant 30 : i32
      %eq3A_750 = vector.broadcast %eq3A_749 : i32 to vector<128x32xi32>
      %eq3A_751 = arith.cmpi eq, %iota3A_64, %eq3A_750 : vector<128x32xi32>
      %broadcast_in_dim3A_752 = vector.shape_cast %broadcast_in_dim3A_743 : vector<128x1xi32> to vector<128x1xi32>
      %broadcast_in_dim3A_753 = vector.broadcast %broadcast_in_dim3A_752 : vector<128x1xi32> to vector<128x32xi32>
      %select_n3A_754 = arith.select %eq3A_751, %broadcast_in_dim3A_753, %select_n3A_732 : vector<128x32xi1>, vector<128x32xi32>
      %reduce_min3A_755 = arith.constant dense<0x7F800000> : vector<128xf32>
      %reduce_min3A_756 = vector.multi_reduction <minimumf>, %select_n3A_748, %reduce_min3A_755 [1] : vector<128x4096xf32> to vector<128xf32>
      %broadcast_in_dim3A_757 = vector.shape_cast %reduce_min3A_756 : vector<128xf32> to vector<128x1xf32>
      %eq3A_758 = vector.broadcast %broadcast_in_dim3A_757 : vector<128x1xf32> to vector<128x4096xf32>
      %eq3A_759 = arith.cmpf oeq, %select_n3A_748, %eq3A_758 : vector<128x4096xf32>
      %jit3A_760 = arith.constant 1073741824 : i32
      %broadcast_in_dim3A_761 = vector.broadcast %jit3A_760 : i32 to vector<128x4096xi32>
      %select_n3A_762 = arith.select %eq3A_759, %iota3A, %broadcast_in_dim3A_761 : vector<128x4096xi1>, vector<128x4096xi32>
      %reduce_min3A_763 = arith.constant dense<2147483647> : vector<128xi32>
      %reduce_min3A_764 = vector.multi_reduction <minsi>, %select_n3A_762, %reduce_min3A_763 [1] : vector<128x4096xi32> to vector<128xi32>
      %broadcast_in_dim3A_765 = vector.shape_cast %reduce_min3A_764 : vector<128xi32> to vector<128x1xi32>
      %eq3A_766 = arith.constant 31 : i32
      %eq3A_767 = vector.broadcast %eq3A_766 : i32 to vector<128x32xi32>
      %eq3A_768 = arith.cmpi eq, %iota3A_64, %eq3A_767 : vector<128x32xi32>
      %broadcast_in_dim3A_769 = vector.shape_cast %broadcast_in_dim3A_765 : vector<128x1xi32> to vector<128x1xi32>
      %broadcast_in_dim3A_770 = vector.broadcast %broadcast_in_dim3A_769 : vector<128x1xi32> to vector<128x32xi32>
      %select_n3A_771 = arith.select %eq3A_768, %broadcast_in_dim3A_770, %select_n3A_754 : vector<128x32xi1>, vector<128x32xi32>
      %swap3A_772 = arith.constant 0 : index
      %swap3A_773 = arith.index_cast %scan3A_69 : i32 to index
      %swap3A_774 = arith.constant 0 : index
      %swap3A_775 = arith.constant 0 : index
      %swap3A_776 = vector.load %arg3[%swap3A_772, %swap3A_773, %swap3A_774, %swap3A_775] : memref<1x4x128x32xi32, #tpu.memory_space<vmem>>, vector<1x1x128x32xi32>
      %swap3A_777 = vector.shape_cast %swap3A_776 : vector<1x1x128x32xi32> to vector<128x32xi32>
      %swap3A_778 = vector.shape_cast %select_n3A_771 : vector<128x32xi32> to vector<1x1x128x32xi32>
      tpu.vector_store %arg3[%swap3A_772, %swap3A_773, %swap3A_774, %swap3A_775], %swap3A_778 {strides = array<i32>} : memref<1x4x128x32xi32, #tpu.memory_space<vmem>>, vector<1x1x128x32xi32>,
    }
    %scan3A_68 = arith.constant 4 : i32
    return
  }
  func.func @transform_0(%arg0: i32) -> (i32, i32, i32, i32) {
    %c0_i32 = arith.constant 0 : i32
    %c0_i32_0 = arith.constant 0 : i32
    %c0_i32_1 = arith.constant 0 : i32
    %c0_i32_2 = arith.constant 0 : i32
    return %arg0, %c0_i32, %c0_i32_0, %c0_i32_1 : i32, i32, i32, i32
  }
  func.func @transform_1(%arg0: i32) -> (i32, i32, i32) {
    %c0_i32 = arith.constant 0 : i32
    %c0_i32_0 = arith.constant 0 : i32
    %c0_i32_1 = arith.constant 0 : i32
    return %arg0, %c0_i32, %c0_i32_0 : i32, i32, i32
  }
  func.func @transform_2(%arg0: i32) -> (i32, i32, i32, i32) {
    %c0_i32 = arith.constant 0 : i32
    %c0_i32_0 = arith.constant 0 : i32
    %c0_i32_1 = arith.constant 0 : i32
    %c0_i32_2 = arith.constant 0 : i32
    return %arg0, %c0_i32, %c0_i32_0, %c0_i32_1 : i32, i32, i32, i32
  }
}

</mosaic_0001>

<sc_bundles>
// kernel: kernel.6.cloned.1.call-start
scs
__scs_entry_jumppad:
0x0: {  	(pc) =	sbr.rel $0x88, $3  }
0x1: {  	(tag) =	ssettag $0x0;
	lr =	simm.s32 $0x1  }
0x2: {  	[smem:$0x3F9F] =	sst lr;
	_ =	strace $0xD0000000  }
0x3: {  	_ = 	snop  }
0x4: {  	_ = 	snop  }
0x5: {  	_ = 	snop  }
0x6: {  	_ = 	snop  }
0x7: {  	_ = 	snop  }
__scs_overlays_trampoline_lowered:
0x8: {  	[smem:$0x3FAE] =	sst s0  }
0x9: {  	[smem:$0x3FAF] =	sst s1  }
0xa: {  	[smem:$0x3FB0] =	sst s2  }
0xb: {  	[smem:$0x3FB1] =	sst s3  }
0xc: {  	[smem:$0x3FB2] =	sst s4  }
0xd: {  	[smem:$0x3FB3] =	sst s5  }
0xe: {  	[smem:$0x3FB4] =	sst s6  }
0xf: {  	[smem:$0x3FB5] =	sst s7  }
0x10: {  	[smem:$0x3FB6] =	sst s8  }
0x11: {  	[smem:$0x3FB7] =	sst s9;
	s0 =	simm.s32 @!p0 $0x0  }
0x12: {  	s1 =	sld [smem:$0x3F9D];
	s0 =	simm.s32 @p0 $0x1  }
0x13: {  	[smem:$0x3FB8] =	sst s0;
	s0 =	simm.s32 @!p1 $0x0  }
0x14: {  	s2 =	sld [smem:$0x3F9C];
	s0 =	simm.s32 @p1 $0x1  }
0x15: {  	[smem:$0x3FB9] =	sst s0;
	s0 =	simm.s32 @!p2 $0x0  }
0x16: {  	s3 =	sld [smem:$0x3FDB];
	s0 =	simm.s32 @p2 $0x1  }
0x17: {  	s4 =	simm.s32 $0x1BF5;
	[smem:$0x3FBB] =	sst s0  }
0x18: {  	s0 =	sld [smem:$0x3F9E];
	_ =	swait.ge [sflag:s4], $0x0  }
0x19: {  	s7 =	sld [smem:$0x3F9F]  }
0x1a: {  	s8 =	sadd.s32 $0xFFFFE003, lr  }
0x1b: {  	s9 =	sadd.s32 $0xFFFFFEF7, lr;
	s5 =	simm.s32 $0xFFFFFFFF;
	p2 =	slt.u32 s8, $0xFFFFF086  }
0x1c: {  	p1 =	slt.u32 s9, $0xF7A;
	s5 =	simm.s32 @!p2 $0x0  }
0x1d: {  	s5 =	simm.s32 @p1 $0x1;
	p0 =	seq.s32 s7, s2  }
0x1e: {  	s7 =	smul.u32 @!p0 $0xF7A, s2;
	p2 =	seq.s32 @!p0 s5, $0x0  }
0x1f: {  	s9 =	smul.u32 $0xF7A, s1;
	s8 =	simm.s32 @!p0 $0x1BF5;
	p2 =	por !p2, p0  }
0x20: {  	[sflag:s8] =	ssyncset.s32 @!p0 $0xFFFFF086;
	s6 =	sadd.s32 @!p0 s3, s7;
	s7 =	simm.s32 @!p0 $0x108  }
0x21: {  	s3 =	sadd.s32 s3, s9;
	s6 =	sadd.s32 @!p0 $0x88, s6;
	s7 =	simm.s32 @p2 $0x1082  }
0x22: {  	[simem:s7], [sflag:s8] =	dma.local @!p0 [hbm:s6], $0xF7A  }
0x23: {  	s9 =	sor.u32 $0xD0000000, s2;
	s6 =	simm.s32 $0x108;
	_ =	swait.ge @!p0 [sflag:s8], $0x0  }
0x24: {  	s3 =	sadd.s32 $0x88, s3;
	s6 =	simm.s32 @!p1 $0x1082;
	[sflag:s4] =	ssyncset.s32 $0xFFFFF086  }
0x25: {  	[simem:s6], [sflag:s4] =	dma.local [hbm:s3], $0xF7A  }
0x26: {  	[smem:$0x3F9F] =	sst s1;
	(tag) =	ssettag s2;
	_ =	strace s9  }
0x27: {  	s1 =	sld [smem:$0x3FAF]  }
0x28: {  	s2 =	sld [smem:$0x3FB0]  }
0x29: {  	s4 =	sld [smem:$0x3FB2]  }
0x2a: {  	p0 =	seq.s32 s5, $0x0;
	s5 =	sld [smem:$0x3FB3]  }
0x2b: {  	s6 =	sld [smem:$0x3FB4]  }
0x2c: {  	s7 =	sld [smem:$0x3FB5]  }
0x2d: {  	s3 =	simm.s32 $0x108;
	s8 =	sld [smem:$0x3FB6]  }
0x2e: {  	s3 =	simm.s32 @!p0 $0x1082;
	s9 =	sld [smem:$0x3FB7]  }
0x2f: {  	lr =	sadd.s32 s0, s3;
	s0 =	sld [smem:$0x3FAE]  }
0x30: {  	s3 =	sld [smem:$0x3FB1]  }
0x31: {  	[smem:$0x3FBA] =	sst s10  }
0x32: {  	s10 =	sld [smem:$0x3FB8];
	_ =	sdelay $0x3  }
0x33: {  	p0 =	seq.s32 s10, $0x1;
	s10 =	sld [smem:$0x3FBA];
	_ =	sdelay $0x3  }
0x34: {  	[smem:$0x3FBA] =	sst s10  }
0x35: {  	s10 =	sld [smem:$0x3FB9];
	_ =	sdelay $0x3  }
0x36: {  	p1 =	seq.s32 s10, $0x1;
	s10 =	sld [smem:$0x3FBA];
	_ =	sdelay $0x3  }
0x37: {  	[smem:$0x3FBA] =	sst s10  }
0x38: {  	s10 =	sld [smem:$0x3FBB]  }
0x39: {  	_ = 	snop;
	(pc) =	sbr.ind lr, $3  }
0x3a: {  	_ = 	snop  }
0x3b: {  	_ = 	snop  }
0x3c: {  	p2 =	seq.s32 s10, $0x1;
	s10 =	sld [smem:$0x3FBA]  }
0x3d: {  	_ =	shalt  }
0x3e: {  	_ =	shalt  }
0x3f: {  	_ =	shalt  }
0x40: {  	_ =	shalt  }
0x41: {  	_ =	shalt  }
0x42: {  	_ =	shalt  }
0x43: {  	_ =	shalt  }
0x44: {  	_ =	shalt  }
0x45: {  	_ =	shalt  }
0x46: {  	_ =	shalt  }
0x47: {  	_ =	shalt  }
0x48: {  	_ =	shalt  }
0x49: {  	_ =	shalt  }
0x4a: {  	_ =	shalt  }
0x4b: {  	_ =	shalt  }
0x4c: {  	_ =	shalt  }
0x4d: {  	_ =	shalt  }
0x4e: {  	_ =	shalt  }
0x4f: {  	_ =	shalt  }
0x50: {  	_ =	shalt  }
0x51: {  	_ =	shalt  }
0x52: {  	_ =	shalt  }
0x53: {  	_ =	shalt  }
0x54: {  	_ =	shalt  }
0x55: {  	_ =	shalt  }
0x56: {  	_ =	shalt  }
0x57: {  	_ =	shalt  }
0x58: {  	_ =	shalt  }
0x59: {  	_ =	shalt  }
0x5a: {  	_ =	shalt  }
0x5b: {  	_ =	shalt  }
0x5c: {  	_ =	shalt  }
0x5d: {  	_ =	shalt  }
0x5e: {  	_ =	shalt  }
0x5f: {  	_ =	shalt  }
0x60: {  	_ =	shalt  }
0x61: {  	_ =	shalt  }
0x62: {  	_ =	shalt  }
0x63: {  	_ =	shalt  }
0x64: {  	_ =	shalt  }
0x65: {  	_ =	shalt  }
0x66: {  	_ =	shalt  }
0x67: {  	_ =	shalt  }
0x68: {  	_ =	shalt  }
0x69: {  	_ =	shalt  }
0x6a: {  	_ =	shalt  }
0x6b: {  	_ =	shalt  }
0x6c: {  	_ =	shalt  }
0x6d: {  	_ =	shalt  }
0x6e: {  	_ =	shalt  }
0x6f: {  	_ =	shalt  }
0x70: {  	_ =	shalt  }
0x71: {  	_ =	shalt  }
0x72: {  	_ =	shalt  }
0x73: {  	_ =	shalt  }
0x74: {  	_ =	shalt  }
0x75: {  	_ =	shalt  }
0x76: {  	_ =	shalt  }
0x77: {  	_ =	shalt  }
0x78: {  	_ =	shalt  }
0x79: {  	_ =	shalt  }
0x7a: {  	_ =	shalt  }
0x7b: {  	_ =	shalt  }
0x7c: {  	_ =	shalt  }
0x7d: {  	_ =	shalt  }
0x7e: {  	_ =	shalt  }
0x7f: {  	_ =	shalt  }
0x80: {  	_ =	shalt  }
0x81: {  	_ =	shalt  }
0x82: {  	_ =	shalt  }
0x83: {  	_ =	shalt  }
0x84: {  	_ =	shalt  }
0x85: {  	_ =	shalt  }
0x86: {  	_ =	shalt  }
0x87: {  	_ =	shalt  }
.Lfunc_end0:
.L_simem_size_0:
called_computation.1_lowered:
.L_overlay_start_0:
0x88: {  	s2 =	sld [smem:$0x3FD9]  }
0x89: {  	s3 =	sld [smem:$0x3FFE];
	_ =	sdelay $0x1  }
0x8a: {  	s1 =	srdreg.scid  }
0x8b: {  	s0 =	sand.u32 $0x1, s1  }
0x8c: {  	s15 =	sshll.u32 s0, $0xA;
	s2 =	sadd.s32 s3, s2  }
0x8d: {  	s2 =	sadd.s32 s2, s15  }
0x8e: {  	[smem:$0x3FC6] =	sst s2  }
0x8f: {  	_ = 	snop  }
0x90: {  	s16 =	sld [smem:$0x3FD0];
	_ =	sdelay $0x2  }
0x91: {  	s4 =	simm.s32 $0xB;
	s5 =	simm.s32 $0x10;
	s2 =	sld [smem:$0x3FC8]  }
0x92: {  	[smem:s5], [sflag:s4] =	dma.local [hbm:s16], $0x1  }
0x93: {  	_ =	swait.eq [sflag:s4], $0x1  }
0x94: {  	[sflag:s4] =	ssyncset.done $0x0  }
0x95: {  	[sflag:s4] =	ssyncadd.s32 $0xFFFFFFFF  }
0x96: {  	s17 =	sld [smem:$0x11];
	(tm) =	ssettm $0x1  }
0x97: {  	s18 =	sld [smem:$0x3FFB];
	_ =	sdelay $0x3  }
0x98: {  	_ =	strace s18  }
0x99: {  	s3 =	sld [smem:$0x3FFC];
	_ =	sdelay $0x3  }
0x9a: {  	_ =	strace s3  }
0x9b: {  	s3 =	sld [smem:$0x3FFD];
	_ =	sdelay $0x3  }
0x9c: {  	_ =	strace s3  }
0x9d: {  	_ =	strace $0x8FFFFFFF  }
0x9e: {  	s19 =	sld [smem:$0x3FDB];
	_ =	sdelay $0x1  }
0x9f: {  	s20 =	simm.s32 $_scs_section_size  }
0xa0: {  	s6 =	simm.s32 $_size__tile_overlayer_lowered;
	s7 =	simm.s32 $_tile_overlayer_lowered  }
0xa1: {  	s8 =	simm.s32 $0x1BFF;
	s21 =	sshll.u32 s7, $0x1;
	s5 =	sadd.s32 s20, s19  }
0xa2: {  	s22 =	simm.s32 $0x0;
	s6 =	sshll.u32 s6, $0x1;
	s7 =	sadd.s32 s21, s5  }
0xa3: {  	[timem:s22], [sflag:s8] =	dma.local [hbm:s7], s6  }
0xa4: {  	_ =	swait.ge [sflag:s8], s6  }
0xa5: {  	s6 =	ssub.s32 $0x0, s6;
	[sflag:s8] =	ssyncset.done $0x0  }
0xa6: {  	[sflag:s8] =	ssyncadd.s32 s6;
	_ =	sdelay $0x1  }
0xa7: {  	s23 =	simm.s32 $0x1B8B  }
0xa8: {  	_ =	swait.ge [sflag:s23], $0x1  }
0xa9: {  	[sflag:s23] =	ssyncset.done $0x0  }
0xaa: {  	[sflag:s23] =	ssyncadd.s32 $0xFFFFFFFF  }
0xab: {  	s6 =	sld [smem:$0x0]  }
0xac: {  	s7 =	sand.u32 $0xFFFFFFFE, s1  }
0xad: {  	p0 =	sne.s32 s1, s7  }
0xae: {  	s7 =	sshll.u32 @p0 s7, $0xE  }
0xaf: {  	s7 =	sadd.s32 @p0 $0x11B8D, s7;
	s8 =	sshll.u32 @p0 s6, $0x11  }
0xb0: {  	s7 =	sor.u32 @p0 s8, s7  }
0xb1: {  	[sflag:s7] =	ssyncadd.remote.s32 @p0 $0x1;
	_ =	sdelay $0x1  }
0xb2: {  	s7 =	simm.s32 @p0 $0x1B8D  }
0xb3: {  	_ =	swait.eq @p0 [sflag:s7], $0x1  }
0xb4: {  	[sflag:s7] =	ssyncadd.s32 @p0 $0xFFFFFFFF  }
0xb5: {  	s8 =	sshll.u32 @!p0 s1, $0xE  }
0xb6: {  	s8 =	sor.u32 @!p0 $0x4000, s8;
	s7 =	simm.s32 @!p0 $0x1B8D  }
0xb7: {  	s6 =	sshll.u32 @!p0 s6, $0x11;
	s8 =	sadd.s32 @!p0 $0x11B8D, s8;
	_ =	swait.eq @!p0 [sflag:s7], $0x1  }
0xb8: {  	s6 =	sor.u32 @!p0 s6, s8;
	[sflag:s7] =	ssyncadd.s32 @!p0 $0xFFFFFFFF  }
0xb9: {  	s25 =	simm.s32 $0x1B8E;
	s24 =	sld [smem:$0x3FFE];
	[sflag:s6] =	ssyncadd.remote.s32 @!p0 $0x1  }
0xba: {  	s26 =	simm.s32 $execute0_lowered;
	[smem:$0x3FD2] =	sst s25  }
0xbb: {  	s7 =	sshll.u32 s26, $0x1;
	_ =	strace $0x8000004C;
	[dreg:$0x1] =	wrdreg $0xFFFFFFFF  }
0xbc: {  	s28 =	simm.s32 $_size_execute0_lowered;
	s5 =	sadd.s32 s5, s7;
	[dreg:$0x0] =	wrdreg $0x0  }
0xbd: {  	s7 =	sshll.u32 s28, $0x1;
	[dreg:$0x2] =	wrdreg s5  }
0xbe: {  	[dreg:$0x3] =	wrdreg s7  }
0xbf: {  	[dreg:$0x4] =	wrdreg $0xC0  }
0xc0: {  	_ =	task [dreg:s22], $0x5FFFF  }
0xc1: {  	[dreg:$0x1] =	wrdreg $0xFFFFFFFF  }
0xc2: {  	[dreg:$0x0] =	wrdreg $0x60  }
0xc3: {  	[dreg:$0x2] =	wrdreg s2  }
0xc4: {  	[dreg:$0x3] =	wrdreg s24  }
0xc5: {  	[dreg:$0x4] =	wrdreg s17  }
0xc6: {  	[dreg:$0x5] =	wrdreg $0xA  }
0xc7: {  	_ =	task.clear_ibuf [dreg:s22], $0x6FFFF;
	_ =	strace $0x9000004C  }
0xc8: {  	s29 =	simm.s32 $0xA;
	_ =	strace $0x8000004E  }
0xc9: {  	_ =	swait.ge [sflag:s29], $0x1  }
0xca: {  	[sflag:s29] =	ssyncadd.s32 $0xFFFFFFFF  }
0xcb: {  	_ =	strace $0x9000004E  }
0xcc: {  	_ =	sfence  }
0xcd: {  	s30 =	sld [smem:$0x0];
	_ =	sdelay $0x2  }
0xce: {  	s31 =	sshll.u32 s1, $0xD;
	s1 =	sshrl.u32 s1, $0x2  }
0xcf: {  	s4 =	sand.u32 $0x4000, s31;
	s1 =	sadd.s32 s1, s30  }
0xd0: {  	s0 =	sor.u32 s4, s0;
	s1 =	sshll.u32 s1, $0x11  }
0xd1: {  	s0 =	sor.u32 s1, s0  }
0xd2: {  	s0 =	sadd.s32 $0x8F2B, s0  }
0xd3: {  	[sflag:s0] =	ssyncadd.remote.s32 $0x1  }
0xd4: {  	_ =	sfence.sel $0xFFFF  }
0xd5: {  	[dreg:$0x0] =	wrdreg $0xFFFFFFFF;
	(pc) =	sbr.abs _section_cstart, $3  }
0xd6: {  	[dreg:$0x1] =	wrdreg $0xFFFFFFFF  }
0xd7: {  	_ =	task.clear_ibuf [dreg:s22], $0x2FFFF;
	_ =	strace $0x9FFFFFFF  }
0xd8: {  	(tm) =	ssettm $0x7FFFFFFF  }
0xd9: {  	_ =	shalt  }
tec
execute0_lowered:
.L_overlay_start_1:
0x0: {  	(tag) =	ssettag $0x1  }
0x1: {  	s1 =	rddreg [dreg:$0x0]  }
0x2: {  	s4 =	rddreg [dreg:$0x1]  }
0x3: {  	s5 =	rddreg [dreg:$0x2];
	s3 =	srdreg.scid  }
0x4: {  	s0 =	rddreg [dreg:$0x3];
	s2 =	stileid.u32;
	s10 =	simm.s32 $0x1080  }
0x5: {  	s11 =	simm.s32 $0x1880;
	s12 =	simm.s32 $0x2080;
	s13 =	simm.s32 $0x2880  }
0x6: {  	s14 =	simm.s32 $0x3080;
	s15 =	simm.s32 $0x3880;
	s16 =	simm.s32 $0x4080  }
0x7: {  	s17 =	simm.s32 $0x4880;
	s18 =	simm.s32 $0x5080;
	s19 =	simm.s32 $0x5880  }
0x8: {  	s20 =	simm.s32 $0x6080;
	s21 =	simm.s32 $0x6880;
	s22 =	simm.s32 $0x7080  }
0x9: {  	s23 =	simm.s32 $0x7880;
	s24 =	simm.s32 $0x1;
	s6 =	sand.u32 $0x1, s3  }
0xa: {  	s3 =	simm.s32 $0x0;
	s7 =	sshll.u32 s2, $0x8;
	s8 =	sshll.u32 s6, $0x7  }
0xb: {  	[smem:$0x7FF] =	sst s3;
	s6 =	ssub.s32 $0x2, s6;
	s7 =	sor.u32 s8, s7  }
0xc: {  	_ =	strace $0x8000004D;
	s9 =	sshrl.u32 s6, $0x1;
	s8 =	sshrl.u32 s7, $0x3  }
0xd: {  	v2 =	vlaneseq.u32;
	s6 =	ssub.s32 s6, s9;
	s7 =	sshll.u32 s7, $0x5;
	s9 =	simm.s32 $0x880  }
0xe: {  	vm0 =	vmmov $0xffff;
	v1 =	vshrl.u32 v2, $0x3;
	s4 =	sadd.s32 s8, s4;
	s5 =	sadd.s32 s5, s7;
	s6 =	smax.u32 s6, $0x1  }
0xf: {  	v0 =	vand.u32 $0x7, v2;
	v2 =	vor.u32 $0x8, v2;
	v1 =	vmul.u32 $0x8, v1;
	s7 =	simm.s32 $0x2;
	s8 =	simm.s32 $0x80;
	s4 =	sadd.s32 $0x61EC00, s4  }
.LBB2_1:
0x10: {  	[tilespmem:s3], [sflag:$0x2] =	stream.linear.gather [hbm4b:s4+s3], $0x80, $0x38;
	[tilespmem:$0x8080] =	vst v63  }
0x11: {  	_ =	swait.ge [sflag:s7], $0x80  }
0x12: {  	[sflag:s7] =	ssyncset.done $0x0  }
0x13: {  	[sflag:s7] =	ssyncadd.s32 $0xFFFFFF80  }
0x14: {  	v3 =	vld [tilespmem:$0x0];
	_ =	sdelay $0x4  }
0x15: {  	v4 =	vshll.u32 v3, $0x1  }
0x16: {  	v3 =	vand.u32 $0x7, v3;
	v4 =	vand.u32 $0xFFFFFFF0, v4  }
0x17: {  	v3 =	vor.u32 v3, v4  }
0x18: {  	v4 =	vperm.xlane v3, v0;
	_ =	sdelay $0x1  }
0x19: {  	v3 =	vperm.xlane v3, v2;
	v4 =	vadd.s32 v1, v4;
	_ =	sdelay $0x1  }
0x1a: {  	v3 =	vadd.s32 v1, v3;
	_ =	sdelay $0x2  }
0x1b: {  	[tilespmem:s8], [sflag:$0x1] =	stream.indirect_vreg.gather [hbm4b:s1+s3], $0x80, v4, vm0, $0xb8;
	[tilespmem:$0x8080] =	vst v63  }
0x1c: {  	_ = 	snop  }
0x1d: {  	[tilespmem:s9], [sflag:$0x1] =	stream.indirect_vreg.gather [hbm4b:s1+s3], $0x80, v3, vm0, $0xb8;
	[tilespmem:$0x8080] =	vst v63  }
0x1e: {  	v3 =	vld [tilespmem:$0x10];
	_ =	sdelay $0x4  }
0x1f: {  	v57 =	vshll.u32 v3, $0x1  }
0x20: {  	v3 =	vand.u32 $0x7, v3;
	v4 =	vand.u32 $0xFFFFFFF0, v57  }
0x21: {  	v3 =	vor.u32 v3, v4  }
0x22: {  	v4 =	vperm.xlane v3, v0;
	_ =	sdelay $0x1  }
0x23: {  	v3 =	vperm.xlane v3, v2;
	v4 =	vadd.s32 v1, v4;
	_ =	sdelay $0x1  }
0x24: {  	v3 =	vadd.s32 v1, v3;
	_ =	sdelay $0x2  }
0x25: {  	[tilespmem:s10], [sflag:$0x1] =	stream.indirect_vreg.gather [hbm4b:s1+s3], $0x80, v4, vm0, $0xb8;
	[tilespmem:$0x8080] =	vst v63  }
0x26: {  	_ = 	snop  }
0x27: {  	[tilespmem:s11], [sflag:$0x1] =	stream.indirect_vreg.gather [hbm4b:s1+s3], $0x80, v3, vm0, $0xb8;
	[tilespmem:$0x8080] =	vst v63  }
0x28: {  	v3 =	vld [tilespmem:$0x20];
	_ =	sdelay $0x4  }
0x29: {  	v58 =	vshll.u32 v3, $0x1  }
0x2a: {  	v3 =	vand.u32 $0x7, v3;
	v4 =	vand.u32 $0xFFFFFFF0, v58  }
0x2b: {  	v3 =	vor.u32 v3, v4  }
0x2c: {  	v4 =	vperm.xlane v3, v0;
	_ =	sdelay $0x1  }
0x2d: {  	v3 =	vperm.xlane v3, v2;
	v4 =	vadd.s32 v1, v4;
	_ =	sdelay $0x1  }
0x2e: {  	v3 =	vadd.s32 v1, v3;
	_ =	sdelay $0x2  }
0x2f: {  	[tilespmem:s12], [sflag:$0x1] =	stream.indirect_vreg.gather [hbm4b:s1+s3], $0x80, v4, vm0, $0xb8;
	[tilespmem:$0x8080] =	vst v63  }
0x30: {  	_ = 	snop  }
0x31: {  	[tilespmem:s13], [sflag:$0x1] =	stream.indirect_vreg.gather [hbm4b:s1+s3], $0x80, v3, vm0, $0xb8;
	[tilespmem:$0x8080] =	vst v63  }
0x32: {  	v3 =	vld [tilespmem:$0x30];
	_ =	sdelay $0x4  }
0x33: {  	v59 =	vshll.u32 v3, $0x1  }
0x34: {  	v3 =	vand.u32 $0x7, v3;
	v4 =	vand.u32 $0xFFFFFFF0, v59  }
0x35: {  	v3 =	vor.u32 v3, v4  }
0x36: {  	v4 =	vperm.xlane v3, v0;
	_ =	sdelay $0x1  }
0x37: {  	v3 =	vperm.xlane v3, v2;
	v4 =	vadd.s32 v1, v4;
	_ =	sdelay $0x1  }
0x38: {  	v3 =	vadd.s32 v1, v3;
	_ =	sdelay $0x2  }
0x39: {  	[tilespmem:s14], [sflag:$0x1] =	stream.indirect_vreg.gather [hbm4b:s1+s3], $0x80, v4, vm0, $0xb8;
	[tilespmem:$0x8080] =	vst v63  }
0x3a: {  	_ = 	snop  }
0x3b: {  	[tilespmem:s15], [sflag:$0x1] =	stream.indirect_vreg.gather [hbm4b:s1+s3], $0x80, v3, vm0, $0xb8;
	[tilespmem:$0x8080] =	vst v63  }
0x3c: {  	v3 =	vld [tilespmem:$0x40];
	_ =	sdelay $0x4  }
0x3d: {  	v60 =	vshll.u32 v3, $0x1  }
0x3e: {  	v3 =	vand.u32 $0x7, v3;
	v4 =	vand.u32 $0xFFFFFFF0, v60  }
0x3f: {  	v3 =	vor.u32 v3, v4  }
0x40: {  	v4 =	vperm.xlane v3, v0;
	_ =	sdelay $0x1  }
0x41: {  	v3 =	vperm.xlane v3, v2;
	v4 =	vadd.s32 v1, v4;
	_ =	sdelay $0x1  }
0x42: {  	v3 =	vadd.s32 v1, v3;
	_ =	sdelay $0x2  }
0x43: {  	[tilespmem:s16], [sflag:$0x1] =	stream.indirect_vreg.gather [hbm4b:s1+s3], $0x80, v4, vm0, $0xb8;
	[tilespmem:$0x8080] =	vst v63  }
0x44: {  	_ = 	snop  }
0x45: {  	[tilespmem:s17], [sflag:$0x1] =	stream.indirect_vreg.gather [hbm4b:s1+s3], $0x80, v3, vm0, $0xb8;
	[tilespmem:$0x8080] =	vst v63  }
0x46: {  	v3 =	vld [tilespmem:$0x50];
	_ =	sdelay $0x4  }
0x47: {  	v61 =	vshll.u32 v3, $0x1  }
0x48: {  	v3 =	vand.u32 $0x7, v3;
	v4 =	vand.u32 $0xFFFFFFF0, v61  }
0x49: {  	v3 =	vor.u32 v3, v4  }
0x4a: {  	v4 =	vperm.xlane v3, v0;
	_ =	sdelay $0x1  }
0x4b: {  	v3 =	vperm.xlane v3, v2;
	v4 =	vadd.s32 v1, v4;
	_ =	sdelay $0x1  }
0x4c: {  	v3 =	vadd.s32 v1, v3;
	_ =	sdelay $0x2  }
0x4d: {  	[tilespmem:s18], [sflag:$0x1] =	stream.indirect_vreg.gather [hbm4b:s1+s3], $0x80, v4, vm0, $0xb8;
	[tilespmem:$0x8080] =	vst v63  }
0x4e: {  	_ = 	snop  }
0x4f: {  	[tilespmem:s19], [sflag:$0x1] =	stream.indirect_vreg.gather [hbm4b:s1+s3], $0x80, v3, vm0, $0xb8;
	[tilespmem:$0x8080] =	vst v63  }
0x50: {  	v3 =	vld [tilespmem:$0x60];
	_ =	sdelay $0x4  }
0x51: {  	v62 =	vshll.u32 v3, $0x1  }
0x52: {  	v3 =	vand.u32 $0x7, v3;
	v4 =	vand.u32 $0xFFFFFFF0, v62  }
0x53: {  	v3 =	vor.u32 v3, v4  }
0x54: {  	v4 =	vperm.xlane v3, v0;
	_ =	sdelay $0x1  }
0x55: {  	v3 =	vperm.xlane v3, v2;
	v4 =	vadd.s32 v1, v4;
	_ =	sdelay $0x1  }
0x56: {  	v3 =	vadd.s32 v1, v3;
	_ =	sdelay $0x2  }
0x57: {  	[tilespmem:s20], [sflag:$0x1] =	stream.indirect_vreg.gather [hbm4b:s1+s3], $0x80, v4, vm0, $0xb8;
	[tilespmem:$0x8080] =	vst v63  }
0x58: {  	_ = 	snop  }
0x59: {  	[tilespmem:s21], [sflag:$0x1] =	stream.indirect_vreg.gather [hbm4b:s1+s3], $0x80, v3, vm0, $0xb8;
	[tilespmem:$0x8080] =	vst v63  }
0x5a: {  	v3 =	vld [tilespmem:$0x70];
	_ =	sdelay $0x4  }
0x5b: {  	v63 =	vshll.u32 v3, $0x1  }
0x5c: {  	v3 =	vand.u32 $0x7, v3;
	v4 =	vand.u32 $0xFFFFFFF0, v63  }
0x5d: {  	v3 =	vor.u32 v3, v4  }
0x5e: {  	v4 =	vperm.xlane v3, v0;
	_ =	sdelay $0x1  }
0x5f: {  	v3 =	vperm.xlane v3, v2;
	v4 =	vadd.s32 v1, v4;
	_ =	sdelay $0x1  }
0x60: {  	v3 =	vadd.s32 v1, v3;
	_ =	sdelay $0x2  }
0x61: {  	[tilespmem:s22], [sflag:$0x1] =	stream.indirect_vreg.gather [hbm4b:s1+s3], $0x80, v4, vm0, $0xb8;
	[tilespmem:$0x8080] =	vst v63  }
0x62: {  	_ = 	snop  }
0x63: {  	[tilespmem:s23], [sflag:$0x1] =	stream.indirect_vreg.gather [hbm4b:s1+s3], $0x80, v3, vm0, $0xb8;
	[tilespmem:$0x8080] =	vst v63  }
0x64: {  	_ =	swait.ge [sflag:s24], $0x8000  }
0x65: {  	p0 =	sne.s32 s6, $0x1;
	[sflag:s24] =	ssyncset.done $0x0  }
.Ltmp0:
0x66: {  	[sflag:s24] =	ssyncadd.s32 $0xFFFF8000;
	(pc) =	sbr.rel @p0 .LBB2_1-.Ltmp0, $4  }
0x67: {  	[hbm4b:s5+s3] =	stream.linear.scatter [tilespmem:s8], [sflag:$0x2], $0x8000, $0x38;
	[tilespmem:$0x8080] =	vst v63  }
0x68: {  	_ =	swait.ge [sflag:s7], $0x8000  }
0x69: {  	[sflag:s7] =	ssyncset.done $0x0  }
0x6a: {  	s6 =	sadd.s32 $0xFFFFFFFF, s6;
	[sflag:s7] =	ssyncadd.s32 $0xFFFF8000  }
0x6b: {  	_ =	sfence.sel $0x180000  }
0x6c: {  	[bflag:$0x0] =	sbarrier.arrive $0xFFFF  }
0x6d: {  	p0 =	sne.s32 s2, $0x0;
	_ =	strace $0x9000004D  }
0x6e: {  	s0 =	sadd.s32 @!p0 $0x100000, s0;
	[bflag:$0x2] =	sbarrier.arrive $0xFFFF  }
0x6f: {  	[sflag:s0] =	ssyncadd.tile.s32 @!p0 $0x1;
	_ =	shalt  }
.Lfunc_end2:
_tile_overlayer_lowered:
.L_overlay_start_2:
0x70: {  	(tag) =	ssettag $0x2  }
0x71: {  	s0 =	rddreg [dreg:$0x0];
	s2 =	stileid.u32  }
0x72: {  	s1 =	rddreg [dreg:$0x1];
	p0 =	sne.s32 s2, $0x0  }
0x73: {  	s3 =	rddreg [dreg:$0x2];
	[bflag:$0x3] =	sbarrier.arrive $0xFFFF;
	s2 =	simm.s32 @!p0 $0x1C02  }
0x74: {  	[timem:s3], [sflag:s2] =	dma.local @!p0 [hbm:s0], s1  }
0x75: {  	s0 =	simm.s32 @!p0 $0x2  }
0x76: {  	_ =	swait.ge @!p0 [sflag:s0], s1  }
0x77: {  	s1 =	ssub.s32 @!p0 $0x0, s1;
	[sflag:s0] =	ssyncset.done @!p0 $0x0  }
0x78: {  	[sflag:s0] =	ssyncadd.s32 @!p0 s1  }
0x79: {  	[bflag:$0x3] =	sbarrier.arrive $0xFFFF  }
0x7a: {  	_ =	shalt  }

// kernel: kernel.9.cloned.1.call-start
scs
__scs_entry_jumppad:
0x0: {  	(pc) =	sbr.rel $0x88, $3  }
0x1: {  	(tag) =	ssettag $0x0;
	lr =	simm.s32 $0x1  }
0x2: {  	[smem:$0x3F9F] =	sst lr;
	_ =	strace $0xD0000000  }
0x3: {  	_ = 	snop  }
0x4: {  	_ = 	snop  }
0x5: {  	_ = 	snop  }
0x6: {  	_ = 	snop  }
0x7: {  	_ = 	snop  }
__scs_overlays_trampoline_lowered:
0x8: {  	[smem:$0x3FAE] =	sst s0  }
0x9: {  	[smem:$0x3FAF] =	sst s1  }
0xa: {  	[smem:$0x3FB0] =	sst s2  }
0xb: {  	[smem:$0x3FB1] =	sst s3  }
0xc: {  	[smem:$0x3FB2] =	sst s4  }
0xd: {  	[smem:$0x3FB3] =	sst s5  }
0xe: {  	[smem:$0x3FB4] =	sst s6  }
0xf: {  	[smem:$0x3FB5] =	sst s7  }
0x10: {  	[smem:$0x3FB6] =	sst s8  }
0x11: {  	[smem:$0x3FB7] =	sst s9;
	s0 =	simm.s32 @!p0 $0x0  }
0x12: {  	s1 =	sld [smem:$0x3F9D];
	s0 =	simm.s32 @p0 $0x1  }
0x13: {  	[smem:$0x3FB8] =	sst s0;
	s0 =	simm.s32 @!p1 $0x0  }
0x14: {  	s2 =	sld [smem:$0x3F9C];
	s0 =	simm.s32 @p1 $0x1  }
0x15: {  	[smem:$0x3FB9] =	sst s0;
	s0 =	simm.s32 @!p2 $0x0  }
0x16: {  	s3 =	sld [smem:$0x3FDB];
	s0 =	simm.s32 @p2 $0x1  }
0x17: {  	s4 =	simm.s32 $0x1BF5;
	[smem:$0x3FBB] =	sst s0  }
0x18: {  	s0 =	sld [smem:$0x3F9E];
	_ =	swait.ge [sflag:s4], $0x0  }
0x19: {  	s7 =	sld [smem:$0x3F9F]  }
0x1a: {  	s8 =	sadd.s32 $0xFFFFE003, lr  }
0x1b: {  	s9 =	sadd.s32 $0xFFFFFEF7, lr;
	s5 =	simm.s32 $0xFFFFFFFF;
	p2 =	slt.u32 s8, $0xFFFFF086  }
0x1c: {  	p1 =	slt.u32 s9, $0xF7A;
	s5 =	simm.s32 @!p2 $0x0  }
0x1d: {  	s5 =	simm.s32 @p1 $0x1;
	p0 =	seq.s32 s7, s2  }
0x1e: {  	s7 =	smul.u32 @!p0 $0xF7A, s2;
	p2 =	seq.s32 @!p0 s5, $0x0  }
0x1f: {  	s9 =	smul.u32 $0xF7A, s1;
	s8 =	simm.s32 @!p0 $0x1BF5;
	p2 =	por !p2, p0  }
0x20: {  	[sflag:s8] =	ssyncset.s32 @!p0 $0xFFFFF086;
	s6 =	sadd.s32 @!p0 s3, s7;
	s7 =	simm.s32 @!p0 $0x108  }
0x21: {  	s3 =	sadd.s32 s3, s9;
	s6 =	sadd.s32 @!p0 $0x88, s6;
	s7 =	simm.s32 @p2 $0x1082  }
0x22: {  	[simem:s7], [sflag:s8] =	dma.local @!p0 [hbm:s6], $0xF7A  }
0x23: {  	s9 =	sor.u32 $0xD0000000, s2;
	s6 =	simm.s32 $0x108;
	_ =	swait.ge @!p0 [sflag:s8], $0x0  }
0x24: {  	s3 =	sadd.s32 $0x88, s3;
	s6 =	simm.s32 @!p1 $0x1082;
	[sflag:s4] =	ssyncset.s32 $0xFFFFF086  }
0x25: {  	[simem:s6], [sflag:s4] =	dma.local [hbm:s3], $0xF7A  }
0x26: {  	[smem:$0x3F9F] =	sst s1;
	(tag) =	ssettag s2;
	_ =	strace s9  }
0x27: {  	s1 =	sld [smem:$0x3FAF]  }
0x28: {  	s2 =	sld [smem:$0x3FB0]  }
0x29: {  	s4 =	sld [smem:$0x3FB2]  }
0x2a: {  	p0 =	seq.s32 s5, $0x0;
	s5 =	sld [smem:$0x3FB3]  }
0x2b: {  	s6 =	sld [smem:$0x3FB4]  }
0x2c: {  	s7 =	sld [smem:$0x3FB5]  }
0x2d: {  	s3 =	simm.s32 $0x108;
	s8 =	sld [smem:$0x3FB6]  }
0x2e: {  	s3 =	simm.s32 @!p0 $0x1082;
	s9 =	sld [smem:$0x3FB7]  }
0x2f: {  	lr =	sadd.s32 s0, s3;
	s0 =	sld [smem:$0x3FAE]  }
0x30: {  	s3 =	sld [smem:$0x3FB1]  }
0x31: {  	[smem:$0x3FBA] =	sst s10  }
0x32: {  	s10 =	sld [smem:$0x3FB8];
	_ =	sdelay $0x3  }
0x33: {  	p0 =	seq.s32 s10, $0x1;
	s10 =	sld [smem:$0x3FBA];
	_ =	sdelay $0x3  }
0x34: {  	[smem:$0x3FBA] =	sst s10  }
0x35: {  	s10 =	sld [smem:$0x3FB9];
	_ =	sdelay $0x3  }
0x36: {  	p1 =	seq.s32 s10, $0x1;
	s10 =	sld [smem:$0x3FBA];
	_ =	sdelay $0x3  }
0x37: {  	[smem:$0x3FBA] =	sst s10  }
0x38: {  	s10 =	sld [smem:$0x3FBB]  }
0x39: {  	_ = 	snop;
	(pc) =	sbr.ind lr, $3  }
0x3a: {  	_ = 	snop  }
0x3b: {  	_ = 	snop  }
0x3c: {  	p2 =	seq.s32 s10, $0x1;
	s10 =	sld [smem:$0x3FBA]  }
0x3d: {  	_ =	shalt  }
0x3e: {  	_ =	shalt  }
0x3f: {  	_ =	shalt  }
0x40: {  	_ =	shalt  }
0x41: {  	_ =	shalt  }
0x42: {  	_ =	shalt  }
0x43: {  	_ =	shalt  }
0x44: {  	_ =	shalt  }
0x45: {  	_ =	shalt  }
0x46: {  	_ =	shalt  }
0x47: {  	_ =	shalt  }
0x48: {  	_ =	shalt  }
0x49: {  	_ =	shalt  }
0x4a: {  	_ =	shalt  }
0x4b: {  	_ =	shalt  }
0x4c: {  	_ =	shalt  }
0x4d: {  	_ =	shalt  }
0x4e: {  	_ =	shalt  }
0x4f: {  	_ =	shalt  }
0x50: {  	_ =	shalt  }
0x51: {  	_ =	shalt  }
0x52: {  	_ =	shalt  }
0x53: {  	_ =	shalt  }
0x54: {  	_ =	shalt  }
0x55: {  	_ =	shalt  }
0x56: {  	_ =	shalt  }
0x57: {  	_ =	shalt  }
0x58: {  	_ =	shalt  }
0x59: {  	_ =	shalt  }
0x5a: {  	_ =	shalt  }
0x5b: {  	_ =	shalt  }
0x5c: {  	_ =	shalt  }
0x5d: {  	_ =	shalt  }
0x5e: {  	_ =	shalt  }
0x5f: {  	_ =	shalt  }
0x60: {  	_ =	shalt  }
0x61: {  	_ =	shalt  }
0x62: {  	_ =	shalt  }
0x63: {  	_ =	shalt  }
0x64: {  	_ =	shalt  }
0x65: {  	_ =	shalt  }
0x66: {  	_ =	shalt  }
0x67: {  	_ =	shalt  }
0x68: {  	_ =	shalt  }
0x69: {  	_ =	shalt  }
0x6a: {  	_ =	shalt  }
0x6b: {  	_ =	shalt  }
0x6c: {  	_ =	shalt  }
0x6d: {  	_ =	shalt  }
0x6e: {  	_ =	shalt  }
0x6f: {  	_ =	shalt  }
0x70: {  	_ =	shalt  }
0x71: {  	_ =	shalt  }
0x72: {  	_ =	shalt  }
0x73: {  	_ =	shalt  }
0x74: {  	_ =	shalt  }
0x75: {  	_ =	shalt  }
0x76: {  	_ =	shalt  }
0x77: {  	_ =	shalt  }
0x78: {  	_ =	shalt  }
0x79: {  	_ =	shalt  }
0x7a: {  	_ =	shalt  }
0x7b: {  	_ =	shalt  }
0x7c: {  	_ =	shalt  }
0x7d: {  	_ =	shalt  }
0x7e: {  	_ =	shalt  }
0x7f: {  	_ =	shalt  }
0x80: {  	_ =	shalt  }
0x81: {  	_ =	shalt  }
0x82: {  	_ =	shalt  }
0x83: {  	_ =	shalt  }
0x84: {  	_ =	shalt  }
0x85: {  	_ =	shalt  }
0x86: {  	_ =	shalt  }
0x87: {  	_ =	shalt  }
.Lfunc_end0:
.L_simem_size_0:
called_computation.2_lowered:
.L_overlay_start_0:
0x88: {  	s2 =	sld [smem:$0x3FD9]  }
0x89: {  	s3 =	sld [smem:$0x3FFE];
	_ =	sdelay $0x1  }
0x8a: {  	s1 =	srdreg.scid  }
0x8b: {  	s0 =	sand.u32 $0x1, s1  }
0x8c: {  	s14 =	sshll.u32 s0, $0xA;
	s2 =	sadd.s32 s3, s2  }
0x8d: {  	s2 =	sadd.s32 s2, s14  }
0x8e: {  	[smem:$0x3FC6] =	sst s2  }
0x8f: {  	_ = 	snop  }
0x90: {  	s2 =	sld [smem:$0x3FD0];
	_ =	sdelay $0x2  }
0x91: {  	s4 =	simm.s32 $0xB;
	s5 =	simm.s32 $0x10;
	s15 =	sld [smem:$0x3FC8]  }
0x92: {  	[smem:s5], [sflag:s4] =	dma.local [hbm:s2], $0x1  }
0x93: {  	_ =	swait.eq [sflag:s4], $0x1  }
0x94: {  	[sflag:s4] =	ssyncset.done $0x0  }
0x95: {  	s16 =	sld [smem:$0x11];
	[sflag:s4] =	ssyncadd.s32 $0xFFFFFFFF  }
0x96: {  	s17 =	sld [smem:$0x12];
	(tm) =	ssettm $0x1  }
0x97: {  	s18 =	sld [smem:$0x3FFB];
	_ =	sdelay $0x3  }
0x98: {  	_ =	strace s18  }
0x99: {  	s5 =	sld [smem:$0x3FFC];
	_ =	sdelay $0x3  }
0x9a: {  	_ =	strace s5  }
0x9b: {  	s5 =	sld [smem:$0x3FFD];
	_ =	sdelay $0x3  }
0x9c: {  	_ =	strace s5  }
0x9d: {  	_ =	strace $0x8FFFFFFF  }
0x9e: {  	s19 =	sld [smem:$0x3FDB];
	_ =	sdelay $0x1  }
0x9f: {  	s6 =	simm.s32 $_scs_section_size  }
0xa0: {  	s7 =	simm.s32 $_size__tile_overlayer_lowered;
	s8 =	simm.s32 $_tile_overlayer_lowered  }
0xa1: {  	s22 =	simm.s32 $0x1BFF;
	s21 =	sshll.u32 s8, $0x1;
	s5 =	sadd.s32 s6, s19  }
0xa2: {  	s9 =	simm.s32 $0x0;
	s20 =	sshll.u32 s7, $0x1;
	s7 =	sadd.s32 s21, s5  }
0xa3: {  	[timem:s9], [sflag:s22] =	dma.local [hbm:s7], s20  }
0xa4: {  	_ =	swait.ge [sflag:s22], s20  }
0xa5: {  	s6 =	ssub.s32 $0x0, s20;
	[sflag:s22] =	ssyncset.done $0x0  }
0xa6: {  	[sflag:s22] =	ssyncadd.s32 s6;
	_ =	sdelay $0x1  }
0xa7: {  	s23 =	simm.s32 $0x1B8B  }
0xa8: {  	_ =	swait.ge [sflag:s23], $0x1  }
0xa9: {  	[sflag:s23] =	ssyncset.done $0x0  }
0xaa: {  	s25 =	simm.s32 $0x1B8E;
	s24 =	sld [smem:$0x3FFE];
	[sflag:s23] =	ssyncadd.s32 $0xFFFFFFFF  }
0xab: {  	s26 =	simm.s32 $execute0_lowered;
	[smem:$0x3FD2] =	sst s25  }
0xac: {  	s7 =	sshll.u32 s26, $0x1;
	_ =	strace $0x80000046;
	[dreg:$0x1] =	wrdreg $0xFFFFFFFF  }
0xad: {  	s28 =	simm.s32 $_size_execute0_lowered;
	s5 =	sadd.s32 s5, s7;
	[dreg:$0x0] =	wrdreg $0x0  }
0xae: {  	s7 =	sshll.u32 s28, $0x1;
	[dreg:$0x2] =	wrdreg s5  }
0xaf: {  	[dreg:$0x3] =	wrdreg s7  }
0xb0: {  	[dreg:$0x4] =	wrdreg $0xC0  }
0xb1: {  	_ =	task [dreg:s9], $0x5FFFF  }
0xb2: {  	[dreg:$0x1] =	wrdreg $0xFFFFFFFF  }
0xb3: {  	[dreg:$0x0] =	wrdreg $0x60  }
0xb4: {  	[dreg:$0x2] =	wrdreg s15  }
0xb5: {  	[dreg:$0x3] =	wrdreg s16  }
0xb6: {  	[dreg:$0x4] =	wrdreg s17  }
0xb7: {  	[dreg:$0x5] =	wrdreg s24  }
0xb8: {  	[dreg:$0x6] =	wrdreg $0x9  }
0xb9: {  	_ =	task.clear_ibuf [dreg:s9], $0x7FFFF;
	_ =	strace $0x90000046  }
0xba: {  	s29 =	simm.s32 $0x9;
	_ =	strace $0x80000048  }
0xbb: {  	_ =	swait.ge [sflag:s29], $0x1  }
0xbc: {  	[sflag:s29] =	ssyncadd.s32 $0xFFFFFFFF  }
0xbd: {  	_ =	strace $0x90000048  }
0xbe: {  	_ =	sfence  }
0xbf: {  	s30 =	sld [smem:$0x0];
	_ =	sdelay $0x2  }
0xc0: {  	s31 =	sshll.u32 s1, $0xD;
	s1 =	sshrl.u32 s1, $0x2  }
0xc1: {  	s3 =	sand.u32 $0x4000, s31;
	s1 =	sadd.s32 s1, s30  }
0xc2: {  	s0 =	sor.u32 s3, s0;
	s1 =	sshll.u32 s1, $0x11  }
0xc3: {  	s0 =	sor.u32 s1, s0  }
0xc4: {  	s0 =	sadd.s32 $0x8F2B, s0  }
0xc5: {  	[sflag:s0] =	ssyncadd.remote.s32 $0x1  }
0xc6: {  	_ =	sfence.sel $0xFFFF  }
0xc7: {  	[dreg:$0x0] =	wrdreg $0xFFFFFFFF;
	(pc) =	sbr.abs _section_cstart, $3  }
0xc8: {  	[dreg:$0x1] =	wrdreg $0xFFFFFFFF  }
0xc9: {  	_ =	task.clear_ibuf [dreg:s9], $0x2FFFF;
	_ =	strace $0x9FFFFFFF  }
0xca: {  	(tm) =	ssettm $0x7FFFFFFF  }
0xcb: {  	_ =	shalt  }
tec
execute0_lowered:
.L_overlay_start_1:
0x0: {  	(tag) =	ssettag $0x1  }
0x1: {  	s1 =	rddreg [dreg:$0x0]  }
0x2: {  	s2 =	rddreg [dreg:$0x1]  }
0x3: {  	s5 =	rddreg [dreg:$0x2]  }
0x4: {  	s6 =	rddreg [dreg:$0x3];
	s4 =	simm.s32 $0x0  }
0x5: {  	s3 =	stileid.u32;
	s7 =	srdreg.scid;
	s31 =	simm.s32 $0x880  }
0x6: {  	s14 =	simm.s32 $0x3880;
	s15 =	simm.s32 $0x4080;
	s16 =	simm.s32 $0x4880  }
0x7: {  	s17 =	simm.s32 $0x5080;
	s18 =	simm.s32 $0x5880;
	s19 =	simm.s32 $0x6080  }
0x8: {  	s20 =	simm.s32 $0x6880;
	s21 =	simm.s32 $0x7080;
	s22 =	simm.s32 $0x7880  }
0x9: {  	s23 =	simm.s32 $0x1;
	s28 =	simm.s32 $0x8100;
	s29 =	simm.s32 $0x0  }
0xa: {  	[smem:$0x7FF] =	sst s4;
	s9 =	sshll.u32 s3, $0xA;
	s7 =	sand.u32 $0x1, s7  }
0xb: {  	s8 =	smul.u32 $0x60000, s3;
	s10 =	sadd.s32 s9, s6;
	s11 =	ssub.s32 $0x2, s7  }
0xc: {  	s12 =	sshll.u32 s7, $0x9;
	_ =	strace $0x80000047;
	s7 =	smul.u32 $0x30000, s7  }
0xd: {  	s5 =	sadd.s32 s9, s5;
	[dreg:$0x9] =	wrdreg s31;
	s9 =	simm.s32 $0x1080  }
0xe: {  	s13 =	sshrl.u32 s11, $0x1;
	s10 =	sadd.s32 s12, s10;
	s6 =	sadd.s32 s8, s6  }
0xf: {  	s30 =	sadd.s32 s12, s5;
	s8 =	simm.s32 $0x80;
	s12 =	simm.s32 $0x2880  }
0x10: {  	s24 =	ssub.s32 s11, s13;
	s25 =	sadd.s32 $0x1AC00, s10;
	[dreg:$0x8] =	wrdreg s30  }
0x11: {  	s26 =	sadd.s32 $0x16C00, s10;
	s10 =	sadd.s32 $0x12C00, s10;
	[dreg:$0x5] =	wrdreg s25  }
0x12: {  	s6 =	sadd.s32 s7, s6;
	s7 =	simm.s32 $0x2;
	[dreg:$0x6] =	wrdreg s26  }
0x13: {  	v2 =	vlaneseq.u32;
	s11 =	simm.s32 $0x2080;
	s13 =	simm.s32 $0x3080;
	[dreg:$0x7] =	wrdreg s10  }
0x14: {  	vm0 =	vmmov $0xffff;
	v1 =	vshrl.u32 v2, $0x3;
	s5 =	smax.u32 s24, $0x1;
	s6 =	sadd.s32 $0x1EC00, s6;
	s10 =	simm.s32 $0x1880  }
0x15: {  	v0 =	vand.u32 $0x7, v2;
	v2 =	vor.u32 $0x8, v2;
	v1 =	vmul.u32 $0x8, v1;
	s24 =	simm.s32 $0x800;
	s25 =	simm.s32 $0xC00;
	s26 =	simm.s32 $0x8080  }
.LBB2_1:
0x16: {  	s30 =	smov.u32 s6;
	s31 =	simm.s32 $0x0  }
.LBB2_2:
0x17: {  	s0 =	rddreg [dreg:$0x8]  }
0x18: {  	s0 =	sadd.s32 s31, s0  }
0x19: {  	[tilespmem:s4], [sflag:$0x2] =	stream.linear.gather [hbm4b:s0+s4], $0x80, $0x38;
	[tilespmem:$0x8180] =	vst v63  }
0x1a: {  	_ =	swait.ge [sflag:s7], $0x80  }
0x1b: {  	[sflag:s7] =	ssyncset.done $0x0  }
0x1c: {  	[sflag:s7] =	ssyncadd.s32 $0xFFFFFF80  }
0x1d: {  	v3 =	vld [tilespmem:$0x0];
	_ =	sdelay $0x4  }
0x1e: {  	v4 =	vshll.u32 v3, $0x1  }
0x1f: {  	v3 =	vand.u32 $0x7, v3;
	v4 =	vand.u32 $0xFFFFFFF0, v4  }
0x20: {  	v3 =	vor.u32 v3, v4  }
0x21: {  	v4 =	vperm.xlane v3, v0;
	_ =	sdelay $0x1  }
0x22: {  	v3 =	vperm.xlane v3, v2;
	v4 =	vadd.s32 v1, v4;
	_ =	sdelay $0x1  }
0x23: {  	v3 =	vadd.s32 v1, v3;
	_ =	sdelay $0x2  }
0x24: {  	[tilespmem:s8], [sflag:$0x1] =	stream.indirect_vreg.gather [hbm4b:s1+s4], $0x80, v4, vm0, $0xb8;
	[tilespmem:$0x8180] =	vst v63  }
0x25: {  	s0 =	rddreg [dreg:$0x9]  }
0x26: {  	[tilespmem:s0], [sflag:$0x1] =	stream.indirect_vreg.gather [hbm4b:s1+s4], $0x80, v3, vm0, $0xb8;
	[tilespmem:$0x8180] =	vst v63  }
0x27: {  	v3 =	vld [tilespmem:$0x10];
	_ =	sdelay $0x4  }
0x28: {  	v29 =	vshll.u32 v3, $0x1  }
0x29: {  	v3 =	vand.u32 $0x7, v3;
	v4 =	vand.u32 $0xFFFFFFF0, v29  }
0x2a: {  	v3 =	vor.u32 v3, v4  }
0x2b: {  	v4 =	vperm.xlane v3, v0;
	_ =	sdelay $0x1  }
0x2c: {  	v3 =	vperm.xlane v3, v2;
	v4 =	vadd.s32 v1, v4;
	_ =	sdelay $0x1  }
0x2d: {  	v3 =	vadd.s32 v1, v3;
	_ =	sdelay $0x2  }
0x2e: {  	[tilespmem:s9], [sflag:$0x1] =	stream.indirect_vreg.gather [hbm4b:s1+s4], $0x80, v4, vm0, $0xb8;
	[tilespmem:$0x8180] =	vst v63  }
0x2f: {  	_ = 	snop  }
0x30: {  	[tilespmem:s10], [sflag:$0x1] =	stream.indirect_vreg.gather [hbm4b:s1+s4], $0x80, v3, vm0, $0xb8;
	[tilespmem:$0x8180] =	vst v63  }
0x31: {  	v3 =	vld [tilespmem:$0x20];
	_ =	sdelay $0x4  }
0x32: {  	v30 =	vshll.u32 v3, $0x1  }
0x33: {  	v3 =	vand.u32 $0x7, v3;
	v4 =	vand.u32 $0xFFFFFFF0, v30  }
0x34: {  	v3 =	vor.u32 v3, v4  }
0x35: {  	v4 =	vperm.xlane v3, v0;
	_ =	sdelay $0x1  }
0x36: {  	v3 =	vperm.xlane v3, v2;
	v4 =	vadd.s32 v1, v4;
	_ =	sdelay $0x1  }
0x37: {  	v3 =	vadd.s32 v1, v3;
	_ =	sdelay $0x2  }
0x38: {  	[tilespmem:s11], [sflag:$0x1] =	stream.indirect_vreg.gather [hbm4b:s1+s4], $0x80, v4, vm0, $0xb8;
	[tilespmem:$0x8180] =	vst v63  }
0x39: {  	_ = 	snop  }
0x3a: {  	[tilespmem:s12], [sflag:$0x1] =	stream.indirect_vreg.gather [hbm4b:s1+s4], $0x80, v3, vm0, $0xb8;
	[tilespmem:$0x8180] =	vst v63  }
0x3b: {  	v3 =	vld [tilespmem:$0x30];
	_ =	sdelay $0x4  }
0x3c: {  	v31 =	vshll.u32 v3, $0x1  }
0x3d: {  	v3 =	vand.u32 $0x7, v3;
	v4 =	vand.u32 $0xFFFFFFF0, v31  }
0x3e: {  	v3 =	vor.u32 v3, v4  }
0x3f: {  	v4 =	vperm.xlane v3, v0;
	_ =	sdelay $0x1  }
0x40: {  	v3 =	vperm.xlane v3, v2;
	v4 =	vadd.s32 v1, v4;
	_ =	sdelay $0x1  }
0x41: {  	v3 =	vadd.s32 v1, v3;
	_ =	sdelay $0x2  }
0x42: {  	[tilespmem:s13], [sflag:$0x1] =	stream.indirect_vreg.gather [hbm4b:s1+s4], $0x80, v4, vm0, $0xb8;
	[tilespmem:$0x8180] =	vst v63  }
0x43: {  	_ = 	snop  }
0x44: {  	[tilespmem:s14], [sflag:$0x1] =	stream.indirect_vreg.gather [hbm4b:s1+s4], $0x80, v3, vm0, $0xb8;
	[tilespmem:$0x8180] =	vst v63  }
0x45: {  	v3 =	vld [tilespmem:$0x40];
	_ =	sdelay $0x4  }
0x46: {  	v32 =	vshll.u32 v3, $0x1  }
0x47: {  	v3 =	vand.u32 $0x7, v3;
	v4 =	vand.u32 $0xFFFFFFF0, v32  }
0x48: {  	v3 =	vor.u32 v3, v4  }
0x49: {  	v4 =	vperm.xlane v3, v0;
	_ =	sdelay $0x1  }
0x4a: {  	v3 =	vperm.xlane v3, v2;
	v4 =	vadd.s32 v1, v4;
	_ =	sdelay $0x1  }
0x4b: {  	v3 =	vadd.s32 v1, v3;
	_ =	sdelay $0x2  }
0x4c: {  	[tilespmem:s15], [sflag:$0x1] =	stream.indirect_vreg.gather [hbm4b:s1+s4], $0x80, v4, vm0, $0xb8;
	[tilespmem:$0x8180] =	vst v63  }
0x4d: {  	_ = 	snop  }
0x4e: {  	[tilespmem:s16], [sflag:$0x1] =	stream.indirect_vreg.gather [hbm4b:s1+s4], $0x80, v3, vm0, $0xb8;
	[tilespmem:$0x8180] =	vst v63  }
0x4f: {  	v3 =	vld [tilespmem:$0x50];
	_ =	sdelay $0x4  }
0x50: {  	v33 =	vshll.u32 v3, $0x1  }
0x51: {  	v3 =	vand.u32 $0x7, v3;
	v4 =	vand.u32 $0xFFFFFFF0, v33  }
0x52: {  	v3 =	vor.u32 v3, v4  }
0x53: {  	v4 =	vperm.xlane v3, v0;
	_ =	sdelay $0x1  }
0x54: {  	v3 =	vperm.xlane v3, v2;
	v4 =	vadd.s32 v1, v4;
	_ =	sdelay $0x1  }
0x55: {  	v3 =	vadd.s32 v1, v3;
	_ =	sdelay $0x2  }
0x56: {  	[tilespmem:s17], [sflag:$0x1] =	stream.indirect_vreg.gather [hbm4b:s1+s4], $0x80, v4, vm0, $0xb8;
	[tilespmem:$0x8180] =	vst v63  }
0x57: {  	_ = 	snop  }
0x58: {  	[tilespmem:s18], [sflag:$0x1] =	stream.indirect_vreg.gather [hbm4b:s1+s4], $0x80, v3, vm0, $0xb8;
	[tilespmem:$0x8180] =	vst v63  }
0x59: {  	v3 =	vld [tilespmem:$0x60];
	_ =	sdelay $0x4  }
0x5a: {  	v34 =	vshll.u32 v3, $0x1  }
0x5b: {  	v3 =	vand.u32 $0x7, v3;
	v4 =	vand.u32 $0xFFFFFFF0, v34  }
0x5c: {  	v3 =	vor.u32 v3, v4  }
0x5d: {  	v4 =	vperm.xlane v3, v0;
	_ =	sdelay $0x1  }
0x5e: {  	v3 =	vperm.xlane v3, v2;
	v4 =	vadd.s32 v1, v4;
	_ =	sdelay $0x1  }
0x5f: {  	v3 =	vadd.s32 v1, v3;
	_ =	sdelay $0x2  }
0x60: {  	[tilespmem:s19], [sflag:$0x1] =	stream.indirect_vreg.gather [hbm4b:s1+s4], $0x80, v4, vm0, $0xb8;
	[tilespmem:$0x8180] =	vst v63  }
0x61: {  	_ = 	snop  }
0x62: {  	[tilespmem:s20], [sflag:$0x1] =	stream.indirect_vreg.gather [hbm4b:s1+s4], $0x80, v3, vm0, $0xb8;
	[tilespmem:$0x8180] =	vst v63  }
0x63: {  	v3 =	vld [tilespmem:$0x70];
	_ =	sdelay $0x4  }
0x64: {  	v35 =	vshll.u32 v3, $0x1  }
0x65: {  	v3 =	vand.u32 $0x7, v3;
	v4 =	vand.u32 $0xFFFFFFF0, v35  }
0x66: {  	v3 =	vor.u32 v3, v4  }
0x67: {  	v4 =	vperm.xlane v3, v0;
	_ =	sdelay $0x1  }
0x68: {  	v3 =	vperm.xlane v3, v2;
	v4 =	vadd.s32 v1, v4;
	_ =	sdelay $0x1  }
0x69: {  	v3 =	vadd.s32 v1, v3;
	_ =	sdelay $0x2  }
0x6a: {  	[tilespmem:s21], [sflag:$0x1] =	stream.indirect_vreg.gather [hbm4b:s1+s4], $0x80, v4, vm0, $0xb8;
	[tilespmem:$0x8180] =	vst v63  }
0x6b: {  	_ = 	snop  }
0x6c: {  	[tilespmem:s22], [sflag:$0x1] =	stream.indirect_vreg.gather [hbm4b:s1+s4], $0x80, v3, vm0, $0xb8;
	[tilespmem:$0x8180] =	vst v63  }
0x6d: {  	_ =	swait.ge [sflag:s23], $0x8000  }
0x6e: {  	[sflag:s23] =	ssyncset.done $0x0  }
0x6f: {  	[sflag:s23] =	ssyncadd.s32 $0xFFFF8000  }
0x70: {  	[hbm4b:s30+s24] =	stream.strided.scatter [tilespmem:s8], [sflag:$0x2], $0x8000, s25, s24, $0x38;
	[tilespmem:$0x8180] =	vst v63  }
0x71: {  	_ =	swait.ge [sflag:s7], $0x8000  }
0x72: {  	[sflag:s7] =	ssyncset.done $0x0  }
0x73: {  	[sflag:s7] =	ssyncadd.s32 $0xFFFF8000  }
0x74: {  	v3 =	vld [tilespmem:$0x0]  }
0x75: {  	v36 =	vld [tilespmem:$0x10]  }
0x76: {  	v6 =	vld [tilespmem:$0x30]  }
0x77: {  	v5 =	vld [tilespmem:$0x20]  }
0x78: {  	v8 =	vld [tilespmem:$0x50]  }
0x79: {  	v7 =	vld [tilespmem:$0x40];
	v3 =	vmul.u32 $0x3, v3  }
0x7a: {  	v37 =	vld [tilespmem:$0x70];
	v4 =	vmul.u32 $0x3, v36  }
0x7b: {  	v9 =	vld [tilespmem:$0x60];
	v38 =	vmul.u32 $0x3, v6;
	[tilespmem:$0x8080] =	vst v3  }
0x7c: {  	v3 =	vmul.u32 $0x3, v5;
	[tilespmem:$0x8090] =	vst v4  }
0x7d: {  	v39 =	vmul.u32 $0x3, v8;
	[tilespmem:$0x80B0] =	vst v38  }
0x7e: {  	[tilespmem:$0x80A0] =	vst v3;
	v3 =	vmul.u32 $0x3, v7  }
0x7f: {  	v40 =	vmul.u32 $0x3, v37;
	[tilespmem:$0x80D0] =	vst v39  }
0x80: {  	[tilespmem:$0x80C0] =	vst v3;
	v3 =	vmul.u32 $0x3, v9  }
0x81: {  	[tilespmem:$0x80F0] =	vst v40  }
0x82: {  	[tilespmem:$0x80E0] =	vst v3  }
0x83: {  	[tilespmem:s28], [sflag:$0x1] =	stream.indirect.gather [hbm4b:s2+s8], $0x1, s26, s8, $0xb8;
	[tilespmem:$0x8180] =	vst v63  }
0x84: {  	_ =	swait.ge [sflag:s23], $0x80  }
0x85: {  	s0 =	rddreg [dreg:$0x7];
	[sflag:s23] =	ssyncset.done $0x0  }
0x86: {  	[sflag:s23] =	ssyncadd.s32 $0xFFFFFF80;
	s0 =	sadd.s32 s31, s0  }
0x87: {  	[hbm4b:s0+s4] =	stream.linear.scatter [tilespmem:s28], [sflag:$0x2], $0x80, $0x38;
	[tilespmem:$0x8180] =	vst v63  }
0x88: {  	_ =	swait.ge [sflag:s7], $0x80  }
0x89: {  	[sflag:s7] =	ssyncset.done $0x0  }
0x8a: {  	[sflag:s7] =	ssyncadd.s32 $0xFFFFFF80  }
0x8b: {  	v3 =	vld [tilespmem:$0x0]  }
0x8c: {  	v41 =	vld [tilespmem:$0x10]  }
0x8d: {  	v42 =	vld [tilespmem:$0x20]  }
0x8e: {  	v43 =	vld [tilespmem:$0x30]  }
0x8f: {  	v44 =	vld [tilespmem:$0x40]  }
0x90: {  	v45 =	vld [tilespmem:$0x50];
	v3 =	vmul.u32 $0x3, v3  }
0x91: {  	v46 =	vld [tilespmem:$0x60];
	v4 =	vmul.u32 $0x3, v41  }
0x92: {  	v10 =	vld [tilespmem:$0x70];
	v5 =	vmul.u32 $0x3, v42;
	v3 =	vadd.s32 $0x1, v3  }
0x93: {  	v47 =	vmul.u32 $0x3, v43;
	[tilespmem:$0x8080] =	vst v3;
	v3 =	vadd.s32 $0x1, v4  }
0x94: {  	v48 =	vmul.u32 $0x3, v44;
	[tilespmem:$0x8090] =	vst v3;
	v3 =	vadd.s32 $0x1, v5  }
0x95: {  	v49 =	vmul.u32 $0x3, v45;
	[tilespmem:$0x80A0] =	vst v3;
	v3 =	vadd.s32 $0x1, v47  }
0x96: {  	v50 =	vmul.u32 $0x3, v46;
	[tilespmem:$0x80B0] =	vst v3;
	v3 =	vadd.s32 $0x1, v48  }
0x97: {  	v51 =	vmul.u32 $0x3, v10;
	[tilespmem:$0x80C0] =	vst v3;
	v3 =	vadd.s32 $0x1, v49  }
0x98: {  	[tilespmem:$0x80D0] =	vst v3;
	v3 =	vadd.s32 $0x1, v50  }
0x99: {  	[tilespmem:$0x80E0] =	vst v3;
	v3 =	vadd.s32 $0x1, v51  }
0x9a: {  	[tilespmem:$0x80F0] =	vst v3  }
0x9b: {  	[tilespmem:s28], [sflag:$0x1] =	stream.indirect.gather [hbm4b:s2+s8], $0x1, s26, s8, $0xb8;
	[tilespmem:$0x8180] =	vst v63  }
0x9c: {  	_ =	swait.ge [sflag:s23], $0x80  }
0x9d: {  	s0 =	rddreg [dreg:$0x6];
	[sflag:s23] =	ssyncset.done $0x0  }
0x9e: {  	[sflag:s23] =	ssyncadd.s32 $0xFFFFFF80;
	s0 =	sadd.s32 s31, s0  }
0x9f: {  	[hbm4b:s0+s4] =	stream.linear.scatter [tilespmem:s28], [sflag:$0x2], $0x80, $0x38;
	[tilespmem:$0x8180] =	vst v63  }
0xa0: {  	_ =	swait.ge [sflag:s7], $0x80  }
0xa1: {  	[sflag:s7] =	ssyncset.done $0x0  }
0xa2: {  	[sflag:s7] =	ssyncadd.s32 $0xFFFFFF80  }
0xa3: {  	v3 =	vld [tilespmem:$0x0]  }
0xa4: {  	v52 =	vld [tilespmem:$0x10]  }
0xa5: {  	v53 =	vld [tilespmem:$0x20]  }
0xa6: {  	v54 =	vld [tilespmem:$0x30]  }
0xa7: {  	v55 =	vld [tilespmem:$0x40]  }
0xa8: {  	v56 =	vld [tilespmem:$0x50];
	v3 =	vmul.u32 $0x3, v3  }
0xa9: {  	v57 =	vld [tilespmem:$0x60];
	v4 =	vmul.u32 $0x3, v52  }
0xaa: {  	v58 =	vld [tilespmem:$0x70];
	v5 =	vmul.u32 $0x3, v53;
	v3 =	vadd.s32 $0x2, v3  }
0xab: {  	v59 =	vmul.u32 $0x3, v54;
	[tilespmem:$0x8080] =	vst v3;
	v3 =	vadd.s32 $0x2, v4  }
0xac: {  	v60 =	vmul.u32 $0x3, v55;
	[tilespmem:$0x8090] =	vst v3;
	v3 =	vadd.s32 $0x2, v5  }
0xad: {  	v61 =	vmul.u32 $0x3, v56;
	[tilespmem:$0x80A0] =	vst v3;
	v3 =	vadd.s32 $0x2, v59  }
0xae: {  	v62 =	vmul.u32 $0x3, v57;
	[tilespmem:$0x80B0] =	vst v3;
	v3 =	vadd.s32 $0x2, v60  }
0xaf: {  	v63 =	vmul.u32 $0x3, v58;
	[tilespmem:$0x80C0] =	vst v3;
	v3 =	vadd.s32 $0x2, v61  }
0xb0: {  	[tilespmem:$0x80D0] =	vst v3;
	v3 =	vadd.s32 $0x2, v62  }
0xb1: {  	[tilespmem:$0x80E0] =	vst v3;
	v3 =	vadd.s32 $0x2, v63  }
0xb2: {  	[tilespmem:$0x80F0] =	vst v3  }
0xb3: {  	[tilespmem:s28], [sflag:$0x1] =	stream.indirect.gather [hbm4b:s2+s8], $0x1, s26, s8, $0xb8;
	[tilespmem:$0x8180] =	vst v63  }
0xb4: {  	_ =	swait.ge [sflag:s23], $0x80  }
0xb5: {  	p0 =	sne.s32 s31, $0x1F0;
	s0 =	rddreg [dreg:$0x5];
	[sflag:s23] =	ssyncset.done $0x0  }
.Ltmp0:
0xb6: {  	[sflag:s23] =	ssyncadd.s32 $0xFFFFFF80;
	s0 =	sadd.s32 s31, s0;
	(pc) =	sbr.rel @p0 .LBB2_2-.Ltmp0, $4  }
0xb7: {  	[hbm4b:s0+s4] =	stream.linear.scatter [tilespmem:s28], [sflag:$0x2], $0x80, $0x38;
	[tilespmem:$0x8180] =	vst v63  }
0xb8: {  	_ =	swait.ge [sflag:s7], $0x80  }
0xb9: {  	[sflag:s7] =	ssyncset.done $0x0  }
0xba: {  	s30 =	sadd.s32 $0x1800, s30;
	s31 =	sadd.s32 $0x10, s31;
	[sflag:s7] =	ssyncadd.s32 $0xFFFFFF80  }
0xbb: {  	s29 =	sadd.s32 $0x1, s29  }
0xbc: {  	p0 =	sne.s32 s29, s5  }
.Ltmp1:
0xbd: {  	_ = 	snop;
	(pc) =	sbr.rel @p0 .LBB2_1-.Ltmp1, $1  }
0xbe: {  	_ =	sdelay $0x3  }
0xbf: {  	_ =	sfence.sel $0x180000  }
0xc0: {  	[bflag:$0x0] =	sbarrier.arrive $0xFFFF  }
0xc1: {  	_ =	strace $0x90000047  }
0xc2: {  	[bflag:$0x2] =	sbarrier.arrive $0xFFFF  }
0xc3: {  	p0 =	sne.s32 s3, $0x0;
	s0 =	rddreg [dreg:$0x4]  }
0xc4: {  	s0 =	sadd.s32 @!p0 $0x100000, s0  }
0xc5: {  	[sflag:s0] =	ssyncadd.tile.s32 @!p0 $0x1;
	_ =	shalt  }
.Lfunc_end2:
_tile_overlayer_lowered:
.L_overlay_start_2:
0xc6: {  	(tag) =	ssettag $0x2  }
0xc7: {  	s0 =	rddreg [dreg:$0x0];
	s2 =	stileid.u32  }
0xc8: {  	s1 =	rddreg [dreg:$0x1];
	p0 =	sne.s32 s2, $0x0  }
0xc9: {  	s3 =	rddreg [dreg:$0x2];
	[bflag:$0x3] =	sbarrier.arrive $0xFFFF;
	s2 =	simm.s32 @!p0 $0x1C02  }
0xca: {  	[timem:s3], [sflag:s2] =	dma.local @!p0 [hbm:s0], s1  }
0xcb: {  	s0 =	simm.s32 @!p0 $0x2  }
0xcc: {  	_ =	swait.ge @!p0 [sflag:s0], s1  }
0xcd: {  	s1 =	ssub.s32 @!p0 $0x0, s1;
	[sflag:s0] =	ssyncset.done @!p0 $0x0  }
0xce: {  	[sflag:s0] =	ssyncadd.s32 @!p0 s1  }
0xcf: {  	[bflag:$0x3] =	sbarrier.arrive $0xFFFF  }
0xd0: {  	_ =	shalt  }

// kernel: sparse-core-data-format-call.cloned.1.call-start
scs
called_computation_lowered:
.L_overlay_start_0:
0x0: {  	s2 =	sld [smem:$0x3FD9]  }
0x1: {  	s3 =	sld [smem:$0x3FFE];
	_ =	sdelay $0x1  }
0x2: {  	s1 =	srdreg.scid  }
0x3: {  	s0 =	sand.u32 $0x1, s1  }
0x4: {  	s15 =	sshll.u32 s0, $0xA;
	s2 =	sadd.s32 s3, s2  }
0x5: {  	s2 =	sadd.s32 s2, s15  }
0x6: {  	[smem:$0x3FC6] =	sst s2  }
0x7: {  	_ = 	snop  }
0x8: {  	s2 =	sld [smem:$0x3FD0];
	_ =	sdelay $0x2  }
0x9: {  	s16 =	simm.s32 $0xB;
	s4 =	simm.s32 $0x10  }
0xa: {  	[smem:s4], [sflag:s16] =	dma.local [hbm:s2], $0x1  }
0xb: {  	_ =	swait.eq [sflag:s16], $0x1  }
0xc: {  	[sflag:s16] =	ssyncset.done $0x0  }
0xd: {  	[sflag:s16] =	ssyncadd.s32 $0xFFFFFFFF  }
0xe: {  	s17 =	sld [smem:$0x13];
	(tm) =	ssettm $0x1  }
0xf: {  	s18 =	sld [smem:$0x3FFB];
	_ =	sdelay $0x3  }
0x10: {  	_ =	strace s18  }
0x11: {  	s3 =	sld [smem:$0x3FFC];
	_ =	sdelay $0x3  }
0x12: {  	_ =	strace s3  }
0x13: {  	s3 =	sld [smem:$0x3FFD];
	_ =	sdelay $0x3  }
0x14: {  	_ =	strace s3  }
0x15: {  	_ =	strace $0x8FFFFFFF  }
0x16: {  	s19 =	sld [smem:$0x3FDB];
	_ =	sdelay $0x1  }
0x17: {  	s20 =	simm.s32 $_scs_section_size  }
0x18: {  	s5 =	simm.s32 $_size__tile_overlayer_lowered;
	s6 =	simm.s32 $_tile_overlayer_lowered  }
0x19: {  	s23 =	simm.s32 $0x1BFF;
	s22 =	sshll.u32 s6, $0x1;
	s3 =	sadd.s32 s20, s19  }
0x1a: {  	s7 =	simm.s32 $0x0;
	s21 =	sshll.u32 s5, $0x1;
	s5 =	sadd.s32 s22, s3  }
0x1b: {  	[timem:s7], [sflag:s23] =	dma.local [hbm:s5], s21  }
0x1c: {  	_ =	swait.ge [sflag:s23], s21  }
0x1d: {  	s4 =	ssub.s32 $0x0, s21;
	[sflag:s23] =	ssyncset.done $0x0  }
0x1e: {  	[sflag:s23] =	ssyncadd.s32 s4;
	_ =	sdelay $0x1  }
0x1f: {  	s24 =	simm.s32 $0x1B8B  }
0x20: {  	_ =	swait.ge [sflag:s24], $0x1  }
0x21: {  	[sflag:s24] =	ssyncset.done $0x0  }
0x22: {  	s26 =	simm.s32 $0x1B8E;
	s25 =	sld [smem:$0x3FFE];
	[sflag:s24] =	ssyncadd.s32 $0xFFFFFFFF  }
0x23: {  	s27 =	simm.s32 $execute0_lowered;
	[smem:$0x3FD2] =	sst s26  }
0x24: {  	s5 =	sshll.u32 s27, $0x1;
	_ =	strace $0x80000049;
	[dreg:$0x1] =	wrdreg $0xFFFFFFFF  }
0x25: {  	s28 =	simm.s32 $_size_execute0_lowered;
	s3 =	sadd.s32 s3, s5;
	[dreg:$0x0] =	wrdreg $0x0  }
0x26: {  	s5 =	sshll.u32 s28, $0x1;
	[dreg:$0x2] =	wrdreg s3  }
0x27: {  	[dreg:$0x3] =	wrdreg s5  }
0x28: {  	[dreg:$0x4] =	wrdreg $0xC0  }
0x29: {  	_ =	task [dreg:s7], $0x5FFFF  }
0x2a: {  	[dreg:$0x1] =	wrdreg $0xFFFFFFFF  }
0x2b: {  	[dreg:$0x0] =	wrdreg $0x60  }
0x2c: {  	[dreg:$0x2] =	wrdreg s25  }
0x2d: {  	[dreg:$0x3] =	wrdreg s17  }
0x2e: {  	[dreg:$0x4] =	wrdreg $0x9  }
0x2f: {  	_ =	task.clear_ibuf [dreg:s7], $0x5FFFF;
	_ =	strace $0x90000049  }
0x30: {  	s29 =	simm.s32 $0x9;
	_ =	strace $0x8000004B  }
0x31: {  	_ =	swait.ge [sflag:s29], $0x1  }
0x32: {  	[sflag:s29] =	ssyncadd.s32 $0xFFFFFFFF  }
0x33: {  	_ =	strace $0x9000004B  }
0x34: {  	_ =	sfence  }
0x35: {  	s30 =	sld [smem:$0x0];
	_ =	sdelay $0x2  }
0x36: {  	s31 =	sshll.u32 s1, $0xD;
	s1 =	sshrl.u32 s1, $0x2  }
0x37: {  	s3 =	sand.u32 $0x4000, s31;
	s1 =	sadd.s32 s1, s30  }
0x38: {  	s0 =	sor.u32 s3, s0;
	s1 =	sshll.u32 s1, $0x11  }
0x39: {  	s0 =	sor.u32 s1, s0  }
0x3a: {  	s0 =	sadd.s32 $0x8F2B, s0  }
0x3b: {  	[sflag:s0] =	ssyncadd.remote.s32 $0x1  }
0x3c: {  	_ =	sfence.sel $0xFFFF  }
0x3d: {  	[dreg:$0x0] =	wrdreg $0xFFFFFFFF;
	(pc) =	sbr.abs _section_cstart, $3  }
0x3e: {  	[dreg:$0x1] =	wrdreg $0xFFFFFFFF  }
0x3f: {  	_ =	task.clear_ibuf [dreg:s7], $0x2FFFF;
	_ =	strace $0x9FFFFFFF  }
0x40: {  	(tm) =	ssettm $0x7FFFFFFF  }
0x41: {  	_ =	shalt  }
tec
execute0_lowered:
.L_overlay_start_1:
0x0: {  	(tag) =	ssettag $0x1  }
0x1: {  	s0 =	stileid.u32;
	s5 =	rddreg [dreg:$0x0]  }
0x2: {  	s1 =	srdreg.scid;
	s3 =	rddreg [dreg:$0x1];
	s6 =	simm.s32 $0x1  }
0x3: {  	s8 =	simm.s32 $0x2;
	s19 =	simm.s32 $0x0;
	s9 =	simm.s32 $0x8000  }
0x4: {  	s21 =	simm.s32 $0x0;
	s2 =	sshll.u32 s0, $0x5;
	s1 =	sshll.u32 s1, $0x9  }
0x5: {  	s20 =	simm.s32 $0x0;
	s22 =	simm.s32 $0x0;
	s1 =	sor.u32 s2, s1  }
0x6: {  	s10 =	simm.s32 $0x0;
	s11 =	simm.s32 $0x0;
	s2 =	sand.u32 $0x380, s1  }
0x7: {  	s12 =	simm.s32 $0x0;
	s13 =	simm.s32 $0x0;
	s4 =	ssub.s32 $0x400, s2  }
0x8: {  	s14 =	simm.s32 $0x0;
	s15 =	simm.s32 $0x0;
	s31 =	sand.u32 $0x380, s4  }
0x9: {  	s18 =	simm.s32 $0x0;
	s7 =	sand.u32 $0x3, s0;
	p0 =	sne.s32 s31, $0x0  }
.Ltmp0:
0xa: {  	s4 =	sshrl.u32 s4, $0xA;
	s6 =	simm.s32 @!p0 $0x0;
	(pc) =	sbr.rel .LBB1_1-.Ltmp0, $4  }
0xb: {  	s1 =	rddreg [dreg:$0x2];
	_ =	strace $0x8000004A;
	s6 =	sadd.s32 s6, s4  }
0xc: {  	s4 =	sadd.s32 $0x1EC00, s5;
	s5 =	simm.s32 $0x1;
	s6 =	smul.u32 $0x60, s6  }
0xd: {  	s17 =	smov.u32 s7;
	s16 =	smov.u32 s2;
	[sflag:s5] =	ssyncpa.u1 $0x0  }
0xe: {  	p0 =	por $0x0, $0x0;
	[sflag:s8] =	ssyncpa.u1 $0x0;
	s8 =	sor.u32 $0x1, s6  }
.LBB1_4:
0xf: {  	[tilespmem:s25+$0x2040 ss:$0x81] =	vst.msk $0xffff, v4  }
0x10: {  	s28 =	sshll.u32 s11, $0xA;
	[tilespmem:s25+$0x2850 ss:$0x81] =	vst.msk $0xffff, v3  }
0x11: {  	s27 =	sshra.s32 s27, $0x2;
	s29 =	sshll.u32 s12, $0x3;
	p1 =	sgt.s32 s13, $0x3;
	[tilespmem:s25+$0x3060 ss:$0x81] =	vst.msk $0xffff, v2  }
0x12: {  	s30 =	smov.u32 s13;
	s31 =	sshra.s32 s13, $0x1F;
	[tilespmem:s25+$0x0 ss:$0x81] =	vst.msk $0xffff, v0;
	s25 =	sand.u32 $0x78, s12  }
0x13: {  	s28 =	sand.u32 $0x6000, s28;
	s29 =	sand.u32 $0x7C00, s29;
	s30 =	simm.s32 @!p1 $0x3  }
0x14: {  	s31 =	sand.u32 s31, s13;
	s26 =	sadd.s32 s27, s26;
	p1 =	sgt.s32 s12, $0x380  }
0x15: {  	s27 =	sadd.s32 s29, s28;
	s28 =	ssub.s32 s30, s31;
	s30 =	smov.u32 s12  }
0x16: {  	s31 =	sshra.s32 s12, $0x1F;
	s29 =	sadd.s32 $0xFFFFFFFD, s28;
	s30 =	simm.s32 @!p1 $0x380  }
0x17: {  	p1 =	sgt.s32 s11, $0x1F;
	p2 =	sgt.s32 s29, $0x0;
	s29 =	sand.u32 s31, s12  }
0x18: {  	s31 =	smov.u32 s11;
	s29 =	ssub.s32 s30, s29;
	s30 =	sshra.s32 s11, $0x1F  }
0x19: {  	s28 =	ssub.s32 $0x4, s28;
	s31 =	simm.s32 @!p1 $0x1F;
	s30 =	sand.u32 s30, s11  }
0x1a: {  	s28 =	simm.s32 @p2 $0x0;
	s30 =	ssub.s32 s31, s30;
	s31 =	sadd.s32 $0xFFFFFC80, s29  }
0x1b: {  	v5 =	vld [tilespmem:s24+$0xFFFFFFD0];
	s29 =	ssub.s32 $0x400, s29;
	p1 =	sgt.s32 s31, $0x7F;
	s31 =	sadd.s32 $0xFFFFFFE1, s30  }
0x1c: {  	v58 =	vld [tilespmem:s24+$0xFFFFFFE0];
	p2 =	sgt.s32 s10, $0x83;
	s29 =	simm.s32 @p1 $0x0;
	p1 =	sgt.s32 s31, $0x0  }
0x1d: {  	v59 =	vld [tilespmem:s24+$0xFFFFFFF0];
	s31 =	smov.u32 s10;
	s28 =	smul.u32 s28, s29;
	s29 =	sshra.s32 s10, $0x1F  }
0x1e: {  	v60 =	vld [tilespmem:s24+$0x0];
	s30 =	ssub.s32 $0x20, s30;
	s31 =	simm.s32 @!p2 $0x83;
	s29 =	sand.u32 s29, s10  }
0x1f: {  	v61 =	vld [tilespmem:s24+$0x10];
	[tilespmem:s26+$0x3870 ss:$0x81] =	vst.msk $0xffff, v1;
	s30 =	simm.s32 @p1 $0x0;
	s29 =	ssub.s32 s31, s29;
	s31 =	sshll.u32 s11, $0x7  }
0x20: {  	v62 =	vld [tilespmem:s24+$0x20];
	s27 =	sshrl.u32 s27, $0x3;
	[tilespmem:s26+$0x810 ss:$0x81] =	vst.msk $0xffff, v5;
	s28 =	smul.u32 s30, s28;
	s31 =	sand.u32 $0x380, s31  }
0x21: {  	v63 =	vld [tilespmem:s24+$0xFFFFFFC0];
	[tilespmem:s26+$0x1020 ss:$0x81] =	vst.msk $0xffff, v58;
	s30 =	sadd.s32 $0xFFFFFF7D, s29;
	s24 =	ssub.s32 $0x103, s29;
	s29 =	smul.u32 $0x103000, s13  }
0x22: {  	[tilespmem:s26+$0x1830 ss:$0x81] =	vst.msk $0xffff, v59;
	p1 =	sgt.s32 s30, $0x7F;
	s25 =	sor.u32 s25, s31;
	s30 =	sshll.u32 s10, $0xC  }
0x23: {  	[tilespmem:s26+$0x2040 ss:$0x81] =	vst.msk $0xffff, v60;
	s31 =	sand.u32 $0x7, s12;
	s24 =	simm.s32 @p1 $0x0;
	s29 =	sadd.s32 s3, s29  }
0x24: {  	[tilespmem:s26+$0x2850 ss:$0x81] =	vst.msk $0xffff, v61;
	s25 =	sshrl.u32 s25, $0x3;
	s24 =	smul.u32 s24, s28;
	s28 =	sadd.s32 s30, s29  }
0x25: {  	s27 =	sand.u32 $0xF80, s27;
	[tilespmem:s26+$0x3060 ss:$0x81] =	vst.msk $0xffff, v62;
	s30 =	sshll.u32 s31, $0x12;
	s25 =	sadd.s32 s25, s28  }
0x26: {  	[tilespmem:s26+$0x0 ss:$0x81] =	vst.msk $0xffff, v63;
	s31 =	sor.u32 $0x80, s30;
	s24 =	sand.u32 $0x3FFFFFFF, s24;
	s25 =	sadd.s32 s27, s25  }
0x27: {  	[hbm4b:s25+s31] =	stream.strided.scatter [tilespmem:s23], [sflag:$0x2], s24, s9, s31, $0x20;
	[tilespmem:$0x10100] =	vst v63  }
.LBB1_5:
0x28: {  	p1 =	slt.u32 s18, $0x2  }
0x29: {  	p2 =	sgt.s32 @!p1 s22, $0x3  }
0x2a: {  	s23 =	smov.u32 s22;
	s24 =	sshra.s32 @!p1 s22, $0x1F;
	p2 =	por !p2, p1  }
0x2b: {  	s22 =	sand.u32 @!p1 s24, s22;
	s23 =	simm.s32 @p2 $0x3  }
0x2c: {  	s25 =	smov.u32 s16;
	s22 =	ssub.s32 @!p1 s23, s22  }
0x2d: {  	s26 =	smov.u32 s17;
	p0 =	por !p0, !p0;
	s23 =	sadd.s32 @!p1 $0xFFFFFFFD, s22  }
0x2e: {  	p3 =	sgt.s32 @!p1 s21, $0x1F;
	s24 =	sshra.s32 @!p1 s21, $0x1F;
	p2 =	sgt.s32 @!p1 s23, $0x0  }
0x2f: {  	s23 =	smov.u32 s21;
	s21 =	sand.u32 @!p1 s24, s21;
	s24 =	sshra.s32 @!p1 s19, $0x1F  }
0x30: {  	s22 =	ssub.s32 @!p1 $0x4, s22;
	p2 =	por !p2, p1;
	s24 =	sand.u32 @!p1 s24, s19  }
0x31: {  	s22 =	simm.s32 @!p2 $0x0;
	p2 =	por !p3, p1;
	p3 =	sgt.s32 @!p1 s19, $0x83  }
0x32: {  	s23 =	simm.s32 @p2 $0x1F;
	p2 =	sgt.s32 @!p1 s20, $0x380;
	p3 =	por !p3, p1  }
0x33: {  	s21 =	ssub.s32 @!p1 s23, s21;
	s23 =	sshra.s32 @!p1 s20, $0x1F;
	p2 =	por !p2, p1  }
0x34: {  	s19 =	simm.s32 @p3 $0x83;
	s23 =	sand.u32 @!p1 s23, s20;
	s20 =	simm.s32 @p2 $0x380  }
0x35: {  	s19 =	ssub.s32 @!p1 s19, s24;
	s20 =	ssub.s32 @!p1 s20, s23;
	s23 =	sadd.s32 @!p1 $0xFFFFFFE1, s21  }
0x36: {  	s24 =	sadd.s32 @!p1 $0xFFFFFF7D, s19;
	p2 =	sgt.s32 @!p1 s23, $0x0;
	s23 =	sadd.s32 @!p1 $0xFFFFFC80, s20  }
0x37: {  	s21 =	ssub.s32 @!p1 $0x20, s21;
	s20 =	ssub.s32 @!p1 $0x400, s20;
	p3 =	sgt.s32 @!p1 s23, $0x7F  }
0x38: {  	p2 =	por !p2, p1;
	s23 =	sadd.s32 $0x80, s14;
	p3 =	por !p3, p1  }
0x39: {  	s21 =	simm.s32 @!p2 $0x0;
	p2 =	sgt.s32 s23, $0x102;
	s20 =	simm.s32 @!p3 $0x0  }
0x3a: {  	p3 =	sgt.s32 @!p1 s24, $0x7F;
	s20 =	smul.u32 @!p1 s22, s20;
	s22 =	simm.s32 $0x1  }
0x3b: {  	s19 =	ssub.s32 @!p1 $0x103, s19;
	p3 =	por !p3, p1;
	s22 =	simm.s32 @!p2 $0x0  }
0x3c: {  	s27 =	simm.s32 @!p1 $0x2;
	s19 =	simm.s32 @!p3 $0x0;
	s24 =	sadd.s32 s22, s15  }
0x3d: {  	s20 =	smul.u32 @!p1 s21, s20;
	s21 =	sadd.s32 $0x400, s16;
	p3 =	sgt.s32 s24, $0x1F  }
0x3e: {  	s23 =	simm.s32 @p2 $0x0;
	s22 =	smov.u32 s13;
	s25 =	smov.u32 @p3 s21  }
0x3f: {  	s19 =	smul.u32 @!p1 s19, s20;
	s20 =	sadd.s32 $0x4, s17;
	p2 =	sgt.s32 s25, $0x3FF  }
0x40: {  	s13 =	smov.u32 s17;
	s24 =	simm.s32 @p3 $0x0;
	s26 =	smov.u32 @p2 s20  }
0x41: {  	s21 =	smov.u32 s11;
	s25 =	smov.u32 @p2 s2;
	p2 =	sgt.s32 s26, $0x3  }
0x42: {  	s11 =	smov.u32 s15;
	s26 =	smov.u32 @p2 s7;
	p2 =	sne.s32 s18, s8  }
.Ltmp1:
0x43: {  	s15 =	smov.u32 s24;
	s19 =	sand.u32 @!p1 $0x3FFFFFFF, s19;
	(pc) =	sbr.rel @!p2 .LBB1_6-.Ltmp1, $4  }
0x44: {  	s20 =	smov.u32 s12;
	s12 =	smov.u32 s16;
	_ =	swait.ge @!p1 [sflag:s27], s19  }
0x45: {  	s28 =	ssub.s32 @!p1 $0x0, s19;
	s19 =	smov.u32 s10;
	s10 =	smov.u32 s14  }
0x46: {  	s14 =	smov.u32 s23;
	s16 =	smov.u32 s25;
	[sflag:s27] =	ssyncset.done @!p1 $0x0  }
0x47: {  	s18 =	sadd.s32 $0x1, s18;
	[sflag:s27] =	ssyncadd.s32 @!p1 s28;
	s17 =	smov.u32 s26  }
.LBB1_1:
0x48: {  	p1 =	sge.u32 s18, s6  }
0x49: {  	s23 =	sshrl.u32 @!p1 s15, $0x3  }
0x4a: {  	s24 =	sshll.u32 @!p1 s14, $0x3;
	s23 =	smul.u32 @!p1 $0xC00, s23  }
0x4b: {  	s25 =	sshll.u32 @!p1 s15, $0x7;
	s24 =	sand.u32 @!p1 $0xFFFFFC00, s24  }
0x4c: {  	s23 =	sadd.s32 @!p1 s23, s24;
	s24 =	sand.u32 @!p1 $0x380, s25  }
0x4d: {  	s25 =	sand.u32 @!p1 $0x7F, s14;
	s23 =	sor.u32 @!p1 s24, s23  }
0x4e: {  	s24 =	sor.u32 @!p1 s25, s23  }
0x4f: {  	s25 =	smulhi.u32 @!p1 $0xAAAAAAAB, s24  }
0x50: {  	s23 =	smulhi.u32 @!p1 $0xAAAAAAAB, s23  }
0x51: {  	s31 =	sadd.s32 $0xFFFFFFFF, s18;
	s27 =	smul.u32 @!p1 $0x180000, s17;
	s25 =	sshrl.u32 @!p1 s25, $0x8  }
0x52: {  	s26 =	sxor.u32 @!p1 $0xFFFFFFFF, s18;
	s23 =	sshrl.u32 @!p1 s23, $0x8;
	s25 =	smul.u32 @!p1 $0x180, s25  }
0x53: {  	s28 =	smul.u32 @!p1 $0x600, s16;
	s26 =	sshll.u32 @!p1 s26, $0xE;
	s23 =	sand.u32 @!p1 $0x1F, s23  }
0x54: {  	s23 =	smul.u32 @!p1 $0x30, s23;
	s24 =	ssub.s32 @!p1 s24, s25;
	s25 =	sadd.s32 @!p1 s4, s27  }
0x55: {  	s26 =	sand.u32 @!p1 $0x4000, s26;
	s25 =	sadd.s32 @!p1 s28, s25;
	s27 =	sand.u32 @!p1 $0x7, s24  }
0x56: {  	s24 =	sshrl.u32 @!p1 s24, $0x3;
	s23 =	sadd.s32 @!p1 s23, s25;
	s25 =	sshll.u32 @!p1 s27, $0x12  }
0x57: {  	s23 =	sadd.s32 @!p1 s24, s23;
	s24 =	sor.u32 @!p1 $0x80, s25;
	s25 =	simm.s32 @!p1 $0x3000  }
0x58: {  	[tilespmem:s26], [sflag:$0x1] =	stream.strided.gather @!p1 [hbm4b:s23+s24], $0x4000, s25, s24, $0x38;
	[tilespmem:$0x10100] =	vst v63  }
0x59: {  	p1 =	sge.u32 s31, s6  }
.Ltmp2:
0x5a: {  	_ = 	snop;
	(pc) =	sbr.rel @p1 .LBB1_5-.Ltmp2, $1  }
0x5b: {  	_ =	sdelay $0x3  }
0x5c: {  	s23 =	simm.s32 $0x1  }
0x5d: {  	_ =	swait.ge [sflag:s5], $0x4000;
	s23 =	simm.s32 @!p0 $0x0  }
0x5e: {  	[sflag:s5] =	ssyncset.done $0x0;
	s24 =	sshll.u32 s23, $0xE  }
0x5f: {  	[sflag:s5] =	ssyncadd.s32 $0xFFFFC000;
	s24 =	sor.u32 $0x40, s24  }
0x60: {  	s23 =	smul.u32 $0x10200, s23;
	v0 =	vld [tilespmem:s24+$0x30]  }
0x61: {  	v1 =	vld [tilespmem:s24+$0xFFFFFFD0]  }
0x62: {  	s23 =	sshrl.u32 s23, $0x2;
	v5 =	vld [tilespmem:s24+$0xFFFFFFE0]  }
0x63: {  	v6 =	vld [tilespmem:s24+$0xFFFFFFF0];
	s26 =	sor.u32 $0x8000, s23  }
0x64: {  	s31 =	sand.u32 $0x1, s18;
	v4 =	vld [tilespmem:s24+$0x0];
	s25 =	sadd.s32 $0x0, s26  }
0x65: {  	v3 =	vld [tilespmem:s24+$0x10];
	s23 =	smul.u32 $0x10200, s31;
	[tilespmem:s25+$0x3870 ss:$0x81] =	vst.msk $0xffff, v0  }
0x66: {  	v2 =	vld [tilespmem:s24+$0x20];
	[tilespmem:s25+$0x810 ss:$0x81] =	vst.msk $0xffff, v1  }
0x67: {  	s23 =	sshrl.u32 s23, $0x2;
	v0 =	vld [tilespmem:s24+$0xFFFFFFC0];
	[tilespmem:s25+$0x1020 ss:$0x81] =	vst.msk $0xffff, v5;
	s24 =	sadd.s32 $0x80, s24  }
0x68: {  	s27 =	simm.s32 $0x4;
	s28 =	simm.s32 $0x8;
	s23 =	sor.u32 $0x8000, s23;
	[tilespmem:s25+$0x1830 ss:$0x81] =	vst.msk $0xffff, v6;
	v1 =	vld [tilespmem:s24+$0x30]  }
.LBB1_3:
0x69: {  	p1 =	sne.s32 s28, $0x1FC;
	v5 =	vld [tilespmem:s24+$0xFFFFFFD0];
	[tilespmem:s25+$0x2040 ss:$0x81] =	vst.msk $0xffff, v4  }
0x6a: {  	v6 =	vld [tilespmem:s24+$0xFFFFFFE0];
	[tilespmem:s25+$0x2850 ss:$0x81] =	vst.msk $0xffff, v3  }
0x6b: {  	s29 =	sshra.s32 s27, $0x2;
	s27 =	smov.u32 s28;
	v7 =	vld [tilespmem:s24+$0xFFFFFFF0];
	[tilespmem:s25+$0x3060 ss:$0x81] =	vst.msk $0xffff, v2  }
.Ltmp3:
0x6c: {  	v4 =	vld [tilespmem:s24+$0x0];
	[tilespmem:s25+$0x0 ss:$0x81] =	vst.msk $0xffff, v0;
	s25 =	sadd.s32 s29, s26;
	(pc) =	sbr.rel @p1 .LBB1_3-.Ltmp3, $4  }
0x6d: {  	v3 =	vld [tilespmem:s24+$0x10];
	[tilespmem:s25+$0x3870 ss:$0x81] =	vst.msk $0xffff, v1  }
0x6e: {  	[tilespmem:s25+$0x810 ss:$0x81] =	vst.msk $0xffff, v5;
	v2 =	vld [tilespmem:s24+$0x20]  }
0x6f: {  	v0 =	vld [tilespmem:s24+$0xFFFFFFC0];
	[tilespmem:s25+$0x1020 ss:$0x81] =	vst.msk $0xffff, v6;
	s24 =	sadd.s32 $0x80, s24  }
0x70: {  	s28 =	sadd.s32 $0x4, s28;
	v1 =	vld [tilespmem:s24+$0x30];
	[tilespmem:s25+$0x1830 ss:$0x81] =	vst.msk $0xffff, v7  }
.Ltmp4:
0x71: {  	_ = 	snop;
	(pc) =	sbr.rel .LBB1_4-.Ltmp4, $1  }
0x72: {  	_ =	sdelay $0x3  }
.LBB1_6:
0x73: {  	_ =	sfence.sel $0x180000  }
0x74: {  	s2 =	simm.s32 $0x1;
	[bflag:$0x0] =	sbarrier.arrive $0xFFFF  }
0x75: {  	s31 =	simm.s32 $0x2;
	[sflag:s2] =	ssyncpa.u1 $0x1  }
0x76: {  	[sflag:s31] =	ssyncpa.u1 $0x1  }
0x77: {  	p0 =	sne.s32 s0, $0x0;
	_ =	strace $0x9000004A  }
0x78: {  	s0 =	sadd.s32 @!p0 $0x100000, s1;
	[bflag:$0x2] =	sbarrier.arrive $0xFFFF  }
0x79: {  	[sflag:s0] =	ssyncadd.tile.s32 @!p0 $0x1;
	_ =	shalt  }
.Lfunc_end1:
_tile_overlayer_lowered:
.L_overlay_start_2:
0x7a: {  	(tag) =	ssettag $0x2  }
0x7b: {  	s0 =	rddreg [dreg:$0x0];
	s2 =	stileid.u32  }
0x7c: {  	s1 =	rddreg [dreg:$0x1];
	p0 =	sne.s32 s2, $0x0  }
0x7d: {  	s3 =	rddreg [dreg:$0x2];
	[bflag:$0x3] =	sbarrier.arrive $0xFFFF;
	s2 =	simm.s32 @!p0 $0x1C01  }
0x7e: {  	[timem:s3], [sflag:s2] =	dma.local @!p0 [hbm:s0], s1  }
0x7f: {  	s0 =	simm.s32 @!p0 $0x1  }
0x80: {  	_ =	swait.ge @!p0 [sflag:s0], s1  }
0x81: {  	s1 =	ssub.s32 @!p0 $0x0, s1;
	[sflag:s0] =	ssyncset.done @!p0 $0x0  }
0x82: {  	[sflag:s0] =	ssyncadd.s32 @!p0 s1  }
0x83: {  	[bflag:$0x3] =	sbarrier.arrive $0xFFFF  }
0x84: {  	_ =	shalt  }

</sc_bundles>
